<compile_context>
chip_gen: v7x
topology: tpu7x:2x2x1
jax: 0.10.2.dev20260603
libtpu: 0.0.44.dev20260713+nightly
codegen_flags: <defaults>
</compile_context>

<pallas_src>
import jax
import jax.numpy as jnp
from jax import lax
from jax.experimental import pallas as pl
from jax.experimental.pallas import tpu as pltpu
from jax.experimental.pallas import tpu_sc as plsc

N = 10000
E = 320000
IN_DIM = 128
HIDDEN = 16
NUM_CLASSES = 40

D = 48
NC = 2
NS = 16
NW = NC * NS
BLK = 128
BPW = 80
E_PAD = NW * BPW * BLK
ROWS = 10112
RPT = ROWS // NS
NBUF = 8
LEAD = 4

_MESH = plsc.VectorSubcoreMesh(
    core_axis_name="c", subcore_axis_name="s", num_cores=NC, num_subcores=NS
)


def _mlp_body(x_ref, w1_ref, w2_ref, o_ref):
    h = jnp.maximum(
        jnp.dot(x_ref[...], w1_ref[...], preferred_element_type=jnp.float32), 0.0
    )
    o_ref[...] = jnp.dot(h, w2_ref[...], preferred_element_type=jnp.float32)


def _mlp(x, w1, w2p):
    rb = 2000
    return pl.pallas_call(
        _mlp_body,
        grid=(N // rb,),
        in_specs=[
            pl.BlockSpec((rb, IN_DIM), lambda i: (i, 0)),
            pl.BlockSpec((IN_DIM, HIDDEN), lambda i: (0, 0)),
            pl.BlockSpec((HIDDEN, D), lambda i: (0, 0)),
        ],
        out_specs=pl.BlockSpec((rb, D), lambda i: (i, 0)),
        out_shape=jax.ShapeDtypeStruct((ROWS, D), jnp.float32),
    )(x, w1, w2p)


def _combine_body(p_ref, o_ref):
    o_ref[...] = p_ref[0] + p_ref[1]


def _combine(part):
    rb = 1000
    return pl.pallas_call(
        _combine_body,
        grid=(N // rb,),
        in_specs=[pl.BlockSpec((2, rb, D), lambda i: (0, i, 0))],
        out_specs=pl.BlockSpec((rb, D), lambda i: (i, 0)),
        out_shape=jax.ShapeDtypeStruct((ROWS, D), jnp.float32),
    )(part)


def _final_body(p_ref, o_ref):
    s = p_ref[0] + p_ref[1]
    o_ref[...] = s[:, :NUM_CLASSES]


def _final(part):
    rb = 1000
    return pl.pallas_call(
        _final_body,
        grid=(N // rb,),
        in_specs=[pl.BlockSpec((2, rb, D), lambda i: (0, i, 0))],
        out_specs=pl.BlockSpec((rb, NUM_CLASSES), lambda i: (i, 0)),
        out_shape=jax.ShapeDtypeStruct((N, NUM_CLASSES), jnp.float32),
    )(part)


def _sc_round_body(
    table, srcp, dstp, zeros_in, part, idx_s, idx_d, rows, tbl, acc, gsem, ssem
):
    cid = lax.axis_index("c")
    sid = lax.axis_index("s")
    wid = sid * NC + cid

    r0 = sid * RPT
    pltpu.sync_copy(zeros_in.at[pl.ds(r0, RPT)], acc.at[pl.ds(r0, RPT)])
    pltpu.sync_copy(table.at[pl.ds(r0, RPT)], tbl.at[pl.ds(r0, RPT)])

    base = wid * BPW
    pltpu.sync_copy(srcp.at[pl.ds(base, BPW)], idx_s)
    pltpu.sync_copy(dstp.at[pl.ds(base, BPW)], idx_d)
    plsc.subcore_barrier()

    for b in range(LEAD):
        pltpu.async_copy(tbl.at[idx_s.at[b]], rows.at[b], gsem.at[b])

    def grp(g, carry):
        for b in range(NBUF):
            j = g * NBUF + b
            d = (b + LEAD) % NBUF

            @pl.when(j >= LEAD)
            def _():
                pltpu.make_async_copy(
                    rows.at[d], acc.at[idx_d.at[0]], ssem.at[d]
                ).wait()

            @pl.when(j + LEAD < BPW)
            def _():
                pltpu.async_copy(tbl.at[idx_s.at[j + LEAD]], rows.at[d], gsem.at[d])

            pltpu.make_async_copy(tbl.at[idx_s.at[0]], rows.at[b], gsem.at[b]).wait()
            pltpu.async_copy(rows.at[b], acc.at[idx_d.at[j]], ssem.at[b], add=True)

        return carry

    lax.fori_loop(0, BPW // NBUF, grp, 0)

    for x in range(BPW - LEAD, BPW):
        b = x % NBUF
        pltpu.make_async_copy(rows.at[b], acc.at[idx_d.at[0]], ssem.at[b]).wait()
    plsc.subcore_barrier()

    pltpu.sync_copy(acc.at[pl.ds(r0, RPT)], part.at[cid].at[pl.ds(r0, RPT)])


_sc_round = pl.kernel(
    _sc_round_body,
    out_type=jax.ShapeDtypeStruct((NC, ROWS, D), jnp.float32),
    mesh=_MESH,
    scratch_types=[
        pltpu.VMEM((BPW, BLK), jnp.int32),
        pltpu.VMEM((BPW, BLK), jnp.int32),
        pltpu.VMEM((NBUF, BLK, D), jnp.float32),
        pltpu.VMEM_SHARED((ROWS, D), jnp.float32),
        pltpu.VMEM_SHARED((ROWS, D), jnp.float32),
        pltpu.SemaphoreType.DMA((NBUF,)),
        pltpu.SemaphoreType.DMA((NBUF,)),
    ],
    compiler_params=pltpu.CompilerParams(use_tc_tiling_on_sc=False),
)


def kernel(features, edge_index, W1, W2):
    w2p = jnp.pad(W2, ((0, 0), (0, D - NUM_CLASSES)))
    h = _mlp(features, W1, w2p)

    pad = E_PAD - E
    srcp = jnp.concatenate(
        [edge_index[0], jnp.zeros((pad,), jnp.int32)]
    ).reshape(E_PAD // BLK, BLK)
    dstp = jnp.concatenate(
        [edge_index[1], jnp.full((pad,), N, jnp.int32)]
    ).reshape(E_PAD // BLK, BLK)
    zeros_in = jnp.zeros((ROWS, D), jnp.float32)

    part = _sc_round(h, srcp, dstp, zeros_in)
    h1 = _combine(part)
    part = _sc_round(h1, srcp, dstp, zeros_in)
    return _final(part)

# --- scband reference (transcript-rebuilt; emitter-appended) ---
"""Pipeline reference for scband-tensplit-gcnlarge-35519379538691 (READ-ONLY COPY).

The authoritative reference and input builder live on the scoring server;
editing this copy changes nothing except your own understanding.
"""

import jax, jax.numpy as jnp
import numpy as np

N = 10000
E = 320000
IN_DIM = 128
HIDDEN = 16
NUM_CLASSES = 40
NLAYERS = 2


def _xavier_uniform(key, fan_in, fan_out):
    a = float(np.sqrt(6.0 / (fan_in + fan_out)))
    return jax.random.uniform(key, (fan_in, fan_out), dtype=jnp.float32, minval=-a, maxval=a)


def setup_inputs(seed: int = 0) -> dict:
    key = jax.random.key(seed)
    k1, k2, k3, k4 = jax.random.split(key, 4)
    features = jax.random.normal(k1, (N, IN_DIM), dtype=jnp.float32)
    edge_index = jax.random.randint(k2, (2, E), 0, N, dtype=jnp.int32)
    W1 = _xavier_uniform(k3, IN_DIM, HIDDEN)
    W2 = _xavier_uniform(k4, HIDDEN, NUM_CLASSES)
    return {"features": features, "edge_index": edge_index, "W1": W1, "W2": W2}


def reference(features, edge_index, W1, W2):
    # DistNNLayer stack: mm + relu (no relu after last layer)
    h = features @ W1
    h = jax.nn.relu(h)
    h = h @ W2
    # padding so feature dim is divisible by world_size (world_size=1 -> dim_diff=1, pad 1 zero col)
    pad = jnp.zeros((h.shape[0], 1), dtype=h.dtype)
    h = jnp.concatenate([h, pad], axis=1)
    # DistChunkLayer applied nlayers times: z = A @ h via scatter-add over edges
    src = edge_index[0]
    dst = edge_index[1]
    for _ in range(NLAYERS):
        h = jax.ops.segment_sum(h[src], dst, num_segments=N)
    # strip padding
    h = h[:, :-1]
    return h

if __name__ == "__main__":
    import jax
    _d = setup_inputs()
    print(jax.jit(kernel)(*tuple(_d.values())))

</pallas_src>

<mosaic_0001>
#map = affine_map<(d0, d1) -> (0, 0)>
#map1 = affine_map<(d0, d1) -> (0, 0, 0)>
module attributes {stable_mosaic.version = 14 : i64} {
  func.func @_sc_round_body(%arg0: i32, %arg1: i32, %arg2: memref<10112x48xf32, #tpu.memory_space<hbm>>, %arg3: memref<2560x128xi32, #tpu.memory_space<hbm>>, %arg4: memref<2560x128xi32, #tpu.memory_space<hbm>>, %arg5: memref<10112x48xf32, #tpu.memory_space<hbm>>, %arg6: memref<2x10112x48xf32, #tpu.memory_space<hbm>>, %arg7: memref<80x128xi32, #tpu.memory_space<vmem>>, %arg8: memref<80x128xi32, #tpu.memory_space<vmem>>, %arg9: memref<8x128x48xf32, #tpu.memory_space<vmem>>, %arg10: memref<10112x48xf32, #tpu.memory_space<vmem_shared>>, %arg11: memref<10112x48xf32, #tpu.memory_space<vmem_shared>>, %arg12: memref<8x!tpu.dma_semaphore, #tpu.memory_space<semaphore_mem>>, %arg13: memref<8x!tpu.dma_semaphore, #tpu.memory_space<semaphore_mem>>) attributes {dimension_semantics = [#tpu.dimension_semantics<core_parallel>, #tpu.dimension_semantics<subcore_parallel>], iteration_bounds = array<i64: 2, 16>, scalar_prefetch = 0 : i64, scratch_operands = 7 : i64, tpu.core_type = #tpu.core_type<sc_vector_subcore>, window_params = [{transform_indices = #map}, {transform_indices = #map}, {transform_indices = #map}, {transform_indices = #map}, {transform_indices = #map1}]} {
    %mul3A = arith.constant 2 : i32
    %mul3A_0 = arith.muli %arg1, %mul3A : i32
    %add3A = arith.addi %mul3A_0, %arg0 : i32
    %mul3A_1 = arith.constant 632 : i32
    %mul3A_2 = arith.muli %arg1, %mul3A_1 : i32
    "tpu.region"() ({
      %run_scoped3A = tpu.sem_alloc : memref<!tpu.dma_semaphore, #tpu.memory_space<semaphore_mem>>
      %dma_start3A_129 = arith.constant 0 : i32
      %dma_start3A_130 = tpu.memref_slice %arg11[%mul3A_2, %dma_start3A_129] : memref<10112x48xf32, #tpu.memory_space<vmem_shared>> -> memref<632x48xf32, #tpu.memory_space<vmem_shared>>
      %dma_start3A_131 = arith.constant 0 : i32
      %dma_start3A_132 = tpu.memref_slice %arg5[%mul3A_2, %dma_start3A_131] : memref<10112x48xf32, #tpu.memory_space<hbm>> -> memref<632x48xf32, #tpu.memory_space<hbm>>
      tpu.enqueue_dma source(%dma_start3A_132 : memref<632x48xf32, #tpu.memory_space<hbm>>) target(%dma_start3A_130 : memref<632x48xf32, #tpu.memory_space<vmem_shared>>) target_semaphore(%run_scoped3A : memref<!tpu.dma_semaphore, #tpu.memory_space<semaphore_mem>>)
      %dma_wait3A_133 = arith.constant 0 : i32
      %dma_wait3A_134 = tpu.memref_slice %arg11[%mul3A_2, %dma_wait3A_133] : memref<10112x48xf32, #tpu.memory_space<vmem_shared>> -> memref<632x48xf32, #tpu.memory_space<vmem_shared>>
      %dma_wait3A_135 = arith.constant 0 : i32
      %dma_wait3A_136 = tpu.memref_slice %arg5[%mul3A_2, %dma_wait3A_135] : memref<10112x48xf32, #tpu.memory_space<hbm>> -> memref<632x48xf32, #tpu.memory_space<hbm>>
      tpu.wait_dma2 semaphore(%run_scoped3A : memref<!tpu.dma_semaphore, #tpu.memory_space<semaphore_mem>>) src(%dma_wait3A_136 : memref<632x48xf32, #tpu.memory_space<hbm>>) dst(%dma_wait3A_134 : memref<632x48xf32, #tpu.memory_space<vmem_shared>>)
      tpu.yield
    }) : () -> ()
    "tpu.region"() ({
      %run_scoped3A = tpu.sem_alloc : memref<!tpu.dma_semaphore, #tpu.memory_space<semaphore_mem>>
      %dma_start3A_129 = arith.constant 0 : i32
      %dma_start3A_130 = tpu.memref_slice %arg10[%mul3A_2, %dma_start3A_129] : memref<10112x48xf32, #tpu.memory_space<vmem_shared>> -> memref<632x48xf32, #tpu.memory_space<vmem_shared>>
      %dma_start3A_131 = arith.constant 0 : i32
      %dma_start3A_132 = tpu.memref_slice %arg2[%mul3A_2, %dma_start3A_131] : memref<10112x48xf32, #tpu.memory_space<hbm>> -> memref<632x48xf32, #tpu.memory_space<hbm>>
      tpu.enqueue_dma source(%dma_start3A_132 : memref<632x48xf32, #tpu.memory_space<hbm>>) target(%dma_start3A_130 : memref<632x48xf32, #tpu.memory_space<vmem_shared>>) target_semaphore(%run_scoped3A : memref<!tpu.dma_semaphore, #tpu.memory_space<semaphore_mem>>)
      %dma_wait3A_133 = arith.constant 0 : i32
      %dma_wait3A_134 = tpu.memref_slice %arg10[%mul3A_2, %dma_wait3A_133] : memref<10112x48xf32, #tpu.memory_space<vmem_shared>> -> memref<632x48xf32, #tpu.memory_space<vmem_shared>>
      %dma_wait3A_135 = arith.constant 0 : i32
      %dma_wait3A_136 = tpu.memref_slice %arg2[%mul3A_2, %dma_wait3A_135] : memref<10112x48xf32, #tpu.memory_space<hbm>> -> memref<632x48xf32, #tpu.memory_space<hbm>>
      tpu.wait_dma2 semaphore(%run_scoped3A : memref<!tpu.dma_semaphore, #tpu.memory_space<semaphore_mem>>) src(%dma_wait3A_136 : memref<632x48xf32, #tpu.memory_space<hbm>>) dst(%dma_wait3A_134 : memref<632x48xf32, #tpu.memory_space<vmem_shared>>)
      tpu.yield
    }) : () -> ()
    %mul3A_3 = arith.constant 80 : i32
    %mul3A_4 = arith.muli %add3A, %mul3A_3 : i32
    "tpu.region"() ({
      %run_scoped3A = tpu.sem_alloc : memref<!tpu.dma_semaphore, #tpu.memory_space<semaphore_mem>>
      %dma_start3A_129 = arith.constant 0 : i32
      %dma_start3A_130 = tpu.memref_slice %arg3[%mul3A_4, %dma_start3A_129] : memref<2560x128xi32, #tpu.memory_space<hbm>> -> memref<80x128xi32, #tpu.memory_space<hbm>>
      %dma_start3A_131 = arith.constant 0 : i32
      %dma_start3A_132 = tpu.memref_slice %arg3[%mul3A_4, %dma_start3A_131] : memref<2560x128xi32, #tpu.memory_space<hbm>> -> memref<80x128xi32, #tpu.memory_space<hbm>>
      tpu.enqueue_dma source(%dma_start3A_132 : memref<80x128xi32, #tpu.memory_space<hbm>>) target(%arg7 : memref<80x128xi32, #tpu.memory_space<vmem>>) target_semaphore(%run_scoped3A : memref<!tpu.dma_semaphore, #tpu.memory_space<semaphore_mem>>)
      %dma_wait3A_133 = arith.constant 0 : i32
      %dma_wait3A_134 = tpu.memref_slice %arg3[%mul3A_4, %dma_wait3A_133] : memref<2560x128xi32, #tpu.memory_space<hbm>> -> memref<80x128xi32, #tpu.memory_space<hbm>>
      %dma_wait3A_135 = arith.constant 0 : i32
      %dma_wait3A_136 = tpu.memref_slice %arg3[%mul3A_4, %dma_wait3A_135] : memref<2560x128xi32, #tpu.memory_space<hbm>> -> memref<80x128xi32, #tpu.memory_space<hbm>>
      tpu.wait_dma2 semaphore(%run_scoped3A : memref<!tpu.dma_semaphore, #tpu.memory_space<semaphore_mem>>) src(%dma_wait3A_136 : memref<80x128xi32, #tpu.memory_space<hbm>>) dst(%arg7 : memref<80x128xi32, #tpu.memory_space<vmem>>)
      tpu.yield
    }) : () -> ()
    "tpu.region"() ({
      %run_scoped3A = tpu.sem_alloc : memref<!tpu.dma_semaphore, #tpu.memory_space<semaphore_mem>>
      %dma_start3A_129 = arith.constant 0 : i32
      %dma_start3A_130 = tpu.memref_slice %arg4[%mul3A_4, %dma_start3A_129] : memref<2560x128xi32, #tpu.memory_space<hbm>> -> memref<80x128xi32, #tpu.memory_space<hbm>>
      %dma_start3A_131 = arith.constant 0 : i32
      %dma_start3A_132 = tpu.memref_slice %arg4[%mul3A_4, %dma_start3A_131] : memref<2560x128xi32, #tpu.memory_space<hbm>> -> memref<80x128xi32, #tpu.memory_space<hbm>>
      tpu.enqueue_dma source(%dma_start3A_132 : memref<80x128xi32, #tpu.memory_space<hbm>>) target(%arg8 : memref<80x128xi32, #tpu.memory_space<vmem>>) target_semaphore(%run_scoped3A : memref<!tpu.dma_semaphore, #tpu.memory_space<semaphore_mem>>)
      %dma_wait3A_133 = arith.constant 0 : i32
      %dma_wait3A_134 = tpu.memref_slice %arg4[%mul3A_4, %dma_wait3A_133] : memref<2560x128xi32, #tpu.memory_space<hbm>> -> memref<80x128xi32, #tpu.memory_space<hbm>>
      %dma_wait3A_135 = arith.constant 0 : i32
      %dma_wait3A_136 = tpu.memref_slice %arg4[%mul3A_4, %dma_wait3A_135] : memref<2560x128xi32, #tpu.memory_space<hbm>> -> memref<80x128xi32, #tpu.memory_space<hbm>>
      tpu.wait_dma2 semaphore(%run_scoped3A : memref<!tpu.dma_semaphore, #tpu.memory_space<semaphore_mem>>) src(%dma_wait3A_136 : memref<80x128xi32, #tpu.memory_space<hbm>>) dst(%arg8 : memref<80x128xi32, #tpu.memory_space<vmem>>)
      tpu.yield
    }) : () -> ()
    %barrier3A = arith.constant 0 : index
    tpu.barrier barrier_id(%barrier3A)
    %dma_start3A = arith.constant 0 : i32
    %dma_start3A_5 = arith.constant 0 : i32
    %dma_start3A_6 = arith.constant 0 : i32
    %dma_start3A_7 = arith.constant 0 : i32
    %dma_start3A_8 = arith.constant 0 : i32
    %dma_start3A_9 = tpu.memref_slice %arg9[%dma_start3A_5, %dma_start3A_7, %dma_start3A_8] : memref<8x128x48xf32, #tpu.memory_space<vmem>> -> memref<1x128x48xf32, #tpu.memory_space<vmem>>
    %dma_start3A_10 = tpu.memref_squeeze %dma_start3A_9 : memref<1x128x48xf32, #tpu.memory_space<vmem>> -> memref<128x48xf32, #tpu.memory_space<vmem>>
    %dma_start3A_11 = arith.constant 0 : i32
    %dma_start3A_12 = tpu.memref_slice %arg7[%dma_start3A, %dma_start3A_11] : memref<80x128xi32, #tpu.memory_space<vmem>> -> memref<1x128xi32, #tpu.memory_space<vmem>>
    %dma_start3A_13 = tpu.memref_squeeze %dma_start3A_12 : memref<1x128xi32, #tpu.memory_space<vmem>> -> memref<128xi32, #tpu.memory_space<vmem>>
    %dma_start3A_14 = arith.constant 0 : i32
    %dma_start3A_15 = arith.constant 0 : i32
    %dma_start3A_16 = tpu.memref_slice %arg10[%dma_start3A_14, %dma_start3A_15] : memref<10112x48xf32, #tpu.memory_space<vmem_shared>> -> memref<10112x48xf32, #tpu.memory_space<vmem_shared>>
    %dma_start3A_17 = tpu.memref_slice %arg12[%dma_start3A_6] : memref<8x!tpu.dma_semaphore, #tpu.memory_space<semaphore_mem>> -> memref<1x!tpu.dma_semaphore, #tpu.memory_space<semaphore_mem>>
    %dma_start3A_18 = tpu.memref_squeeze %dma_start3A_17 : memref<1x!tpu.dma_semaphore, #tpu.memory_space<semaphore_mem>> -> memref<!tpu.dma_semaphore, #tpu.memory_space<semaphore_mem>>
    tpu.enqueue_indirect_dma source(%dma_start3A_16 : memref<10112x48xf32, #tpu.memory_space<vmem_shared>>) target(%dma_start3A_10 : memref<128x48xf32, #tpu.memory_space<vmem>>) offsets(%dma_start3A_13 : memref<128xi32, #tpu.memory_space<vmem>>) semaphore(%dma_start3A_18 : memref<!tpu.dma_semaphore, #tpu.memory_space<semaphore_mem>>)
    %dma_start3A_19 = arith.constant 1 : i32
    %dma_start3A_20 = arith.constant 1 : i32
    %dma_start3A_21 = arith.constant 1 : i32
    %dma_start3A_22 = arith.constant 0 : i32
    %dma_start3A_23 = arith.constant 0 : i32
    %dma_start3A_24 = tpu.memref_slice %arg9[%dma_start3A_20, %dma_start3A_22, %dma_start3A_23] : memref<8x128x48xf32, #tpu.memory_space<vmem>> -> memref<1x128x48xf32, #tpu.memory_space<vmem>>
    %dma_start3A_25 = tpu.memref_squeeze %dma_start3A_24 : memref<1x128x48xf32, #tpu.memory_space<vmem>> -> memref<128x48xf32, #tpu.memory_space<vmem>>
    %dma_start3A_26 = arith.constant 0 : i32
    %dma_start3A_27 = tpu.memref_slice %arg7[%dma_start3A_19, %dma_start3A_26] : memref<80x128xi32, #tpu.memory_space<vmem>> -> memref<1x128xi32, #tpu.memory_space<vmem>>
    %dma_start3A_28 = tpu.memref_squeeze %dma_start3A_27 : memref<1x128xi32, #tpu.memory_space<vmem>> -> memref<128xi32, #tpu.memory_space<vmem>>
    %dma_start3A_29 = arith.constant 0 : i32
    %dma_start3A_30 = arith.constant 0 : i32
    %dma_start3A_31 = tpu.memref_slice %arg10[%dma_start3A_29, %dma_start3A_30] : memref<10112x48xf32, #tpu.memory_space<vmem_shared>> -> memref<10112x48xf32, #tpu.memory_space<vmem_shared>>
    %dma_start3A_32 = tpu.memref_slice %arg12[%dma_start3A_21] : memref<8x!tpu.dma_semaphore, #tpu.memory_space<semaphore_mem>> -> memref<1x!tpu.dma_semaphore, #tpu.memory_space<semaphore_mem>>
    %dma_start3A_33 = tpu.memref_squeeze %dma_start3A_32 : memref<1x!tpu.dma_semaphore, #tpu.memory_space<semaphore_mem>> -> memref<!tpu.dma_semaphore, #tpu.memory_space<semaphore_mem>>
    tpu.enqueue_indirect_dma source(%dma_start3A_31 : memref<10112x48xf32, #tpu.memory_space<vmem_shared>>) target(%dma_start3A_25 : memref<128x48xf32, #tpu.memory_space<vmem>>) offsets(%dma_start3A_28 : memref<128xi32, #tpu.memory_space<vmem>>) semaphore(%dma_start3A_33 : memref<!tpu.dma_semaphore, #tpu.memory_space<semaphore_mem>>)
    %dma_start3A_34 = arith.constant 2 : i32
    %dma_start3A_35 = arith.constant 2 : i32
    %dma_start3A_36 = arith.constant 2 : i32
    %dma_start3A_37 = arith.constant 0 : i32
    %dma_start3A_38 = arith.constant 0 : i32
    %dma_start3A_39 = tpu.memref_slice %arg9[%dma_start3A_35, %dma_start3A_37, %dma_start3A_38] : memref<8x128x48xf32, #tpu.memory_space<vmem>> -> memref<1x128x48xf32, #tpu.memory_space<vmem>>
    %dma_start3A_40 = tpu.memref_squeeze %dma_start3A_39 : memref<1x128x48xf32, #tpu.memory_space<vmem>> -> memref<128x48xf32, #tpu.memory_space<vmem>>
    %dma_start3A_41 = arith.constant 0 : i32
    %dma_start3A_42 = tpu.memref_slice %arg7[%dma_start3A_34, %dma_start3A_41] : memref<80x128xi32, #tpu.memory_space<vmem>> -> memref<1x128xi32, #tpu.memory_space<vmem>>
    %dma_start3A_43 = tpu.memref_squeeze %dma_start3A_42 : memref<1x128xi32, #tpu.memory_space<vmem>> -> memref<128xi32, #tpu.memory_space<vmem>>
    %dma_start3A_44 = arith.constant 0 : i32
    %dma_start3A_45 = arith.constant 0 : i32
    %dma_start3A_46 = tpu.memref_slice %arg10[%dma_start3A_44, %dma_start3A_45] : memref<10112x48xf32, #tpu.memory_space<vmem_shared>> -> memref<10112x48xf32, #tpu.memory_space<vmem_shared>>
    %dma_start3A_47 = tpu.memref_slice %arg12[%dma_start3A_36] : memref<8x!tpu.dma_semaphore, #tpu.memory_space<semaphore_mem>> -> memref<1x!tpu.dma_semaphore, #tpu.memory_space<semaphore_mem>>
    %dma_start3A_48 = tpu.memref_squeeze %dma_start3A_47 : memref<1x!tpu.dma_semaphore, #tpu.memory_space<semaphore_mem>> -> memref<!tpu.dma_semaphore, #tpu.memory_space<semaphore_mem>>
    tpu.enqueue_indirect_dma source(%dma_start3A_46 : memref<10112x48xf32, #tpu.memory_space<vmem_shared>>) target(%dma_start3A_40 : memref<128x48xf32, #tpu.memory_space<vmem>>) offsets(%dma_start3A_43 : memref<128xi32, #tpu.memory_space<vmem>>) semaphore(%dma_start3A_48 : memref<!tpu.dma_semaphore, #tpu.memory_space<semaphore_mem>>)
    %dma_start3A_49 = arith.constant 3 : i32
    %dma_start3A_50 = arith.constant 3 : i32
    %dma_start3A_51 = arith.constant 3 : i32
    %dma_start3A_52 = arith.constant 0 : i32
    %dma_start3A_53 = arith.constant 0 : i32
    %dma_start3A_54 = tpu.memref_slice %arg9[%dma_start3A_50, %dma_start3A_52, %dma_start3A_53] : memref<8x128x48xf32, #tpu.memory_space<vmem>> -> memref<1x128x48xf32, #tpu.memory_space<vmem>>
    %dma_start3A_55 = tpu.memref_squeeze %dma_start3A_54 : memref<1x128x48xf32, #tpu.memory_space<vmem>> -> memref<128x48xf32, #tpu.memory_space<vmem>>
    %dma_start3A_56 = arith.constant 0 : i32
    %dma_start3A_57 = tpu.memref_slice %arg7[%dma_start3A_49, %dma_start3A_56] : memref<80x128xi32, #tpu.memory_space<vmem>> -> memref<1x128xi32, #tpu.memory_space<vmem>>
    %dma_start3A_58 = tpu.memref_squeeze %dma_start3A_57 : memref<1x128xi32, #tpu.memory_space<vmem>> -> memref<128xi32, #tpu.memory_space<vmem>>
    %dma_start3A_59 = arith.constant 0 : i32
    %dma_start3A_60 = arith.constant 0 : i32
    %dma_start3A_61 = tpu.memref_slice %arg10[%dma_start3A_59, %dma_start3A_60] : memref<10112x48xf32, #tpu.memory_space<vmem_shared>> -> memref<10112x48xf32, #tpu.memory_space<vmem_shared>>
    %dma_start3A_62 = tpu.memref_slice %arg12[%dma_start3A_51] : memref<8x!tpu.dma_semaphore, #tpu.memory_space<semaphore_mem>> -> memref<1x!tpu.dma_semaphore, #tpu.memory_space<semaphore_mem>>
    %dma_start3A_63 = tpu.memref_squeeze %dma_start3A_62 : memref<1x!tpu.dma_semaphore, #tpu.memory_space<semaphore_mem>> -> memref<!tpu.dma_semaphore, #tpu.memory_space<semaphore_mem>>
    tpu.enqueue_indirect_dma source(%dma_start3A_61 : memref<10112x48xf32, #tpu.memory_space<vmem_shared>>) target(%dma_start3A_55 : memref<128x48xf32, #tpu.memory_space<vmem>>) offsets(%dma_start3A_58 : memref<128xi32, #tpu.memory_space<vmem>>) semaphore(%dma_start3A_63 : memref<!tpu.dma_semaphore, #tpu.memory_space<semaphore_mem>>)
    %scan3A = arith.constant 0 : i32
    %scan3A_64 = arith.constant 0 : i32
    %scan3A_65 = arith.constant 10 : i32
    %scan3A_66 = arith.addi %scan3A_64, %scan3A_65 : i32
    %scan3A_67 = arith.constant 1 : i32
    scf.for %scan3A_129 = %scan3A_64 to %scan3A_66 step %scan3A_67  : i32 {
      %mul3A_130 = arith.constant 8 : i32
      %mul3A_131 = arith.muli %scan3A_129, %mul3A_130 : i32
      %add3A_132 = arith.constant 0 : i32
      %add3A_133 = arith.addi %mul3A_131, %add3A_132 : i32
      %ge3A = arith.constant 4 : i32
      %ge3A_134 = arith.cmpi sge, %add3A_133, %ge3A : i32
      %convert_element_type3A = arith.extui %ge3A_134 : i1 to i32
      %cond3A = arith.constant 0 : i32
      %cond3A_135 = arith.cmpi ne, %convert_element_type3A, %cond3A : i32
      scf.if %cond3A_135 {
        %dma_wait3A_486 = arith.constant 4 : i32
        %dma_wait3A_487 = arith.constant 0 : i32
        %dma_wait3A_488 = arith.constant 4 : i32
        %dma_wait3A_489 = arith.constant 0 : i32
        %dma_wait3A_490 = arith.constant 0 : i32
        %dma_wait3A_491 = tpu.memref_slice %arg9[%dma_wait3A_486, %dma_wait3A_489, %dma_wait3A_490] : memref<8x128x48xf32, #tpu.memory_space<vmem>> -> memref<1x128x48xf32, #tpu.memory_space<vmem>>
        %dma_wait3A_492 = tpu.memref_squeeze %dma_wait3A_491 : memref<1x128x48xf32, #tpu.memory_space<vmem>> -> memref<128x48xf32, #tpu.memory_space<vmem>>
        %dma_wait3A_493 = arith.constant 0 : i32
        %dma_wait3A_494 = tpu.memref_slice %arg8[%dma_wait3A_487, %dma_wait3A_493] : memref<80x128xi32, #tpu.memory_space<vmem>> -> memref<1x128xi32, #tpu.memory_space<vmem>>
        %dma_wait3A_495 = tpu.memref_squeeze %dma_wait3A_494 : memref<1x128xi32, #tpu.memory_space<vmem>> -> memref<128xi32, #tpu.memory_space<vmem>>
        %dma_wait3A_496 = arith.constant 0 : i32
        %dma_wait3A_497 = arith.constant 0 : i32
        %dma_wait3A_498 = tpu.memref_slice %arg11[%dma_wait3A_496, %dma_wait3A_497] : memref<10112x48xf32, #tpu.memory_space<vmem_shared>> -> memref<10112x48xf32, #tpu.memory_space<vmem_shared>>
        %dma_wait3A_499 = tpu.memref_slice %arg13[%dma_wait3A_488] : memref<8x!tpu.dma_semaphore, #tpu.memory_space<semaphore_mem>> -> memref<1x!tpu.dma_semaphore, #tpu.memory_space<semaphore_mem>>
        %dma_wait3A_500 = tpu.memref_squeeze %dma_wait3A_499 : memref<1x!tpu.dma_semaphore, #tpu.memory_space<semaphore_mem>> -> memref<!tpu.dma_semaphore, #tpu.memory_space<semaphore_mem>>
        tpu.wait_indirect_dma semaphore(%dma_wait3A_500 : memref<!tpu.dma_semaphore, #tpu.memory_space<semaphore_mem>>) src(%dma_wait3A_492 : memref<128x48xf32, #tpu.memory_space<vmem>>) dst(%dma_wait3A_498 : memref<10112x48xf32, #tpu.memory_space<vmem_shared>>)
      } else {
      }
      %add3A_136 = arith.constant 4 : i32
      %add3A_137 = arith.addi %add3A_133, %add3A_136 : i32
      %lt3A = arith.constant 80 : i32
      %lt3A_138 = arith.cmpi slt, %add3A_137, %lt3A : i32
      %convert_element_type3A_139 = arith.extui %lt3A_138 : i1 to i32
      %cond3A_140 = arith.constant 0 : i32
      %cond3A_141 = arith.cmpi ne, %convert_element_type3A_139, %cond3A_140 : i32
      scf.if %cond3A_141 {
        %add3A_486 = arith.constant 4 : i32
        %add3A_487 = arith.addi %add3A_133, %add3A_486 : i32
        %dma_start3A_488 = arith.constant 4 : i32
        %dma_start3A_489 = arith.constant 4 : i32
        %dma_start3A_490 = arith.constant 0 : i32
        %dma_start3A_491 = arith.constant 0 : i32
        %dma_start3A_492 = tpu.memref_slice %arg9[%dma_start3A_488, %dma_start3A_490, %dma_start3A_491] : memref<8x128x48xf32, #tpu.memory_space<vmem>> -> memref<1x128x48xf32, #tpu.memory_space<vmem>>
        %dma_start3A_493 = tpu.memref_squeeze %dma_start3A_492 : memref<1x128x48xf32, #tpu.memory_space<vmem>> -> memref<128x48xf32, #tpu.memory_space<vmem>>
        %dma_start3A_494 = arith.constant 0 : i32
        %dma_start3A_495 = tpu.memref_slice %arg7[%add3A_487, %dma_start3A_494] : memref<80x128xi32, #tpu.memory_space<vmem>> -> memref<1x128xi32, #tpu.memory_space<vmem>>
        %dma_start3A_496 = tpu.memref_squeeze %dma_start3A_495 : memref<1x128xi32, #tpu.memory_space<vmem>> -> memref<128xi32, #tpu.memory_space<vmem>>
        %dma_start3A_497 = arith.constant 0 : i32
        %dma_start3A_498 = arith.constant 0 : i32
        %dma_start3A_499 = tpu.memref_slice %arg10[%dma_start3A_497, %dma_start3A_498] : memref<10112x48xf32, #tpu.memory_space<vmem_shared>> -> memref<10112x48xf32, #tpu.memory_space<vmem_shared>>
        %dma_start3A_500 = tpu.memref_slice %arg12[%dma_start3A_489] : memref<8x!tpu.dma_semaphore, #tpu.memory_space<semaphore_mem>> -> memref<1x!tpu.dma_semaphore, #tpu.memory_space<semaphore_mem>>
        %dma_start3A_501 = tpu.memref_squeeze %dma_start3A_500 : memref<1x!tpu.dma_semaphore, #tpu.memory_space<semaphore_mem>> -> memref<!tpu.dma_semaphore, #tpu.memory_space<semaphore_mem>>
        tpu.enqueue_indirect_dma source(%dma_start3A_499 : memref<10112x48xf32, #tpu.memory_space<vmem_shared>>) target(%dma_start3A_493 : memref<128x48xf32, #tpu.memory_space<vmem>>) offsets(%dma_start3A_496 : memref<128xi32, #tpu.memory_space<vmem>>) semaphore(%dma_start3A_501 : memref<!tpu.dma_semaphore, #tpu.memory_space<semaphore_mem>>)
      } else {
      }
      %dma_wait3A_142 = arith.constant 0 : i32
      %dma_wait3A_143 = arith.constant 0 : i32
      %dma_wait3A_144 = arith.constant 0 : i32
      %dma_wait3A_145 = arith.constant 0 : i32
      %dma_wait3A_146 = arith.constant 0 : i32
      %dma_wait3A_147 = tpu.memref_slice %arg9[%dma_wait3A_143, %dma_wait3A_145, %dma_wait3A_146] : memref<8x128x48xf32, #tpu.memory_space<vmem>> -> memref<1x128x48xf32, #tpu.memory_space<vmem>>
      %dma_wait3A_148 = tpu.memref_squeeze %dma_wait3A_147 : memref<1x128x48xf32, #tpu.memory_space<vmem>> -> memref<128x48xf32, #tpu.memory_space<vmem>>
      %dma_wait3A_149 = arith.constant 0 : i32
      %dma_wait3A_150 = tpu.memref_slice %arg7[%dma_wait3A_142, %dma_wait3A_149] : memref<80x128xi32, #tpu.memory_space<vmem>> -> memref<1x128xi32, #tpu.memory_space<vmem>>
      %dma_wait3A_151 = tpu.memref_squeeze %dma_wait3A_150 : memref<1x128xi32, #tpu.memory_space<vmem>> -> memref<128xi32, #tpu.memory_space<vmem>>
      %dma_wait3A_152 = arith.constant 0 : i32
      %dma_wait3A_153 = arith.constant 0 : i32
      %dma_wait3A_154 = tpu.memref_slice %arg10[%dma_wait3A_152, %dma_wait3A_153] : memref<10112x48xf32, #tpu.memory_space<vmem_shared>> -> memref<10112x48xf32, #tpu.memory_space<vmem_shared>>
      %dma_wait3A_155 = tpu.memref_slice %arg12[%dma_wait3A_144] : memref<8x!tpu.dma_semaphore, #tpu.memory_space<semaphore_mem>> -> memref<1x!tpu.dma_semaphore, #tpu.memory_space<semaphore_mem>>
      %dma_wait3A_156 = tpu.memref_squeeze %dma_wait3A_155 : memref<1x!tpu.dma_semaphore, #tpu.memory_space<semaphore_mem>> -> memref<!tpu.dma_semaphore, #tpu.memory_space<semaphore_mem>>
      tpu.wait_indirect_dma semaphore(%dma_wait3A_156 : memref<!tpu.dma_semaphore, #tpu.memory_space<semaphore_mem>>) src(%dma_wait3A_154 : memref<10112x48xf32, #tpu.memory_space<vmem_shared>>) dst(%dma_wait3A_148 : memref<128x48xf32, #tpu.memory_space<vmem>>)
      %dma_start3A_157 = arith.constant 0 : i32
      %dma_start3A_158 = arith.constant 0 : i32
      %dma_start3A_159 = arith.constant 0 : i32
      %dma_start3A_160 = arith.constant 0 : i32
      %dma_start3A_161 = tpu.memref_slice %arg9[%dma_start3A_157, %dma_start3A_159, %dma_start3A_160] : memref<8x128x48xf32, #tpu.memory_space<vmem>> -> memref<1x128x48xf32, #tpu.memory_space<vmem>>
      %dma_start3A_162 = tpu.memref_squeeze %dma_start3A_161 : memref<1x128x48xf32, #tpu.memory_space<vmem>> -> memref<128x48xf32, #tpu.memory_space<vmem>>
      %dma_start3A_163 = arith.constant 0 : i32
      %dma_start3A_164 = tpu.memref_slice %arg8[%add3A_133, %dma_start3A_163] : memref<80x128xi32, #tpu.memory_space<vmem>> -> memref<1x128xi32, #tpu.memory_space<vmem>>
      %dma_start3A_165 = tpu.memref_squeeze %dma_start3A_164 : memref<1x128xi32, #tpu.memory_space<vmem>> -> memref<128xi32, #tpu.memory_space<vmem>>
      %dma_start3A_166 = arith.constant 0 : i32
      %dma_start3A_167 = arith.constant 0 : i32
      %dma_start3A_168 = tpu.memref_slice %arg11[%dma_start3A_166, %dma_start3A_167] : memref<10112x48xf32, #tpu.memory_space<vmem_shared>> -> memref<10112x48xf32, #tpu.memory_space<vmem_shared>>
      %dma_start3A_169 = tpu.memref_slice %arg13[%dma_start3A_158] : memref<8x!tpu.dma_semaphore, #tpu.memory_space<semaphore_mem>> -> memref<1x!tpu.dma_semaphore, #tpu.memory_space<semaphore_mem>>
      %dma_start3A_170 = tpu.memref_squeeze %dma_start3A_169 : memref<1x!tpu.dma_semaphore, #tpu.memory_space<semaphore_mem>> -> memref<!tpu.dma_semaphore, #tpu.memory_space<semaphore_mem>>
      tpu.enqueue_indirect_dma source(%dma_start3A_162 : memref<128x48xf32, #tpu.memory_space<vmem>>) target(%dma_start3A_168 : memref<10112x48xf32, #tpu.memory_space<vmem_shared>>) offsets(%dma_start3A_165 : memref<128xi32, #tpu.memory_space<vmem>>) semaphore(%dma_start3A_170 : memref<!tpu.dma_semaphore, #tpu.memory_space<semaphore_mem>>) {add = true}
      %mul3A_171 = arith.constant 8 : i32
      %mul3A_172 = arith.muli %scan3A_129, %mul3A_171 : i32
      %add3A_173 = arith.constant 1 : i32
      %add3A_174 = arith.addi %mul3A_172, %add3A_173 : i32
      %ge3A_175 = arith.constant 4 : i32
      %ge3A_176 = arith.cmpi sge, %add3A_174, %ge3A_175 : i32
      %convert_element_type3A_177 = arith.extui %ge3A_176 : i1 to i32
      %cond3A_178 = arith.constant 0 : i32
      %cond3A_179 = arith.cmpi ne, %convert_element_type3A_177, %cond3A_178 : i32
      scf.if %cond3A_179 {
        %dma_wait3A_486 = arith.constant 5 : i32
        %dma_wait3A_487 = arith.constant 0 : i32
        %dma_wait3A_488 = arith.constant 5 : i32
        %dma_wait3A_489 = arith.constant 0 : i32
        %dma_wait3A_490 = arith.constant 0 : i32
        %dma_wait3A_491 = tpu.memref_slice %arg9[%dma_wait3A_486, %dma_wait3A_489, %dma_wait3A_490] : memref<8x128x48xf32, #tpu.memory_space<vmem>> -> memref<1x128x48xf32, #tpu.memory_space<vmem>>
        %dma_wait3A_492 = tpu.memref_squeeze %dma_wait3A_491 : memref<1x128x48xf32, #tpu.memory_space<vmem>> -> memref<128x48xf32, #tpu.memory_space<vmem>>
        %dma_wait3A_493 = arith.constant 0 : i32
        %dma_wait3A_494 = tpu.memref_slice %arg8[%dma_wait3A_487, %dma_wait3A_493] : memref<80x128xi32, #tpu.memory_space<vmem>> -> memref<1x128xi32, #tpu.memory_space<vmem>>
        %dma_wait3A_495 = tpu.memref_squeeze %dma_wait3A_494 : memref<1x128xi32, #tpu.memory_space<vmem>> -> memref<128xi32, #tpu.memory_space<vmem>>
        %dma_wait3A_496 = arith.constant 0 : i32
        %dma_wait3A_497 = arith.constant 0 : i32
        %dma_wait3A_498 = tpu.memref_slice %arg11[%dma_wait3A_496, %dma_wait3A_497] : memref<10112x48xf32, #tpu.memory_space<vmem_shared>> -> memref<10112x48xf32, #tpu.memory_space<vmem_shared>>
        %dma_wait3A_499 = tpu.memref_slice %arg13[%dma_wait3A_488] : memref<8x!tpu.dma_semaphore, #tpu.memory_space<semaphore_mem>> -> memref<1x!tpu.dma_semaphore, #tpu.memory_space<semaphore_mem>>
        %dma_wait3A_500 = tpu.memref_squeeze %dma_wait3A_499 : memref<1x!tpu.dma_semaphore, #tpu.memory_space<semaphore_mem>> -> memref<!tpu.dma_semaphore, #tpu.memory_space<semaphore_mem>>
        tpu.wait_indirect_dma semaphore(%dma_wait3A_500 : memref<!tpu.dma_semaphore, #tpu.memory_space<semaphore_mem>>) src(%dma_wait3A_492 : memref<128x48xf32, #tpu.memory_space<vmem>>) dst(%dma_wait3A_498 : memref<10112x48xf32, #tpu.memory_space<vmem_shared>>)
      } else {
      }
      %add3A_180 = arith.constant 4 : i32
      %add3A_181 = arith.addi %add3A_174, %add3A_180 : i32
      %lt3A_182 = arith.constant 80 : i32
      %lt3A_183 = arith.cmpi slt, %add3A_181, %lt3A_182 : i32
      %convert_element_type3A_184 = arith.extui %lt3A_183 : i1 to i32
      %cond3A_185 = arith.constant 0 : i32
      %cond3A_186 = arith.cmpi ne, %convert_element_type3A_184, %cond3A_185 : i32
      scf.if %cond3A_186 {
        %add3A_486 = arith.constant 4 : i32
        %add3A_487 = arith.addi %add3A_174, %add3A_486 : i32
        %dma_start3A_488 = arith.constant 5 : i32
        %dma_start3A_489 = arith.constant 5 : i32
        %dma_start3A_490 = arith.constant 0 : i32
        %dma_start3A_491 = arith.constant 0 : i32
        %dma_start3A_492 = tpu.memref_slice %arg9[%dma_start3A_488, %dma_start3A_490, %dma_start3A_491] : memref<8x128x48xf32, #tpu.memory_space<vmem>> -> memref<1x128x48xf32, #tpu.memory_space<vmem>>
        %dma_start3A_493 = tpu.memref_squeeze %dma_start3A_492 : memref<1x128x48xf32, #tpu.memory_space<vmem>> -> memref<128x48xf32, #tpu.memory_space<vmem>>
        %dma_start3A_494 = arith.constant 0 : i32
        %dma_start3A_495 = tpu.memref_slice %arg7[%add3A_487, %dma_start3A_494] : memref<80x128xi32, #tpu.memory_space<vmem>> -> memref<1x128xi32, #tpu.memory_space<vmem>>
        %dma_start3A_496 = tpu.memref_squeeze %dma_start3A_495 : memref<1x128xi32, #tpu.memory_space<vmem>> -> memref<128xi32, #tpu.memory_space<vmem>>
        %dma_start3A_497 = arith.constant 0 : i32
        %dma_start3A_498 = arith.constant 0 : i32
        %dma_start3A_499 = tpu.memref_slice %arg10[%dma_start3A_497, %dma_start3A_498] : memref<10112x48xf32, #tpu.memory_space<vmem_shared>> -> memref<10112x48xf32, #tpu.memory_space<vmem_shared>>
        %dma_start3A_500 = tpu.memref_slice %arg12[%dma_start3A_489] : memref<8x!tpu.dma_semaphore, #tpu.memory_space<semaphore_mem>> -> memref<1x!tpu.dma_semaphore, #tpu.memory_space<semaphore_mem>>
        %dma_start3A_501 = tpu.memref_squeeze %dma_start3A_500 : memref<1x!tpu.dma_semaphore, #tpu.memory_space<semaphore_mem>> -> memref<!tpu.dma_semaphore, #tpu.memory_space<semaphore_mem>>
        tpu.enqueue_indirect_dma source(%dma_start3A_499 : memref<10112x48xf32, #tpu.memory_space<vmem_shared>>) target(%dma_start3A_493 : memref<128x48xf32, #tpu.memory_space<vmem>>) offsets(%dma_start3A_496 : memref<128xi32, #tpu.memory_space<vmem>>) semaphore(%dma_start3A_501 : memref<!tpu.dma_semaphore, #tpu.memory_space<semaphore_mem>>)
      } else {
      }
      %dma_wait3A_187 = arith.constant 0 : i32
      %dma_wait3A_188 = arith.constant 1 : i32
      %dma_wait3A_189 = arith.constant 1 : i32
      %dma_wait3A_190 = arith.constant 0 : i32
      %dma_wait3A_191 = arith.constant 0 : i32
      %dma_wait3A_192 = tpu.memref_slice %arg9[%dma_wait3A_188, %dma_wait3A_190, %dma_wait3A_191] : memref<8x128x48xf32, #tpu.memory_space<vmem>> -> memref<1x128x48xf32, #tpu.memory_space<vmem>>
      %dma_wait3A_193 = tpu.memref_squeeze %dma_wait3A_192 : memref<1x128x48xf32, #tpu.memory_space<vmem>> -> memref<128x48xf32, #tpu.memory_space<vmem>>
      %dma_wait3A_194 = arith.constant 0 : i32
      %dma_wait3A_195 = tpu.memref_slice %arg7[%dma_wait3A_187, %dma_wait3A_194] : memref<80x128xi32, #tpu.memory_space<vmem>> -> memref<1x128xi32, #tpu.memory_space<vmem>>
      %dma_wait3A_196 = tpu.memref_squeeze %dma_wait3A_195 : memref<1x128xi32, #tpu.memory_space<vmem>> -> memref<128xi32, #tpu.memory_space<vmem>>
      %dma_wait3A_197 = arith.constant 0 : i32
      %dma_wait3A_198 = arith.constant 0 : i32
      %dma_wait3A_199 = tpu.memref_slice %arg10[%dma_wait3A_197, %dma_wait3A_198] : memref<10112x48xf32, #tpu.memory_space<vmem_shared>> -> memref<10112x48xf32, #tpu.memory_space<vmem_shared>>
      %dma_wait3A_200 = tpu.memref_slice %arg12[%dma_wait3A_189] : memref<8x!tpu.dma_semaphore, #tpu.memory_space<semaphore_mem>> -> memref<1x!tpu.dma_semaphore, #tpu.memory_space<semaphore_mem>>
      %dma_wait3A_201 = tpu.memref_squeeze %dma_wait3A_200 : memref<1x!tpu.dma_semaphore, #tpu.memory_space<semaphore_mem>> -> memref<!tpu.dma_semaphore, #tpu.memory_space<semaphore_mem>>
      tpu.wait_indirect_dma semaphore(%dma_wait3A_201 : memref<!tpu.dma_semaphore, #tpu.memory_space<semaphore_mem>>) src(%dma_wait3A_199 : memref<10112x48xf32, #tpu.memory_space<vmem_shared>>) dst(%dma_wait3A_193 : memref<128x48xf32, #tpu.memory_space<vmem>>)
      %dma_start3A_202 = arith.constant 1 : i32
      %dma_start3A_203 = arith.constant 1 : i32
      %dma_start3A_204 = arith.constant 0 : i32
      %dma_start3A_205 = arith.constant 0 : i32
      %dma_start3A_206 = tpu.memref_slice %arg9[%dma_start3A_202, %dma_start3A_204, %dma_start3A_205] : memref<8x128x48xf32, #tpu.memory_space<vmem>> -> memref<1x128x48xf32, #tpu.memory_space<vmem>>
      %dma_start3A_207 = tpu.memref_squeeze %dma_start3A_206 : memref<1x128x48xf32, #tpu.memory_space<vmem>> -> memref<128x48xf32, #tpu.memory_space<vmem>>
      %dma_start3A_208 = arith.constant 0 : i32
      %dma_start3A_209 = tpu.memref_slice %arg8[%add3A_174, %dma_start3A_208] : memref<80x128xi32, #tpu.memory_space<vmem>> -> memref<1x128xi32, #tpu.memory_space<vmem>>
      %dma_start3A_210 = tpu.memref_squeeze %dma_start3A_209 : memref<1x128xi32, #tpu.memory_space<vmem>> -> memref<128xi32, #tpu.memory_space<vmem>>
      %dma_start3A_211 = arith.constant 0 : i32
      %dma_start3A_212 = arith.constant 0 : i32
      %dma_start3A_213 = tpu.memref_slice %arg11[%dma_start3A_211, %dma_start3A_212] : memref<10112x48xf32, #tpu.memory_space<vmem_shared>> -> memref<10112x48xf32, #tpu.memory_space<vmem_shared>>
      %dma_start3A_214 = tpu.memref_slice %arg13[%dma_start3A_203] : memref<8x!tpu.dma_semaphore, #tpu.memory_space<semaphore_mem>> -> memref<1x!tpu.dma_semaphore, #tpu.memory_space<semaphore_mem>>
      %dma_start3A_215 = tpu.memref_squeeze %dma_start3A_214 : memref<1x!tpu.dma_semaphore, #tpu.memory_space<semaphore_mem>> -> memref<!tpu.dma_semaphore, #tpu.memory_space<semaphore_mem>>
      tpu.enqueue_indirect_dma source(%dma_start3A_207 : memref<128x48xf32, #tpu.memory_space<vmem>>) target(%dma_start3A_213 : memref<10112x48xf32, #tpu.memory_space<vmem_shared>>) offsets(%dma_start3A_210 : memref<128xi32, #tpu.memory_space<vmem>>) semaphore(%dma_start3A_215 : memref<!tpu.dma_semaphore, #tpu.memory_space<semaphore_mem>>) {add = true}
      %mul3A_216 = arith.constant 8 : i32
      %mul3A_217 = arith.muli %scan3A_129, %mul3A_216 : i32
      %add3A_218 = arith.constant 2 : i32
      %add3A_219 = arith.addi %mul3A_217, %add3A_218 : i32
      %ge3A_220 = arith.constant 4 : i32
      %ge3A_221 = arith.cmpi sge, %add3A_219, %ge3A_220 : i32
      %convert_element_type3A_222 = arith.extui %ge3A_221 : i1 to i32
      %cond3A_223 = arith.constant 0 : i32
      %cond3A_224 = arith.cmpi ne, %convert_element_type3A_222, %cond3A_223 : i32
      scf.if %cond3A_224 {
        %dma_wait3A_486 = arith.constant 6 : i32
        %dma_wait3A_487 = arith.constant 0 : i32
        %dma_wait3A_488 = arith.constant 6 : i32
        %dma_wait3A_489 = arith.constant 0 : i32
        %dma_wait3A_490 = arith.constant 0 : i32
        %dma_wait3A_491 = tpu.memref_slice %arg9[%dma_wait3A_486, %dma_wait3A_489, %dma_wait3A_490] : memref<8x128x48xf32, #tpu.memory_space<vmem>> -> memref<1x128x48xf32, #tpu.memory_space<vmem>>
        %dma_wait3A_492 = tpu.memref_squeeze %dma_wait3A_491 : memref<1x128x48xf32, #tpu.memory_space<vmem>> -> memref<128x48xf32, #tpu.memory_space<vmem>>
        %dma_wait3A_493 = arith.constant 0 : i32
        %dma_wait3A_494 = tpu.memref_slice %arg8[%dma_wait3A_487, %dma_wait3A_493] : memref<80x128xi32, #tpu.memory_space<vmem>> -> memref<1x128xi32, #tpu.memory_space<vmem>>
        %dma_wait3A_495 = tpu.memref_squeeze %dma_wait3A_494 : memref<1x128xi32, #tpu.memory_space<vmem>> -> memref<128xi32, #tpu.memory_space<vmem>>
        %dma_wait3A_496 = arith.constant 0 : i32
        %dma_wait3A_497 = arith.constant 0 : i32
        %dma_wait3A_498 = tpu.memref_slice %arg11[%dma_wait3A_496, %dma_wait3A_497] : memref<10112x48xf32, #tpu.memory_space<vmem_shared>> -> memref<10112x48xf32, #tpu.memory_space<vmem_shared>>
        %dma_wait3A_499 = tpu.memref_slice %arg13[%dma_wait3A_488] : memref<8x!tpu.dma_semaphore, #tpu.memory_space<semaphore_mem>> -> memref<1x!tpu.dma_semaphore, #tpu.memory_space<semaphore_mem>>
        %dma_wait3A_500 = tpu.memref_squeeze %dma_wait3A_499 : memref<1x!tpu.dma_semaphore, #tpu.memory_space<semaphore_mem>> -> memref<!tpu.dma_semaphore, #tpu.memory_space<semaphore_mem>>
        tpu.wait_indirect_dma semaphore(%dma_wait3A_500 : memref<!tpu.dma_semaphore, #tpu.memory_space<semaphore_mem>>) src(%dma_wait3A_492 : memref<128x48xf32, #tpu.memory_space<vmem>>) dst(%dma_wait3A_498 : memref<10112x48xf32, #tpu.memory_space<vmem_shared>>)
      } else {
      }
      %add3A_225 = arith.constant 4 : i32
      %add3A_226 = arith.addi %add3A_219, %add3A_225 : i32
      %lt3A_227 = arith.constant 80 : i32
      %lt3A_228 = arith.cmpi slt, %add3A_226, %lt3A_227 : i32
      %convert_element_type3A_229 = arith.extui %lt3A_228 : i1 to i32
      %cond3A_230 = arith.constant 0 : i32
      %cond3A_231 = arith.cmpi ne, %convert_element_type3A_229, %cond3A_230 : i32
      scf.if %cond3A_231 {
        %add3A_486 = arith.constant 4 : i32
        %add3A_487 = arith.addi %add3A_219, %add3A_486 : i32
        %dma_start3A_488 = arith.constant 6 : i32
        %dma_start3A_489 = arith.constant 6 : i32
        %dma_start3A_490 = arith.constant 0 : i32
        %dma_start3A_491 = arith.constant 0 : i32
        %dma_start3A_492 = tpu.memref_slice %arg9[%dma_start3A_488, %dma_start3A_490, %dma_start3A_491] : memref<8x128x48xf32, #tpu.memory_space<vmem>> -> memref<1x128x48xf32, #tpu.memory_space<vmem>>
        %dma_start3A_493 = tpu.memref_squeeze %dma_start3A_492 : memref<1x128x48xf32, #tpu.memory_space<vmem>> -> memref<128x48xf32, #tpu.memory_space<vmem>>
        %dma_start3A_494 = arith.constant 0 : i32
        %dma_start3A_495 = tpu.memref_slice %arg7[%add3A_487, %dma_start3A_494] : memref<80x128xi32, #tpu.memory_space<vmem>> -> memref<1x128xi32, #tpu.memory_space<vmem>>
        %dma_start3A_496 = tpu.memref_squeeze %dma_start3A_495 : memref<1x128xi32, #tpu.memory_space<vmem>> -> memref<128xi32, #tpu.memory_space<vmem>>
        %dma_start3A_497 = arith.constant 0 : i32
        %dma_start3A_498 = arith.constant 0 : i32
        %dma_start3A_499 = tpu.memref_slice %arg10[%dma_start3A_497, %dma_start3A_498] : memref<10112x48xf32, #tpu.memory_space<vmem_shared>> -> memref<10112x48xf32, #tpu.memory_space<vmem_shared>>
        %dma_start3A_500 = tpu.memref_slice %arg12[%dma_start3A_489] : memref<8x!tpu.dma_semaphore, #tpu.memory_space<semaphore_mem>> -> memref<1x!tpu.dma_semaphore, #tpu.memory_space<semaphore_mem>>
        %dma_start3A_501 = tpu.memref_squeeze %dma_start3A_500 : memref<1x!tpu.dma_semaphore, #tpu.memory_space<semaphore_mem>> -> memref<!tpu.dma_semaphore, #tpu.memory_space<semaphore_mem>>
        tpu.enqueue_indirect_dma source(%dma_start3A_499 : memref<10112x48xf32, #tpu.memory_space<vmem_shared>>) target(%dma_start3A_493 : memref<128x48xf32, #tpu.memory_space<vmem>>) offsets(%dma_start3A_496 : memref<128xi32, #tpu.memory_space<vmem>>) semaphore(%dma_start3A_501 : memref<!tpu.dma_semaphore, #tpu.memory_space<semaphore_mem>>)
      } else {
      }
      %dma_wait3A_232 = arith.constant 0 : i32
      %dma_wait3A_233 = arith.constant 2 : i32
      %dma_wait3A_234 = arith.constant 2 : i32
      %dma_wait3A_235 = arith.constant 0 : i32
      %dma_wait3A_236 = arith.constant 0 : i32
      %dma_wait3A_237 = tpu.memref_slice %arg9[%dma_wait3A_233, %dma_wait3A_235, %dma_wait3A_236] : memref<8x128x48xf32, #tpu.memory_space<vmem>> -> memref<1x128x48xf32, #tpu.memory_space<vmem>>
      %dma_wait3A_238 = tpu.memref_squeeze %dma_wait3A_237 : memref<1x128x48xf32, #tpu.memory_space<vmem>> -> memref<128x48xf32, #tpu.memory_space<vmem>>
      %dma_wait3A_239 = arith.constant 0 : i32
      %dma_wait3A_240 = tpu.memref_slice %arg7[%dma_wait3A_232, %dma_wait3A_239] : memref<80x128xi32, #tpu.memory_space<vmem>> -> memref<1x128xi32, #tpu.memory_space<vmem>>
      %dma_wait3A_241 = tpu.memref_squeeze %dma_wait3A_240 : memref<1x128xi32, #tpu.memory_space<vmem>> -> memref<128xi32, #tpu.memory_space<vmem>>
      %dma_wait3A_242 = arith.constant 0 : i32
      %dma_wait3A_243 = arith.constant 0 : i32
      %dma_wait3A_244 = tpu.memref_slice %arg10[%dma_wait3A_242, %dma_wait3A_243] : memref<10112x48xf32, #tpu.memory_space<vmem_shared>> -> memref<10112x48xf32, #tpu.memory_space<vmem_shared>>
      %dma_wait3A_245 = tpu.memref_slice %arg12[%dma_wait3A_234] : memref<8x!tpu.dma_semaphore, #tpu.memory_space<semaphore_mem>> -> memref<1x!tpu.dma_semaphore, #tpu.memory_space<semaphore_mem>>
      %dma_wait3A_246 = tpu.memref_squeeze %dma_wait3A_245 : memref<1x!tpu.dma_semaphore, #tpu.memory_space<semaphore_mem>> -> memref<!tpu.dma_semaphore, #tpu.memory_space<semaphore_mem>>
      tpu.wait_indirect_dma semaphore(%dma_wait3A_246 : memref<!tpu.dma_semaphore, #tpu.memory_space<semaphore_mem>>) src(%dma_wait3A_244 : memref<10112x48xf32, #tpu.memory_space<vmem_shared>>) dst(%dma_wait3A_238 : memref<128x48xf32, #tpu.memory_space<vmem>>)
      %dma_start3A_247 = arith.constant 2 : i32
      %dma_start3A_248 = arith.constant 2 : i32
      %dma_start3A_249 = arith.constant 0 : i32
      %dma_start3A_250 = arith.constant 0 : i32
      %dma_start3A_251 = tpu.memref_slice %arg9[%dma_start3A_247, %dma_start3A_249, %dma_start3A_250] : memref<8x128x48xf32, #tpu.memory_space<vmem>> -> memref<1x128x48xf32, #tpu.memory_space<vmem>>
      %dma_start3A_252 = tpu.memref_squeeze %dma_start3A_251 : memref<1x128x48xf32, #tpu.memory_space<vmem>> -> memref<128x48xf32, #tpu.memory_space<vmem>>
      %dma_start3A_253 = arith.constant 0 : i32
      %dma_start3A_254 = tpu.memref_slice %arg8[%add3A_219, %dma_start3A_253] : memref<80x128xi32, #tpu.memory_space<vmem>> -> memref<1x128xi32, #tpu.memory_space<vmem>>
      %dma_start3A_255 = tpu.memref_squeeze %dma_start3A_254 : memref<1x128xi32, #tpu.memory_space<vmem>> -> memref<128xi32, #tpu.memory_space<vmem>>
      %dma_start3A_256 = arith.constant 0 : i32
      %dma_start3A_257 = arith.constant 0 : i32
      %dma_start3A_258 = tpu.memref_slice %arg11[%dma_start3A_256, %dma_start3A_257] : memref<10112x48xf32, #tpu.memory_space<vmem_shared>> -> memref<10112x48xf32, #tpu.memory_space<vmem_shared>>
      %dma_start3A_259 = tpu.memref_slice %arg13[%dma_start3A_248] : memref<8x!tpu.dma_semaphore, #tpu.memory_space<semaphore_mem>> -> memref<1x!tpu.dma_semaphore, #tpu.memory_space<semaphore_mem>>
      %dma_start3A_260 = tpu.memref_squeeze %dma_start3A_259 : memref<1x!tpu.dma_semaphore, #tpu.memory_space<semaphore_mem>> -> memref<!tpu.dma_semaphore, #tpu.memory_space<semaphore_mem>>
      tpu.enqueue_indirect_dma source(%dma_start3A_252 : memref<128x48xf32, #tpu.memory_space<vmem>>) target(%dma_start3A_258 : memref<10112x48xf32, #tpu.memory_space<vmem_shared>>) offsets(%dma_start3A_255 : memref<128xi32, #tpu.memory_space<vmem>>) semaphore(%dma_start3A_260 : memref<!tpu.dma_semaphore, #tpu.memory_space<semaphore_mem>>) {add = true}
      %mul3A_261 = arith.constant 8 : i32
      %mul3A_262 = arith.muli %scan3A_129, %mul3A_261 : i32
      %add3A_263 = arith.constant 3 : i32
      %add3A_264 = arith.addi %mul3A_262, %add3A_263 : i32
      %ge3A_265 = arith.constant 4 : i32
      %ge3A_266 = arith.cmpi sge, %add3A_264, %ge3A_265 : i32
      %convert_element_type3A_267 = arith.extui %ge3A_266 : i1 to i32
      %cond3A_268 = arith.constant 0 : i32
      %cond3A_269 = arith.cmpi ne, %convert_element_type3A_267, %cond3A_268 : i32
      scf.if %cond3A_269 {
        %dma_wait3A_486 = arith.constant 7 : i32
        %dma_wait3A_487 = arith.constant 0 : i32
        %dma_wait3A_488 = arith.constant 7 : i32
        %dma_wait3A_489 = arith.constant 0 : i32
        %dma_wait3A_490 = arith.constant 0 : i32
        %dma_wait3A_491 = tpu.memref_slice %arg9[%dma_wait3A_486, %dma_wait3A_489, %dma_wait3A_490] : memref<8x128x48xf32, #tpu.memory_space<vmem>> -> memref<1x128x48xf32, #tpu.memory_space<vmem>>
        %dma_wait3A_492 = tpu.memref_squeeze %dma_wait3A_491 : memref<1x128x48xf32, #tpu.memory_space<vmem>> -> memref<128x48xf32, #tpu.memory_space<vmem>>
        %dma_wait3A_493 = arith.constant 0 : i32
        %dma_wait3A_494 = tpu.memref_slice %arg8[%dma_wait3A_487, %dma_wait3A_493] : memref<80x128xi32, #tpu.memory_space<vmem>> -> memref<1x128xi32, #tpu.memory_space<vmem>>
        %dma_wait3A_495 = tpu.memref_squeeze %dma_wait3A_494 : memref<1x128xi32, #tpu.memory_space<vmem>> -> memref<128xi32, #tpu.memory_space<vmem>>
        %dma_wait3A_496 = arith.constant 0 : i32
        %dma_wait3A_497 = arith.constant 0 : i32
        %dma_wait3A_498 = tpu.memref_slice %arg11[%dma_wait3A_496, %dma_wait3A_497] : memref<10112x48xf32, #tpu.memory_space<vmem_shared>> -> memref<10112x48xf32, #tpu.memory_space<vmem_shared>>
        %dma_wait3A_499 = tpu.memref_slice %arg13[%dma_wait3A_488] : memref<8x!tpu.dma_semaphore, #tpu.memory_space<semaphore_mem>> -> memref<1x!tpu.dma_semaphore, #tpu.memory_space<semaphore_mem>>
        %dma_wait3A_500 = tpu.memref_squeeze %dma_wait3A_499 : memref<1x!tpu.dma_semaphore, #tpu.memory_space<semaphore_mem>> -> memref<!tpu.dma_semaphore, #tpu.memory_space<semaphore_mem>>
        tpu.wait_indirect_dma semaphore(%dma_wait3A_500 : memref<!tpu.dma_semaphore, #tpu.memory_space<semaphore_mem>>) src(%dma_wait3A_492 : memref<128x48xf32, #tpu.memory_space<vmem>>) dst(%dma_wait3A_498 : memref<10112x48xf32, #tpu.memory_space<vmem_shared>>)
      } else {
      }
      %add3A_270 = arith.constant 4 : i32
      %add3A_271 = arith.addi %add3A_264, %add3A_270 : i32
      %lt3A_272 = arith.constant 80 : i32
      %lt3A_273 = arith.cmpi slt, %add3A_271, %lt3A_272 : i32
      %convert_element_type3A_274 = arith.extui %lt3A_273 : i1 to i32
      %cond3A_275 = arith.constant 0 : i32
      %cond3A_276 = arith.cmpi ne, %convert_element_type3A_274, %cond3A_275 : i32
      scf.if %cond3A_276 {
        %add3A_486 = arith.constant 4 : i32
        %add3A_487 = arith.addi %add3A_264, %add3A_486 : i32
        %dma_start3A_488 = arith.constant 7 : i32
        %dma_start3A_489 = arith.constant 7 : i32
        %dma_start3A_490 = arith.constant 0 : i32
        %dma_start3A_491 = arith.constant 0 : i32
        %dma_start3A_492 = tpu.memref_slice %arg9[%dma_start3A_488, %dma_start3A_490, %dma_start3A_491] : memref<8x128x48xf32, #tpu.memory_space<vmem>> -> memref<1x128x48xf32, #tpu.memory_space<vmem>>
        %dma_start3A_493 = tpu.memref_squeeze %dma_start3A_492 : memref<1x128x48xf32, #tpu.memory_space<vmem>> -> memref<128x48xf32, #tpu.memory_space<vmem>>
        %dma_start3A_494 = arith.constant 0 : i32
        %dma_start3A_495 = tpu.memref_slice %arg7[%add3A_487, %dma_start3A_494] : memref<80x128xi32, #tpu.memory_space<vmem>> -> memref<1x128xi32, #tpu.memory_space<vmem>>
        %dma_start3A_496 = tpu.memref_squeeze %dma_start3A_495 : memref<1x128xi32, #tpu.memory_space<vmem>> -> memref<128xi32, #tpu.memory_space<vmem>>
        %dma_start3A_497 = arith.constant 0 : i32
        %dma_start3A_498 = arith.constant 0 : i32
        %dma_start3A_499 = tpu.memref_slice %arg10[%dma_start3A_497, %dma_start3A_498] : memref<10112x48xf32, #tpu.memory_space<vmem_shared>> -> memref<10112x48xf32, #tpu.memory_space<vmem_shared>>
        %dma_start3A_500 = tpu.memref_slice %arg12[%dma_start3A_489] : memref<8x!tpu.dma_semaphore, #tpu.memory_space<semaphore_mem>> -> memref<1x!tpu.dma_semaphore, #tpu.memory_space<semaphore_mem>>
        %dma_start3A_501 = tpu.memref_squeeze %dma_start3A_500 : memref<1x!tpu.dma_semaphore, #tpu.memory_space<semaphore_mem>> -> memref<!tpu.dma_semaphore, #tpu.memory_space<semaphore_mem>>
        tpu.enqueue_indirect_dma source(%dma_start3A_499 : memref<10112x48xf32, #tpu.memory_space<vmem_shared>>) target(%dma_start3A_493 : memref<128x48xf32, #tpu.memory_space<vmem>>) offsets(%dma_start3A_496 : memref<128xi32, #tpu.memory_space<vmem>>) semaphore(%dma_start3A_501 : memref<!tpu.dma_semaphore, #tpu.memory_space<semaphore_mem>>)
      } else {
      }
      %dma_wait3A_277 = arith.constant 0 : i32
      %dma_wait3A_278 = arith.constant 3 : i32
      %dma_wait3A_279 = arith.constant 3 : i32
      %dma_wait3A_280 = arith.constant 0 : i32
      %dma_wait3A_281 = arith.constant 0 : i32
      %dma_wait3A_282 = tpu.memref_slice %arg9[%dma_wait3A_278, %dma_wait3A_280, %dma_wait3A_281] : memref<8x128x48xf32, #tpu.memory_space<vmem>> -> memref<1x128x48xf32, #tpu.memory_space<vmem>>
      %dma_wait3A_283 = tpu.memref_squeeze %dma_wait3A_282 : memref<1x128x48xf32, #tpu.memory_space<vmem>> -> memref<128x48xf32, #tpu.memory_space<vmem>>
      %dma_wait3A_284 = arith.constant 0 : i32
      %dma_wait3A_285 = tpu.memref_slice %arg7[%dma_wait3A_277, %dma_wait3A_284] : memref<80x128xi32, #tpu.memory_space<vmem>> -> memref<1x128xi32, #tpu.memory_space<vmem>>
      %dma_wait3A_286 = tpu.memref_squeeze %dma_wait3A_285 : memref<1x128xi32, #tpu.memory_space<vmem>> -> memref<128xi32, #tpu.memory_space<vmem>>
      %dma_wait3A_287 = arith.constant 0 : i32
      %dma_wait3A_288 = arith.constant 0 : i32
      %dma_wait3A_289 = tpu.memref_slice %arg10[%dma_wait3A_287, %dma_wait3A_288] : memref<10112x48xf32, #tpu.memory_space<vmem_shared>> -> memref<10112x48xf32, #tpu.memory_space<vmem_shared>>
      %dma_wait3A_290 = tpu.memref_slice %arg12[%dma_wait3A_279] : memref<8x!tpu.dma_semaphore, #tpu.memory_space<semaphore_mem>> -> memref<1x!tpu.dma_semaphore, #tpu.memory_space<semaphore_mem>>
      %dma_wait3A_291 = tpu.memref_squeeze %dma_wait3A_290 : memref<1x!tpu.dma_semaphore, #tpu.memory_space<semaphore_mem>> -> memref<!tpu.dma_semaphore, #tpu.memory_space<semaphore_mem>>
      tpu.wait_indirect_dma semaphore(%dma_wait3A_291 : memref<!tpu.dma_semaphore, #tpu.memory_space<semaphore_mem>>) src(%dma_wait3A_289 : memref<10112x48xf32, #tpu.memory_space<vmem_shared>>) dst(%dma_wait3A_283 : memref<128x48xf32, #tpu.memory_space<vmem>>)
      %dma_start3A_292 = arith.constant 3 : i32
      %dma_start3A_293 = arith.constant 3 : i32
      %dma_start3A_294 = arith.constant 0 : i32
      %dma_start3A_295 = arith.constant 0 : i32
      %dma_start3A_296 = tpu.memref_slice %arg9[%dma_start3A_292, %dma_start3A_294, %dma_start3A_295] : memref<8x128x48xf32, #tpu.memory_space<vmem>> -> memref<1x128x48xf32, #tpu.memory_space<vmem>>
      %dma_start3A_297 = tpu.memref_squeeze %dma_start3A_296 : memref<1x128x48xf32, #tpu.memory_space<vmem>> -> memref<128x48xf32, #tpu.memory_space<vmem>>
      %dma_start3A_298 = arith.constant 0 : i32
      %dma_start3A_299 = tpu.memref_slice %arg8[%add3A_264, %dma_start3A_298] : memref<80x128xi32, #tpu.memory_space<vmem>> -> memref<1x128xi32, #tpu.memory_space<vmem>>
      %dma_start3A_300 = tpu.memref_squeeze %dma_start3A_299 : memref<1x128xi32, #tpu.memory_space<vmem>> -> memref<128xi32, #tpu.memory_space<vmem>>
      %dma_start3A_301 = arith.constant 0 : i32
      %dma_start3A_302 = arith.constant 0 : i32
      %dma_start3A_303 = tpu.memref_slice %arg11[%dma_start3A_301, %dma_start3A_302] : memref<10112x48xf32, #tpu.memory_space<vmem_shared>> -> memref<10112x48xf32, #tpu.memory_space<vmem_shared>>
      %dma_start3A_304 = tpu.memref_slice %arg13[%dma_start3A_293] : memref<8x!tpu.dma_semaphore, #tpu.memory_space<semaphore_mem>> -> memref<1x!tpu.dma_semaphore, #tpu.memory_space<semaphore_mem>>
      %dma_start3A_305 = tpu.memref_squeeze %dma_start3A_304 : memref<1x!tpu.dma_semaphore, #tpu.memory_space<semaphore_mem>> -> memref<!tpu.dma_semaphore, #tpu.memory_space<semaphore_mem>>
      tpu.enqueue_indirect_dma source(%dma_start3A_297 : memref<128x48xf32, #tpu.memory_space<vmem>>) target(%dma_start3A_303 : memref<10112x48xf32, #tpu.memory_space<vmem_shared>>) offsets(%dma_start3A_300 : memref<128xi32, #tpu.memory_space<vmem>>) semaphore(%dma_start3A_305 : memref<!tpu.dma_semaphore, #tpu.memory_space<semaphore_mem>>) {add = true}
      %mul3A_306 = arith.constant 8 : i32
      %mul3A_307 = arith.muli %scan3A_129, %mul3A_306 : i32
      %add3A_308 = arith.constant 4 : i32
      %add3A_309 = arith.addi %mul3A_307, %add3A_308 : i32
      %ge3A_310 = arith.constant 4 : i32
      %ge3A_311 = arith.cmpi sge, %add3A_309, %ge3A_310 : i32
      %convert_element_type3A_312 = arith.extui %ge3A_311 : i1 to i32
      %cond3A_313 = arith.constant 0 : i32
      %cond3A_314 = arith.cmpi ne, %convert_element_type3A_312, %cond3A_313 : i32
      scf.if %cond3A_314 {
        %dma_wait3A_486 = arith.constant 0 : i32
        %dma_wait3A_487 = arith.constant 0 : i32
        %dma_wait3A_488 = arith.constant 0 : i32
        %dma_wait3A_489 = arith.constant 0 : i32
        %dma_wait3A_490 = arith.constant 0 : i32
        %dma_wait3A_491 = tpu.memref_slice %arg9[%dma_wait3A_486, %dma_wait3A_489, %dma_wait3A_490] : memref<8x128x48xf32, #tpu.memory_space<vmem>> -> memref<1x128x48xf32, #tpu.memory_space<vmem>>
        %dma_wait3A_492 = tpu.memref_squeeze %dma_wait3A_491 : memref<1x128x48xf32, #tpu.memory_space<vmem>> -> memref<128x48xf32, #tpu.memory_space<vmem>>
        %dma_wait3A_493 = arith.constant 0 : i32
        %dma_wait3A_494 = tpu.memref_slice %arg8[%dma_wait3A_487, %dma_wait3A_493] : memref<80x128xi32, #tpu.memory_space<vmem>> -> memref<1x128xi32, #tpu.memory_space<vmem>>
        %dma_wait3A_495 = tpu.memref_squeeze %dma_wait3A_494 : memref<1x128xi32, #tpu.memory_space<vmem>> -> memref<128xi32, #tpu.memory_space<vmem>>
        %dma_wait3A_496 = arith.constant 0 : i32
        %dma_wait3A_497 = arith.constant 0 : i32
        %dma_wait3A_498 = tpu.memref_slice %arg11[%dma_wait3A_496, %dma_wait3A_497] : memref<10112x48xf32, #tpu.memory_space<vmem_shared>> -> memref<10112x48xf32, #tpu.memory_space<vmem_shared>>
        %dma_wait3A_499 = tpu.memref_slice %arg13[%dma_wait3A_488] : memref<8x!tpu.dma_semaphore, #tpu.memory_space<semaphore_mem>> -> memref<1x!tpu.dma_semaphore, #tpu.memory_space<semaphore_mem>>
        %dma_wait3A_500 = tpu.memref_squeeze %dma_wait3A_499 : memref<1x!tpu.dma_semaphore, #tpu.memory_space<semaphore_mem>> -> memref<!tpu.dma_semaphore, #tpu.memory_space<semaphore_mem>>
        tpu.wait_indirect_dma semaphore(%dma_wait3A_500 : memref<!tpu.dma_semaphore, #tpu.memory_space<semaphore_mem>>) src(%dma_wait3A_492 : memref<128x48xf32, #tpu.memory_space<vmem>>) dst(%dma_wait3A_498 : memref<10112x48xf32, #tpu.memory_space<vmem_shared>>)
      } else {
      }
      %add3A_315 = arith.constant 4 : i32
      %add3A_316 = arith.addi %add3A_309, %add3A_315 : i32
      %lt3A_317 = arith.constant 80 : i32
      %lt3A_318 = arith.cmpi slt, %add3A_316, %lt3A_317 : i32
      %convert_element_type3A_319 = arith.extui %lt3A_318 : i1 to i32
      %cond3A_320 = arith.constant 0 : i32
      %cond3A_321 = arith.cmpi ne, %convert_element_type3A_319, %cond3A_320 : i32
      scf.if %cond3A_321 {
        %add3A_486 = arith.constant 4 : i32
        %add3A_487 = arith.addi %add3A_309, %add3A_486 : i32
        %dma_start3A_488 = arith.constant 0 : i32
        %dma_start3A_489 = arith.constant 0 : i32
        %dma_start3A_490 = arith.constant 0 : i32
        %dma_start3A_491 = arith.constant 0 : i32
        %dma_start3A_492 = tpu.memref_slice %arg9[%dma_start3A_488, %dma_start3A_490, %dma_start3A_491] : memref<8x128x48xf32, #tpu.memory_space<vmem>> -> memref<1x128x48xf32, #tpu.memory_space<vmem>>
        %dma_start3A_493 = tpu.memref_squeeze %dma_start3A_492 : memref<1x128x48xf32, #tpu.memory_space<vmem>> -> memref<128x48xf32, #tpu.memory_space<vmem>>
        %dma_start3A_494 = arith.constant 0 : i32
        %dma_start3A_495 = tpu.memref_slice %arg7[%add3A_487, %dma_start3A_494] : memref<80x128xi32, #tpu.memory_space<vmem>> -> memref<1x128xi32, #tpu.memory_space<vmem>>
        %dma_start3A_496 = tpu.memref_squeeze %dma_start3A_495 : memref<1x128xi32, #tpu.memory_space<vmem>> -> memref<128xi32, #tpu.memory_space<vmem>>
        %dma_start3A_497 = arith.constant 0 : i32
        %dma_start3A_498 = arith.constant 0 : i32
        %dma_start3A_499 = tpu.memref_slice %arg10[%dma_start3A_497, %dma_start3A_498] : memref<10112x48xf32, #tpu.memory_space<vmem_shared>> -> memref<10112x48xf32, #tpu.memory_space<vmem_shared>>
        %dma_start3A_500 = tpu.memref_slice %arg12[%dma_start3A_489] : memref<8x!tpu.dma_semaphore, #tpu.memory_space<semaphore_mem>> -> memref<1x!tpu.dma_semaphore, #tpu.memory_space<semaphore_mem>>
        %dma_start3A_501 = tpu.memref_squeeze %dma_start3A_500 : memref<1x!tpu.dma_semaphore, #tpu.memory_space<semaphore_mem>> -> memref<!tpu.dma_semaphore, #tpu.memory_space<semaphore_mem>>
        tpu.enqueue_indirect_dma source(%dma_start3A_499 : memref<10112x48xf32, #tpu.memory_space<vmem_shared>>) target(%dma_start3A_493 : memref<128x48xf32, #tpu.memory_space<vmem>>) offsets(%dma_start3A_496 : memref<128xi32, #tpu.memory_space<vmem>>) semaphore(%dma_start3A_501 : memref<!tpu.dma_semaphore, #tpu.memory_space<semaphore_mem>>)
      } else {
      }
      %dma_wait3A_322 = arith.constant 0 : i32
      %dma_wait3A_323 = arith.constant 4 : i32
      %dma_wait3A_324 = arith.constant 4 : i32
      %dma_wait3A_325 = arith.constant 0 : i32
      %dma_wait3A_326 = arith.constant 0 : i32
      %dma_wait3A_327 = tpu.memref_slice %arg9[%dma_wait3A_323, %dma_wait3A_325, %dma_wait3A_326] : memref<8x128x48xf32, #tpu.memory_space<vmem>> -> memref<1x128x48xf32, #tpu.memory_space<vmem>>
      %dma_wait3A_328 = tpu.memref_squeeze %dma_wait3A_327 : memref<1x128x48xf32, #tpu.memory_space<vmem>> -> memref<128x48xf32, #tpu.memory_space<vmem>>
      %dma_wait3A_329 = arith.constant 0 : i32
      %dma_wait3A_330 = tpu.memref_slice %arg7[%dma_wait3A_322, %dma_wait3A_329] : memref<80x128xi32, #tpu.memory_space<vmem>> -> memref<1x128xi32, #tpu.memory_space<vmem>>
      %dma_wait3A_331 = tpu.memref_squeeze %dma_wait3A_330 : memref<1x128xi32, #tpu.memory_space<vmem>> -> memref<128xi32, #tpu.memory_space<vmem>>
      %dma_wait3A_332 = arith.constant 0 : i32
      %dma_wait3A_333 = arith.constant 0 : i32
      %dma_wait3A_334 = tpu.memref_slice %arg10[%dma_wait3A_332, %dma_wait3A_333] : memref<10112x48xf32, #tpu.memory_space<vmem_shared>> -> memref<10112x48xf32, #tpu.memory_space<vmem_shared>>
      %dma_wait3A_335 = tpu.memref_slice %arg12[%dma_wait3A_324] : memref<8x!tpu.dma_semaphore, #tpu.memory_space<semaphore_mem>> -> memref<1x!tpu.dma_semaphore, #tpu.memory_space<semaphore_mem>>
      %dma_wait3A_336 = tpu.memref_squeeze %dma_wait3A_335 : memref<1x!tpu.dma_semaphore, #tpu.memory_space<semaphore_mem>> -> memref<!tpu.dma_semaphore, #tpu.memory_space<semaphore_mem>>
      tpu.wait_indirect_dma semaphore(%dma_wait3A_336 : memref<!tpu.dma_semaphore, #tpu.memory_space<semaphore_mem>>) src(%dma_wait3A_334 : memref<10112x48xf32, #tpu.memory_space<vmem_shared>>) dst(%dma_wait3A_328 : memref<128x48xf32, #tpu.memory_space<vmem>>)
      %dma_start3A_337 = arith.constant 4 : i32
      %dma_start3A_338 = arith.constant 4 : i32
      %dma_start3A_339 = arith.constant 0 : i32
      %dma_start3A_340 = arith.constant 0 : i32
      %dma_start3A_341 = tpu.memref_slice %arg9[%dma_start3A_337, %dma_start3A_339, %dma_start3A_340] : memref<8x128x48xf32, #tpu.memory_space<vmem>> -> memref<1x128x48xf32, #tpu.memory_space<vmem>>
      %dma_start3A_342 = tpu.memref_squeeze %dma_start3A_341 : memref<1x128x48xf32, #tpu.memory_space<vmem>> -> memref<128x48xf32, #tpu.memory_space<vmem>>
      %dma_start3A_343 = arith.constant 0 : i32
      %dma_start3A_344 = tpu.memref_slice %arg8[%add3A_309, %dma_start3A_343] : memref<80x128xi32, #tpu.memory_space<vmem>> -> memref<1x128xi32, #tpu.memory_space<vmem>>
      %dma_start3A_345 = tpu.memref_squeeze %dma_start3A_344 : memref<1x128xi32, #tpu.memory_space<vmem>> -> memref<128xi32, #tpu.memory_space<vmem>>
      %dma_start3A_346 = arith.constant 0 : i32
      %dma_start3A_347 = arith.constant 0 : i32
      %dma_start3A_348 = tpu.memref_slice %arg11[%dma_start3A_346, %dma_start3A_347] : memref<10112x48xf32, #tpu.memory_space<vmem_shared>> -> memref<10112x48xf32, #tpu.memory_space<vmem_shared>>
      %dma_start3A_349 = tpu.memref_slice %arg13[%dma_start3A_338] : memref<8x!tpu.dma_semaphore, #tpu.memory_space<semaphore_mem>> -> memref<1x!tpu.dma_semaphore, #tpu.memory_space<semaphore_mem>>
      %dma_start3A_350 = tpu.memref_squeeze %dma_start3A_349 : memref<1x!tpu.dma_semaphore, #tpu.memory_space<semaphore_mem>> -> memref<!tpu.dma_semaphore, #tpu.memory_space<semaphore_mem>>
      tpu.enqueue_indirect_dma source(%dma_start3A_342 : memref<128x48xf32, #tpu.memory_space<vmem>>) target(%dma_start3A_348 : memref<10112x48xf32, #tpu.memory_space<vmem_shared>>) offsets(%dma_start3A_345 : memref<128xi32, #tpu.memory_space<vmem>>) semaphore(%dma_start3A_350 : memref<!tpu.dma_semaphore, #tpu.memory_space<semaphore_mem>>) {add = true}
      %mul3A_351 = arith.constant 8 : i32
      %mul3A_352 = arith.muli %scan3A_129, %mul3A_351 : i32
      %add3A_353 = arith.constant 5 : i32
      %add3A_354 = arith.addi %mul3A_352, %add3A_353 : i32
      %ge3A_355 = arith.constant 4 : i32
      %ge3A_356 = arith.cmpi sge, %add3A_354, %ge3A_355 : i32
      %convert_element_type3A_357 = arith.extui %ge3A_356 : i1 to i32
      %cond3A_358 = arith.constant 0 : i32
      %cond3A_359 = arith.cmpi ne, %convert_element_type3A_357, %cond3A_358 : i32
      scf.if %cond3A_359 {
        %dma_wait3A_486 = arith.constant 1 : i32
        %dma_wait3A_487 = arith.constant 0 : i32
        %dma_wait3A_488 = arith.constant 1 : i32
        %dma_wait3A_489 = arith.constant 0 : i32
        %dma_wait3A_490 = arith.constant 0 : i32
        %dma_wait3A_491 = tpu.memref_slice %arg9[%dma_wait3A_486, %dma_wait3A_489, %dma_wait3A_490] : memref<8x128x48xf32, #tpu.memory_space<vmem>> -> memref<1x128x48xf32, #tpu.memory_space<vmem>>
        %dma_wait3A_492 = tpu.memref_squeeze %dma_wait3A_491 : memref<1x128x48xf32, #tpu.memory_space<vmem>> -> memref<128x48xf32, #tpu.memory_space<vmem>>
        %dma_wait3A_493 = arith.constant 0 : i32
        %dma_wait3A_494 = tpu.memref_slice %arg8[%dma_wait3A_487, %dma_wait3A_493] : memref<80x128xi32, #tpu.memory_space<vmem>> -> memref<1x128xi32, #tpu.memory_space<vmem>>
        %dma_wait3A_495 = tpu.memref_squeeze %dma_wait3A_494 : memref<1x128xi32, #tpu.memory_space<vmem>> -> memref<128xi32, #tpu.memory_space<vmem>>
        %dma_wait3A_496 = arith.constant 0 : i32
        %dma_wait3A_497 = arith.constant 0 : i32
        %dma_wait3A_498 = tpu.memref_slice %arg11[%dma_wait3A_496, %dma_wait3A_497] : memref<10112x48xf32, #tpu.memory_space<vmem_shared>> -> memref<10112x48xf32, #tpu.memory_space<vmem_shared>>
        %dma_wait3A_499 = tpu.memref_slice %arg13[%dma_wait3A_488] : memref<8x!tpu.dma_semaphore, #tpu.memory_space<semaphore_mem>> -> memref<1x!tpu.dma_semaphore, #tpu.memory_space<semaphore_mem>>
        %dma_wait3A_500 = tpu.memref_squeeze %dma_wait3A_499 : memref<1x!tpu.dma_semaphore, #tpu.memory_space<semaphore_mem>> -> memref<!tpu.dma_semaphore, #tpu.memory_space<semaphore_mem>>
        tpu.wait_indirect_dma semaphore(%dma_wait3A_500 : memref<!tpu.dma_semaphore, #tpu.memory_space<semaphore_mem>>) src(%dma_wait3A_492 : memref<128x48xf32, #tpu.memory_space<vmem>>) dst(%dma_wait3A_498 : memref<10112x48xf32, #tpu.memory_space<vmem_shared>>)
      } else {
      }
      %add3A_360 = arith.constant 4 : i32
      %add3A_361 = arith.addi %add3A_354, %add3A_360 : i32
      %lt3A_362 = arith.constant 80 : i32
      %lt3A_363 = arith.cmpi slt, %add3A_361, %lt3A_362 : i32
      %convert_element_type3A_364 = arith.extui %lt3A_363 : i1 to i32
      %cond3A_365 = arith.constant 0 : i32
      %cond3A_366 = arith.cmpi ne, %convert_element_type3A_364, %cond3A_365 : i32
      scf.if %cond3A_366 {
        %add3A_486 = arith.constant 4 : i32
        %add3A_487 = arith.addi %add3A_354, %add3A_486 : i32
        %dma_start3A_488 = arith.constant 1 : i32
        %dma_start3A_489 = arith.constant 1 : i32
        %dma_start3A_490 = arith.constant 0 : i32
        %dma_start3A_491 = arith.constant 0 : i32
        %dma_start3A_492 = tpu.memref_slice %arg9[%dma_start3A_488, %dma_start3A_490, %dma_start3A_491] : memref<8x128x48xf32, #tpu.memory_space<vmem>> -> memref<1x128x48xf32, #tpu.memory_space<vmem>>
        %dma_start3A_493 = tpu.memref_squeeze %dma_start3A_492 : memref<1x128x48xf32, #tpu.memory_space<vmem>> -> memref<128x48xf32, #tpu.memory_space<vmem>>
        %dma_start3A_494 = arith.constant 0 : i32
        %dma_start3A_495 = tpu.memref_slice %arg7[%add3A_487, %dma_start3A_494] : memref<80x128xi32, #tpu.memory_space<vmem>> -> memref<1x128xi32, #tpu.memory_space<vmem>>
        %dma_start3A_496 = tpu.memref_squeeze %dma_start3A_495 : memref<1x128xi32, #tpu.memory_space<vmem>> -> memref<128xi32, #tpu.memory_space<vmem>>
        %dma_start3A_497 = arith.constant 0 : i32
        %dma_start3A_498 = arith.constant 0 : i32
        %dma_start3A_499 = tpu.memref_slice %arg10[%dma_start3A_497, %dma_start3A_498] : memref<10112x48xf32, #tpu.memory_space<vmem_shared>> -> memref<10112x48xf32, #tpu.memory_space<vmem_shared>>
        %dma_start3A_500 = tpu.memref_slice %arg12[%dma_start3A_489] : memref<8x!tpu.dma_semaphore, #tpu.memory_space<semaphore_mem>> -> memref<1x!tpu.dma_semaphore, #tpu.memory_space<semaphore_mem>>
        %dma_start3A_501 = tpu.memref_squeeze %dma_start3A_500 : memref<1x!tpu.dma_semaphore, #tpu.memory_space<semaphore_mem>> -> memref<!tpu.dma_semaphore, #tpu.memory_space<semaphore_mem>>
        tpu.enqueue_indirect_dma source(%dma_start3A_499 : memref<10112x48xf32, #tpu.memory_space<vmem_shared>>) target(%dma_start3A_493 : memref<128x48xf32, #tpu.memory_space<vmem>>) offsets(%dma_start3A_496 : memref<128xi32, #tpu.memory_space<vmem>>) semaphore(%dma_start3A_501 : memref<!tpu.dma_semaphore, #tpu.memory_space<semaphore_mem>>)
      } else {
      }
      %dma_wait3A_367 = arith.constant 0 : i32
      %dma_wait3A_368 = arith.constant 5 : i32
      %dma_wait3A_369 = arith.constant 5 : i32
      %dma_wait3A_370 = arith.constant 0 : i32
      %dma_wait3A_371 = arith.constant 0 : i32
      %dma_wait3A_372 = tpu.memref_slice %arg9[%dma_wait3A_368, %dma_wait3A_370, %dma_wait3A_371] : memref<8x128x48xf32, #tpu.memory_space<vmem>> -> memref<1x128x48xf32, #tpu.memory_space<vmem>>
      %dma_wait3A_373 = tpu.memref_squeeze %dma_wait3A_372 : memref<1x128x48xf32, #tpu.memory_space<vmem>> -> memref<128x48xf32, #tpu.memory_space<vmem>>
      %dma_wait3A_374 = arith.constant 0 : i32
      %dma_wait3A_375 = tpu.memref_slice %arg7[%dma_wait3A_367, %dma_wait3A_374] : memref<80x128xi32, #tpu.memory_space<vmem>> -> memref<1x128xi32, #tpu.memory_space<vmem>>
      %dma_wait3A_376 = tpu.memref_squeeze %dma_wait3A_375 : memref<1x128xi32, #tpu.memory_space<vmem>> -> memref<128xi32, #tpu.memory_space<vmem>>
      %dma_wait3A_377 = arith.constant 0 : i32
      %dma_wait3A_378 = arith.constant 0 : i32
      %dma_wait3A_379 = tpu.memref_slice %arg10[%dma_wait3A_377, %dma_wait3A_378] : memref<10112x48xf32, #tpu.memory_space<vmem_shared>> -> memref<10112x48xf32, #tpu.memory_space<vmem_shared>>
      %dma_wait3A_380 = tpu.memref_slice %arg12[%dma_wait3A_369] : memref<8x!tpu.dma_semaphore, #tpu.memory_space<semaphore_mem>> -> memref<1x!tpu.dma_semaphore, #tpu.memory_space<semaphore_mem>>
      %dma_wait3A_381 = tpu.memref_squeeze %dma_wait3A_380 : memref<1x!tpu.dma_semaphore, #tpu.memory_space<semaphore_mem>> -> memref<!tpu.dma_semaphore, #tpu.memory_space<semaphore_mem>>
      tpu.wait_indirect_dma semaphore(%dma_wait3A_381 : memref<!tpu.dma_semaphore, #tpu.memory_space<semaphore_mem>>) src(%dma_wait3A_379 : memref<10112x48xf32, #tpu.memory_space<vmem_shared>>) dst(%dma_wait3A_373 : memref<128x48xf32, #tpu.memory_space<vmem>>)
      %dma_start3A_382 = arith.constant 5 : i32
      %dma_start3A_383 = arith.constant 5 : i32
      %dma_start3A_384 = arith.constant 0 : i32
      %dma_start3A_385 = arith.constant 0 : i32
      %dma_start3A_386 = tpu.memref_slice %arg9[%dma_start3A_382, %dma_start3A_384, %dma_start3A_385] : memref<8x128x48xf32, #tpu.memory_space<vmem>> -> memref<1x128x48xf32, #tpu.memory_space<vmem>>
      %dma_start3A_387 = tpu.memref_squeeze %dma_start3A_386 : memref<1x128x48xf32, #tpu.memory_space<vmem>> -> memref<128x48xf32, #tpu.memory_space<vmem>>
      %dma_start3A_388 = arith.constant 0 : i32
      %dma_start3A_389 = tpu.memref_slice %arg8[%add3A_354, %dma_start3A_388] : memref<80x128xi32, #tpu.memory_space<vmem>> -> memref<1x128xi32, #tpu.memory_space<vmem>>
      %dma_start3A_390 = tpu.memref_squeeze %dma_start3A_389 : memref<1x128xi32, #tpu.memory_space<vmem>> -> memref<128xi32, #tpu.memory_space<vmem>>
      %dma_start3A_391 = arith.constant 0 : i32
      %dma_start3A_392 = arith.constant 0 : i32
      %dma_start3A_393 = tpu.memref_slice %arg11[%dma_start3A_391, %dma_start3A_392] : memref<10112x48xf32, #tpu.memory_space<vmem_shared>> -> memref<10112x48xf32, #tpu.memory_space<vmem_shared>>
      %dma_start3A_394 = tpu.memref_slice %arg13[%dma_start3A_383] : memref<8x!tpu.dma_semaphore, #tpu.memory_space<semaphore_mem>> -> memref<1x!tpu.dma_semaphore, #tpu.memory_space<semaphore_mem>>
      %dma_start3A_395 = tpu.memref_squeeze %dma_start3A_394 : memref<1x!tpu.dma_semaphore, #tpu.memory_space<semaphore_mem>> -> memref<!tpu.dma_semaphore, #tpu.memory_space<semaphore_mem>>
      tpu.enqueue_indirect_dma source(%dma_start3A_387 : memref<128x48xf32, #tpu.memory_space<vmem>>) target(%dma_start3A_393 : memref<10112x48xf32, #tpu.memory_space<vmem_shared>>) offsets(%dma_start3A_390 : memref<128xi32, #tpu.memory_space<vmem>>) semaphore(%dma_start3A_395 : memref<!tpu.dma_semaphore, #tpu.memory_space<semaphore_mem>>) {add = true}
      %mul3A_396 = arith.constant 8 : i32
      %mul3A_397 = arith.muli %scan3A_129, %mul3A_396 : i32
      %add3A_398 = arith.constant 6 : i32
      %add3A_399 = arith.addi %mul3A_397, %add3A_398 : i32
      %ge3A_400 = arith.constant 4 : i32
      %ge3A_401 = arith.cmpi sge, %add3A_399, %ge3A_400 : i32
      %convert_element_type3A_402 = arith.extui %ge3A_401 : i1 to i32
      %cond3A_403 = arith.constant 0 : i32
      %cond3A_404 = arith.cmpi ne, %convert_element_type3A_402, %cond3A_403 : i32
      scf.if %cond3A_404 {
        %dma_wait3A_486 = arith.constant 2 : i32
        %dma_wait3A_487 = arith.constant 0 : i32
        %dma_wait3A_488 = arith.constant 2 : i32
        %dma_wait3A_489 = arith.constant 0 : i32
        %dma_wait3A_490 = arith.constant 0 : i32
        %dma_wait3A_491 = tpu.memref_slice %arg9[%dma_wait3A_486, %dma_wait3A_489, %dma_wait3A_490] : memref<8x128x48xf32, #tpu.memory_space<vmem>> -> memref<1x128x48xf32, #tpu.memory_space<vmem>>
        %dma_wait3A_492 = tpu.memref_squeeze %dma_wait3A_491 : memref<1x128x48xf32, #tpu.memory_space<vmem>> -> memref<128x48xf32, #tpu.memory_space<vmem>>
        %dma_wait3A_493 = arith.constant 0 : i32
        %dma_wait3A_494 = tpu.memref_slice %arg8[%dma_wait3A_487, %dma_wait3A_493] : memref<80x128xi32, #tpu.memory_space<vmem>> -> memref<1x128xi32, #tpu.memory_space<vmem>>
        %dma_wait3A_495 = tpu.memref_squeeze %dma_wait3A_494 : memref<1x128xi32, #tpu.memory_space<vmem>> -> memref<128xi32, #tpu.memory_space<vmem>>
        %dma_wait3A_496 = arith.constant 0 : i32
        %dma_wait3A_497 = arith.constant 0 : i32
        %dma_wait3A_498 = tpu.memref_slice %arg11[%dma_wait3A_496, %dma_wait3A_497] : memref<10112x48xf32, #tpu.memory_space<vmem_shared>> -> memref<10112x48xf32, #tpu.memory_space<vmem_shared>>
        %dma_wait3A_499 = tpu.memref_slice %arg13[%dma_wait3A_488] : memref<8x!tpu.dma_semaphore, #tpu.memory_space<semaphore_mem>> -> memref<1x!tpu.dma_semaphore, #tpu.memory_space<semaphore_mem>>
        %dma_wait3A_500 = tpu.memref_squeeze %dma_wait3A_499 : memref<1x!tpu.dma_semaphore, #tpu.memory_space<semaphore_mem>> -> memref<!tpu.dma_semaphore, #tpu.memory_space<semaphore_mem>>
        tpu.wait_indirect_dma semaphore(%dma_wait3A_500 : memref<!tpu.dma_semaphore, #tpu.memory_space<semaphore_mem>>) src(%dma_wait3A_492 : memref<128x48xf32, #tpu.memory_space<vmem>>) dst(%dma_wait3A_498 : memref<10112x48xf32, #tpu.memory_space<vmem_shared>>)
      } else {
      }
      %add3A_405 = arith.constant 4 : i32
      %add3A_406 = arith.addi %add3A_399, %add3A_405 : i32
      %lt3A_407 = arith.constant 80 : i32
      %lt3A_408 = arith.cmpi slt, %add3A_406, %lt3A_407 : i32
      %convert_element_type3A_409 = arith.extui %lt3A_408 : i1 to i32
      %cond3A_410 = arith.constant 0 : i32
      %cond3A_411 = arith.cmpi ne, %convert_element_type3A_409, %cond3A_410 : i32
      scf.if %cond3A_411 {
        %add3A_486 = arith.constant 4 : i32
        %add3A_487 = arith.addi %add3A_399, %add3A_486 : i32
        %dma_start3A_488 = arith.constant 2 : i32
        %dma_start3A_489 = arith.constant 2 : i32
        %dma_start3A_490 = arith.constant 0 : i32
        %dma_start3A_491 = arith.constant 0 : i32
        %dma_start3A_492 = tpu.memref_slice %arg9[%dma_start3A_488, %dma_start3A_490, %dma_start3A_491] : memref<8x128x48xf32, #tpu.memory_space<vmem>> -> memref<1x128x48xf32, #tpu.memory_space<vmem>>
        %dma_start3A_493 = tpu.memref_squeeze %dma_start3A_492 : memref<1x128x48xf32, #tpu.memory_space<vmem>> -> memref<128x48xf32, #tpu.memory_space<vmem>>
        %dma_start3A_494 = arith.constant 0 : i32
        %dma_start3A_495 = tpu.memref_slice %arg7[%add3A_487, %dma_start3A_494] : memref<80x128xi32, #tpu.memory_space<vmem>> -> memref<1x128xi32, #tpu.memory_space<vmem>>
        %dma_start3A_496 = tpu.memref_squeeze %dma_start3A_495 : memref<1x128xi32, #tpu.memory_space<vmem>> -> memref<128xi32, #tpu.memory_space<vmem>>
        %dma_start3A_497 = arith.constant 0 : i32
        %dma_start3A_498 = arith.constant 0 : i32
        %dma_start3A_499 = tpu.memref_slice %arg10[%dma_start3A_497, %dma_start3A_498] : memref<10112x48xf32, #tpu.memory_space<vmem_shared>> -> memref<10112x48xf32, #tpu.memory_space<vmem_shared>>
        %dma_start3A_500 = tpu.memref_slice %arg12[%dma_start3A_489] : memref<8x!tpu.dma_semaphore, #tpu.memory_space<semaphore_mem>> -> memref<1x!tpu.dma_semaphore, #tpu.memory_space<semaphore_mem>>
        %dma_start3A_501 = tpu.memref_squeeze %dma_start3A_500 : memref<1x!tpu.dma_semaphore, #tpu.memory_space<semaphore_mem>> -> memref<!tpu.dma_semaphore, #tpu.memory_space<semaphore_mem>>
        tpu.enqueue_indirect_dma source(%dma_start3A_499 : memref<10112x48xf32, #tpu.memory_space<vmem_shared>>) target(%dma_start3A_493 : memref<128x48xf32, #tpu.memory_space<vmem>>) offsets(%dma_start3A_496 : memref<128xi32, #tpu.memory_space<vmem>>) semaphore(%dma_start3A_501 : memref<!tpu.dma_semaphore, #tpu.memory_space<semaphore_mem>>)
      } else {
      }
      %dma_wait3A_412 = arith.constant 0 : i32
      %dma_wait3A_413 = arith.constant 6 : i32
      %dma_wait3A_414 = arith.constant 6 : i32
      %dma_wait3A_415 = arith.constant 0 : i32
      %dma_wait3A_416 = arith.constant 0 : i32
      %dma_wait3A_417 = tpu.memref_slice %arg9[%dma_wait3A_413, %dma_wait3A_415, %dma_wait3A_416] : memref<8x128x48xf32, #tpu.memory_space<vmem>> -> memref<1x128x48xf32, #tpu.memory_space<vmem>>
      %dma_wait3A_418 = tpu.memref_squeeze %dma_wait3A_417 : memref<1x128x48xf32, #tpu.memory_space<vmem>> -> memref<128x48xf32, #tpu.memory_space<vmem>>
      %dma_wait3A_419 = arith.constant 0 : i32
      %dma_wait3A_420 = tpu.memref_slice %arg7[%dma_wait3A_412, %dma_wait3A_419] : memref<80x128xi32, #tpu.memory_space<vmem>> -> memref<1x128xi32, #tpu.memory_space<vmem>>
      %dma_wait3A_421 = tpu.memref_squeeze %dma_wait3A_420 : memref<1x128xi32, #tpu.memory_space<vmem>> -> memref<128xi32, #tpu.memory_space<vmem>>
      %dma_wait3A_422 = arith.constant 0 : i32
      %dma_wait3A_423 = arith.constant 0 : i32
      %dma_wait3A_424 = tpu.memref_slice %arg10[%dma_wait3A_422, %dma_wait3A_423] : memref<10112x48xf32, #tpu.memory_space<vmem_shared>> -> memref<10112x48xf32, #tpu.memory_space<vmem_shared>>
      %dma_wait3A_425 = tpu.memref_slice %arg12[%dma_wait3A_414] : memref<8x!tpu.dma_semaphore, #tpu.memory_space<semaphore_mem>> -> memref<1x!tpu.dma_semaphore, #tpu.memory_space<semaphore_mem>>
      %dma_wait3A_426 = tpu.memref_squeeze %dma_wait3A_425 : memref<1x!tpu.dma_semaphore, #tpu.memory_space<semaphore_mem>> -> memref<!tpu.dma_semaphore, #tpu.memory_space<semaphore_mem>>
      tpu.wait_indirect_dma semaphore(%dma_wait3A_426 : memref<!tpu.dma_semaphore, #tpu.memory_space<semaphore_mem>>) src(%dma_wait3A_424 : memref<10112x48xf32, #tpu.memory_space<vmem_shared>>) dst(%dma_wait3A_418 : memref<128x48xf32, #tpu.memory_space<vmem>>)
      %dma_start3A_427 = arith.constant 6 : i32
      %dma_start3A_428 = arith.constant 6 : i32
      %dma_start3A_429 = arith.constant 0 : i32
      %dma_start3A_430 = arith.constant 0 : i32
      %dma_start3A_431 = tpu.memref_slice %arg9[%dma_start3A_427, %dma_start3A_429, %dma_start3A_430] : memref<8x128x48xf32, #tpu.memory_space<vmem>> -> memref<1x128x48xf32, #tpu.memory_space<vmem>>
      %dma_start3A_432 = tpu.memref_squeeze %dma_start3A_431 : memref<1x128x48xf32, #tpu.memory_space<vmem>> -> memref<128x48xf32, #tpu.memory_space<vmem>>
      %dma_start3A_433 = arith.constant 0 : i32
      %dma_start3A_434 = tpu.memref_slice %arg8[%add3A_399, %dma_start3A_433] : memref<80x128xi32, #tpu.memory_space<vmem>> -> memref<1x128xi32, #tpu.memory_space<vmem>>
      %dma_start3A_435 = tpu.memref_squeeze %dma_start3A_434 : memref<1x128xi32, #tpu.memory_space<vmem>> -> memref<128xi32, #tpu.memory_space<vmem>>
      %dma_start3A_436 = arith.constant 0 : i32
      %dma_start3A_437 = arith.constant 0 : i32
      %dma_start3A_438 = tpu.memref_slice %arg11[%dma_start3A_436, %dma_start3A_437] : memref<10112x48xf32, #tpu.memory_space<vmem_shared>> -> memref<10112x48xf32, #tpu.memory_space<vmem_shared>>
      %dma_start3A_439 = tpu.memref_slice %arg13[%dma_start3A_428] : memref<8x!tpu.dma_semaphore, #tpu.memory_space<semaphore_mem>> -> memref<1x!tpu.dma_semaphore, #tpu.memory_space<semaphore_mem>>
      %dma_start3A_440 = tpu.memref_squeeze %dma_start3A_439 : memref<1x!tpu.dma_semaphore, #tpu.memory_space<semaphore_mem>> -> memref<!tpu.dma_semaphore, #tpu.memory_space<semaphore_mem>>
      tpu.enqueue_indirect_dma source(%dma_start3A_432 : memref<128x48xf32, #tpu.memory_space<vmem>>) target(%dma_start3A_438 : memref<10112x48xf32, #tpu.memory_space<vmem_shared>>) offsets(%dma_start3A_435 : memref<128xi32, #tpu.memory_space<vmem>>) semaphore(%dma_start3A_440 : memref<!tpu.dma_semaphore, #tpu.memory_space<semaphore_mem>>) {add = true}
      %mul3A_441 = arith.constant 8 : i32
      %mul3A_442 = arith.muli %scan3A_129, %mul3A_441 : i32
      %add3A_443 = arith.constant 7 : i32
      %add3A_444 = arith.addi %mul3A_442, %add3A_443 : i32
      %ge3A_445 = arith.constant 4 : i32
      %ge3A_446 = arith.cmpi sge, %add3A_444, %ge3A_445 : i32
      %convert_element_type3A_447 = arith.extui %ge3A_446 : i1 to i32
      %cond3A_448 = arith.constant 0 : i32
      %cond3A_449 = arith.cmpi ne, %convert_element_type3A_447, %cond3A_448 : i32
      scf.if %cond3A_449 {
        %dma_wait3A_486 = arith.constant 3 : i32
        %dma_wait3A_487 = arith.constant 0 : i32
        %dma_wait3A_488 = arith.constant 3 : i32
        %dma_wait3A_489 = arith.constant 0 : i32
        %dma_wait3A_490 = arith.constant 0 : i32
        %dma_wait3A_491 = tpu.memref_slice %arg9[%dma_wait3A_486, %dma_wait3A_489, %dma_wait3A_490] : memref<8x128x48xf32, #tpu.memory_space<vmem>> -> memref<1x128x48xf32, #tpu.memory_space<vmem>>
        %dma_wait3A_492 = tpu.memref_squeeze %dma_wait3A_491 : memref<1x128x48xf32, #tpu.memory_space<vmem>> -> memref<128x48xf32, #tpu.memory_space<vmem>>
        %dma_wait3A_493 = arith.constant 0 : i32
        %dma_wait3A_494 = tpu.memref_slice %arg8[%dma_wait3A_487, %dma_wait3A_493] : memref<80x128xi32, #tpu.memory_space<vmem>> -> memref<1x128xi32, #tpu.memory_space<vmem>>
        %dma_wait3A_495 = tpu.memref_squeeze %dma_wait3A_494 : memref<1x128xi32, #tpu.memory_space<vmem>> -> memref<128xi32, #tpu.memory_space<vmem>>
        %dma_wait3A_496 = arith.constant 0 : i32
        %dma_wait3A_497 = arith.constant 0 : i32
        %dma_wait3A_498 = tpu.memref_slice %arg11[%dma_wait3A_496, %dma_wait3A_497] : memref<10112x48xf32, #tpu.memory_space<vmem_shared>> -> memref<10112x48xf32, #tpu.memory_space<vmem_shared>>
        %dma_wait3A_499 = tpu.memref_slice %arg13[%dma_wait3A_488] : memref<8x!tpu.dma_semaphore, #tpu.memory_space<semaphore_mem>> -> memref<1x!tpu.dma_semaphore, #tpu.memory_space<semaphore_mem>>
        %dma_wait3A_500 = tpu.memref_squeeze %dma_wait3A_499 : memref<1x!tpu.dma_semaphore, #tpu.memory_space<semaphore_mem>> -> memref<!tpu.dma_semaphore, #tpu.memory_space<semaphore_mem>>
        tpu.wait_indirect_dma semaphore(%dma_wait3A_500 : memref<!tpu.dma_semaphore, #tpu.memory_space<semaphore_mem>>) src(%dma_wait3A_492 : memref<128x48xf32, #tpu.memory_space<vmem>>) dst(%dma_wait3A_498 : memref<10112x48xf32, #tpu.memory_space<vmem_shared>>)
      } else {
      }
      %add3A_450 = arith.constant 4 : i32
      %add3A_451 = arith.addi %add3A_444, %add3A_450 : i32
      %lt3A_452 = arith.constant 80 : i32
      %lt3A_453 = arith.cmpi slt, %add3A_451, %lt3A_452 : i32
      %convert_element_type3A_454 = arith.extui %lt3A_453 : i1 to i32
      %cond3A_455 = arith.constant 0 : i32
      %cond3A_456 = arith.cmpi ne, %convert_element_type3A_454, %cond3A_455 : i32
      scf.if %cond3A_456 {
        %add3A_486 = arith.constant 4 : i32
        %add3A_487 = arith.addi %add3A_444, %add3A_486 : i32
        %dma_start3A_488 = arith.constant 3 : i32
        %dma_start3A_489 = arith.constant 3 : i32
        %dma_start3A_490 = arith.constant 0 : i32
        %dma_start3A_491 = arith.constant 0 : i32
        %dma_start3A_492 = tpu.memref_slice %arg9[%dma_start3A_488, %dma_start3A_490, %dma_start3A_491] : memref<8x128x48xf32, #tpu.memory_space<vmem>> -> memref<1x128x48xf32, #tpu.memory_space<vmem>>
        %dma_start3A_493 = tpu.memref_squeeze %dma_start3A_492 : memref<1x128x48xf32, #tpu.memory_space<vmem>> -> memref<128x48xf32, #tpu.memory_space<vmem>>
        %dma_start3A_494 = arith.constant 0 : i32
        %dma_start3A_495 = tpu.memref_slice %arg7[%add3A_487, %dma_start3A_494] : memref<80x128xi32, #tpu.memory_space<vmem>> -> memref<1x128xi32, #tpu.memory_space<vmem>>
        %dma_start3A_496 = tpu.memref_squeeze %dma_start3A_495 : memref<1x128xi32, #tpu.memory_space<vmem>> -> memref<128xi32, #tpu.memory_space<vmem>>
        %dma_start3A_497 = arith.constant 0 : i32
        %dma_start3A_498 = arith.constant 0 : i32
        %dma_start3A_499 = tpu.memref_slice %arg10[%dma_start3A_497, %dma_start3A_498] : memref<10112x48xf32, #tpu.memory_space<vmem_shared>> -> memref<10112x48xf32, #tpu.memory_space<vmem_shared>>
        %dma_start3A_500 = tpu.memref_slice %arg12[%dma_start3A_489] : memref<8x!tpu.dma_semaphore, #tpu.memory_space<semaphore_mem>> -> memref<1x!tpu.dma_semaphore, #tpu.memory_space<semaphore_mem>>
        %dma_start3A_501 = tpu.memref_squeeze %dma_start3A_500 : memref<1x!tpu.dma_semaphore, #tpu.memory_space<semaphore_mem>> -> memref<!tpu.dma_semaphore, #tpu.memory_space<semaphore_mem>>
        tpu.enqueue_indirect_dma source(%dma_start3A_499 : memref<10112x48xf32, #tpu.memory_space<vmem_shared>>) target(%dma_start3A_493 : memref<128x48xf32, #tpu.memory_space<vmem>>) offsets(%dma_start3A_496 : memref<128xi32, #tpu.memory_space<vmem>>) semaphore(%dma_start3A_501 : memref<!tpu.dma_semaphore, #tpu.memory_space<semaphore_mem>>)
      } else {
      }
      %dma_wait3A_457 = arith.constant 0 : i32
      %dma_wait3A_458 = arith.constant 7 : i32
      %dma_wait3A_459 = arith.constant 7 : i32
      %dma_wait3A_460 = arith.constant 0 : i32
      %dma_wait3A_461 = arith.constant 0 : i32
      %dma_wait3A_462 = tpu.memref_slice %arg9[%dma_wait3A_458, %dma_wait3A_460, %dma_wait3A_461] : memref<8x128x48xf32, #tpu.memory_space<vmem>> -> memref<1x128x48xf32, #tpu.memory_space<vmem>>
      %dma_wait3A_463 = tpu.memref_squeeze %dma_wait3A_462 : memref<1x128x48xf32, #tpu.memory_space<vmem>> -> memref<128x48xf32, #tpu.memory_space<vmem>>
      %dma_wait3A_464 = arith.constant 0 : i32
      %dma_wait3A_465 = tpu.memref_slice %arg7[%dma_wait3A_457, %dma_wait3A_464] : memref<80x128xi32, #tpu.memory_space<vmem>> -> memref<1x128xi32, #tpu.memory_space<vmem>>
      %dma_wait3A_466 = tpu.memref_squeeze %dma_wait3A_465 : memref<1x128xi32, #tpu.memory_space<vmem>> -> memref<128xi32, #tpu.memory_space<vmem>>
      %dma_wait3A_467 = arith.constant 0 : i32
      %dma_wait3A_468 = arith.constant 0 : i32
      %dma_wait3A_469 = tpu.memref_slice %arg10[%dma_wait3A_467, %dma_wait3A_468] : memref<10112x48xf32, #tpu.memory_space<vmem_shared>> -> memref<10112x48xf32, #tpu.memory_space<vmem_shared>>
      %dma_wait3A_470 = tpu.memref_slice %arg12[%dma_wait3A_459] : memref<8x!tpu.dma_semaphore, #tpu.memory_space<semaphore_mem>> -> memref<1x!tpu.dma_semaphore, #tpu.memory_space<semaphore_mem>>
      %dma_wait3A_471 = tpu.memref_squeeze %dma_wait3A_470 : memref<1x!tpu.dma_semaphore, #tpu.memory_space<semaphore_mem>> -> memref<!tpu.dma_semaphore, #tpu.memory_space<semaphore_mem>>
      tpu.wait_indirect_dma semaphore(%dma_wait3A_471 : memref<!tpu.dma_semaphore, #tpu.memory_space<semaphore_mem>>) src(%dma_wait3A_469 : memref<10112x48xf32, #tpu.memory_space<vmem_shared>>) dst(%dma_wait3A_463 : memref<128x48xf32, #tpu.memory_space<vmem>>)
      %dma_start3A_472 = arith.constant 7 : i32
      %dma_start3A_473 = arith.constant 7 : i32
      %dma_start3A_474 = arith.constant 0 : i32
      %dma_start3A_475 = arith.constant 0 : i32
      %dma_start3A_476 = tpu.memref_slice %arg9[%dma_start3A_472, %dma_start3A_474, %dma_start3A_475] : memref<8x128x48xf32, #tpu.memory_space<vmem>> -> memref<1x128x48xf32, #tpu.memory_space<vmem>>
      %dma_start3A_477 = tpu.memref_squeeze %dma_start3A_476 : memref<1x128x48xf32, #tpu.memory_space<vmem>> -> memref<128x48xf32, #tpu.memory_space<vmem>>
      %dma_start3A_478 = arith.constant 0 : i32
      %dma_start3A_479 = tpu.memref_slice %arg8[%add3A_444, %dma_start3A_478] : memref<80x128xi32, #tpu.memory_space<vmem>> -> memref<1x128xi32, #tpu.memory_space<vmem>>
      %dma_start3A_480 = tpu.memref_squeeze %dma_start3A_479 : memref<1x128xi32, #tpu.memory_space<vmem>> -> memref<128xi32, #tpu.memory_space<vmem>>
      %dma_start3A_481 = arith.constant 0 : i32
      %dma_start3A_482 = arith.constant 0 : i32
      %dma_start3A_483 = tpu.memref_slice %arg11[%dma_start3A_481, %dma_start3A_482] : memref<10112x48xf32, #tpu.memory_space<vmem_shared>> -> memref<10112x48xf32, #tpu.memory_space<vmem_shared>>
      %dma_start3A_484 = tpu.memref_slice %arg13[%dma_start3A_473] : memref<8x!tpu.dma_semaphore, #tpu.memory_space<semaphore_mem>> -> memref<1x!tpu.dma_semaphore, #tpu.memory_space<semaphore_mem>>
      %dma_start3A_485 = tpu.memref_squeeze %dma_start3A_484 : memref<1x!tpu.dma_semaphore, #tpu.memory_space<semaphore_mem>> -> memref<!tpu.dma_semaphore, #tpu.memory_space<semaphore_mem>>
      tpu.enqueue_indirect_dma source(%dma_start3A_477 : memref<128x48xf32, #tpu.memory_space<vmem>>) target(%dma_start3A_483 : memref<10112x48xf32, #tpu.memory_space<vmem_shared>>) offsets(%dma_start3A_480 : memref<128xi32, #tpu.memory_space<vmem>>) semaphore(%dma_start3A_485 : memref<!tpu.dma_semaphore, #tpu.memory_space<semaphore_mem>>) {add = true}
    }
    %scan3A_68 = arith.constant 10 : i32
    %dma_wait3A = arith.constant 4 : i32
    %dma_wait3A_69 = arith.constant 0 : i32
    %dma_wait3A_70 = arith.constant 4 : i32
    %dma_wait3A_71 = arith.constant 0 : i32
    %dma_wait3A_72 = arith.constant 0 : i32
    %dma_wait3A_73 = tpu.memref_slice %arg9[%dma_wait3A, %dma_wait3A_71, %dma_wait3A_72] : memref<8x128x48xf32, #tpu.memory_space<vmem>> -> memref<1x128x48xf32, #tpu.memory_space<vmem>>
    %dma_wait3A_74 = tpu.memref_squeeze %dma_wait3A_73 : memref<1x128x48xf32, #tpu.memory_space<vmem>> -> memref<128x48xf32, #tpu.memory_space<vmem>>
    %dma_wait3A_75 = arith.constant 0 : i32
    %dma_wait3A_76 = tpu.memref_slice %arg8[%dma_wait3A_69, %dma_wait3A_75] : memref<80x128xi32, #tpu.memory_space<vmem>> -> memref<1x128xi32, #tpu.memory_space<vmem>>
    %dma_wait3A_77 = tpu.memref_squeeze %dma_wait3A_76 : memref<1x128xi32, #tpu.memory_space<vmem>> -> memref<128xi32, #tpu.memory_space<vmem>>
    %dma_wait3A_78 = arith.constant 0 : i32
    %dma_wait3A_79 = arith.constant 0 : i32
    %dma_wait3A_80 = tpu.memref_slice %arg11[%dma_wait3A_78, %dma_wait3A_79] : memref<10112x48xf32, #tpu.memory_space<vmem_shared>> -> memref<10112x48xf32, #tpu.memory_space<vmem_shared>>
    %dma_wait3A_81 = tpu.memref_slice %arg13[%dma_wait3A_70] : memref<8x!tpu.dma_semaphore, #tpu.memory_space<semaphore_mem>> -> memref<1x!tpu.dma_semaphore, #tpu.memory_space<semaphore_mem>>
    %dma_wait3A_82 = tpu.memref_squeeze %dma_wait3A_81 : memref<1x!tpu.dma_semaphore, #tpu.memory_space<semaphore_mem>> -> memref<!tpu.dma_semaphore, #tpu.memory_space<semaphore_mem>>
    tpu.wait_indirect_dma semaphore(%dma_wait3A_82 : memref<!tpu.dma_semaphore, #tpu.memory_space<semaphore_mem>>) src(%dma_wait3A_74 : memref<128x48xf32, #tpu.memory_space<vmem>>) dst(%dma_wait3A_80 : memref<10112x48xf32, #tpu.memory_space<vmem_shared>>)
    %dma_wait3A_83 = arith.constant 5 : i32
    %dma_wait3A_84 = arith.constant 0 : i32
    %dma_wait3A_85 = arith.constant 5 : i32
    %dma_wait3A_86 = arith.constant 0 : i32
    %dma_wait3A_87 = arith.constant 0 : i32
    %dma_wait3A_88 = tpu.memref_slice %arg9[%dma_wait3A_83, %dma_wait3A_86, %dma_wait3A_87] : memref<8x128x48xf32, #tpu.memory_space<vmem>> -> memref<1x128x48xf32, #tpu.memory_space<vmem>>
    %dma_wait3A_89 = tpu.memref_squeeze %dma_wait3A_88 : memref<1x128x48xf32, #tpu.memory_space<vmem>> -> memref<128x48xf32, #tpu.memory_space<vmem>>
    %dma_wait3A_90 = arith.constant 0 : i32
    %dma_wait3A_91 = tpu.memref_slice %arg8[%dma_wait3A_84, %dma_wait3A_90] : memref<80x128xi32, #tpu.memory_space<vmem>> -> memref<1x128xi32, #tpu.memory_space<vmem>>
    %dma_wait3A_92 = tpu.memref_squeeze %dma_wait3A_91 : memref<1x128xi32, #tpu.memory_space<vmem>> -> memref<128xi32, #tpu.memory_space<vmem>>
    %dma_wait3A_93 = arith.constant 0 : i32
    %dma_wait3A_94 = arith.constant 0 : i32
    %dma_wait3A_95 = tpu.memref_slice %arg11[%dma_wait3A_93, %dma_wait3A_94] : memref<10112x48xf32, #tpu.memory_space<vmem_shared>> -> memref<10112x48xf32, #tpu.memory_space<vmem_shared>>
    %dma_wait3A_96 = tpu.memref_slice %arg13[%dma_wait3A_85] : memref<8x!tpu.dma_semaphore, #tpu.memory_space<semaphore_mem>> -> memref<1x!tpu.dma_semaphore, #tpu.memory_space<semaphore_mem>>
    %dma_wait3A_97 = tpu.memref_squeeze %dma_wait3A_96 : memref<1x!tpu.dma_semaphore, #tpu.memory_space<semaphore_mem>> -> memref<!tpu.dma_semaphore, #tpu.memory_space<semaphore_mem>>
    tpu.wait_indirect_dma semaphore(%dma_wait3A_97 : memref<!tpu.dma_semaphore, #tpu.memory_space<semaphore_mem>>) src(%dma_wait3A_89 : memref<128x48xf32, #tpu.memory_space<vmem>>) dst(%dma_wait3A_95 : memref<10112x48xf32, #tpu.memory_space<vmem_shared>>)
    %dma_wait3A_98 = arith.constant 6 : i32
    %dma_wait3A_99 = arith.constant 0 : i32
    %dma_wait3A_100 = arith.constant 6 : i32
    %dma_wait3A_101 = arith.constant 0 : i32
    %dma_wait3A_102 = arith.constant 0 : i32
    %dma_wait3A_103 = tpu.memref_slice %arg9[%dma_wait3A_98, %dma_wait3A_101, %dma_wait3A_102] : memref<8x128x48xf32, #tpu.memory_space<vmem>> -> memref<1x128x48xf32, #tpu.memory_space<vmem>>
    %dma_wait3A_104 = tpu.memref_squeeze %dma_wait3A_103 : memref<1x128x48xf32, #tpu.memory_space<vmem>> -> memref<128x48xf32, #tpu.memory_space<vmem>>
    %dma_wait3A_105 = arith.constant 0 : i32
    %dma_wait3A_106 = tpu.memref_slice %arg8[%dma_wait3A_99, %dma_wait3A_105] : memref<80x128xi32, #tpu.memory_space<vmem>> -> memref<1x128xi32, #tpu.memory_space<vmem>>
    %dma_wait3A_107 = tpu.memref_squeeze %dma_wait3A_106 : memref<1x128xi32, #tpu.memory_space<vmem>> -> memref<128xi32, #tpu.memory_space<vmem>>
    %dma_wait3A_108 = arith.constant 0 : i32
    %dma_wait3A_109 = arith.constant 0 : i32
    %dma_wait3A_110 = tpu.memref_slice %arg11[%dma_wait3A_108, %dma_wait3A_109] : memref<10112x48xf32, #tpu.memory_space<vmem_shared>> -> memref<10112x48xf32, #tpu.memory_space<vmem_shared>>
    %dma_wait3A_111 = tpu.memref_slice %arg13[%dma_wait3A_100] : memref<8x!tpu.dma_semaphore, #tpu.memory_space<semaphore_mem>> -> memref<1x!tpu.dma_semaphore, #tpu.memory_space<semaphore_mem>>
    %dma_wait3A_112 = tpu.memref_squeeze %dma_wait3A_111 : memref<1x!tpu.dma_semaphore, #tpu.memory_space<semaphore_mem>> -> memref<!tpu.dma_semaphore, #tpu.memory_space<semaphore_mem>>
    tpu.wait_indirect_dma semaphore(%dma_wait3A_112 : memref<!tpu.dma_semaphore, #tpu.memory_space<semaphore_mem>>) src(%dma_wait3A_104 : memref<128x48xf32, #tpu.memory_space<vmem>>) dst(%dma_wait3A_110 : memref<10112x48xf32, #tpu.memory_space<vmem_shared>>)
    %dma_wait3A_113 = arith.constant 7 : i32
    %dma_wait3A_114 = arith.constant 0 : i32
    %dma_wait3A_115 = arith.constant 7 : i32
    %dma_wait3A_116 = arith.constant 0 : i32
    %dma_wait3A_117 = arith.constant 0 : i32
    %dma_wait3A_118 = tpu.memref_slice %arg9[%dma_wait3A_113, %dma_wait3A_116, %dma_wait3A_117] : memref<8x128x48xf32, #tpu.memory_space<vmem>> -> memref<1x128x48xf32, #tpu.memory_space<vmem>>
    %dma_wait3A_119 = tpu.memref_squeeze %dma_wait3A_118 : memref<1x128x48xf32, #tpu.memory_space<vmem>> -> memref<128x48xf32, #tpu.memory_space<vmem>>
    %dma_wait3A_120 = arith.constant 0 : i32
    %dma_wait3A_121 = tpu.memref_slice %arg8[%dma_wait3A_114, %dma_wait3A_120] : memref<80x128xi32, #tpu.memory_space<vmem>> -> memref<1x128xi32, #tpu.memory_space<vmem>>
    %dma_wait3A_122 = tpu.memref_squeeze %dma_wait3A_121 : memref<1x128xi32, #tpu.memory_space<vmem>> -> memref<128xi32, #tpu.memory_space<vmem>>
    %dma_wait3A_123 = arith.constant 0 : i32
    %dma_wait3A_124 = arith.constant 0 : i32
    %dma_wait3A_125 = tpu.memref_slice %arg11[%dma_wait3A_123, %dma_wait3A_124] : memref<10112x48xf32, #tpu.memory_space<vmem_shared>> -> memref<10112x48xf32, #tpu.memory_space<vmem_shared>>
    %dma_wait3A_126 = tpu.memref_slice %arg13[%dma_wait3A_115] : memref<8x!tpu.dma_semaphore, #tpu.memory_space<semaphore_mem>> -> memref<1x!tpu.dma_semaphore, #tpu.memory_space<semaphore_mem>>
    %dma_wait3A_127 = tpu.memref_squeeze %dma_wait3A_126 : memref<1x!tpu.dma_semaphore, #tpu.memory_space<semaphore_mem>> -> memref<!tpu.dma_semaphore, #tpu.memory_space<semaphore_mem>>
    tpu.wait_indirect_dma semaphore(%dma_wait3A_127 : memref<!tpu.dma_semaphore, #tpu.memory_space<semaphore_mem>>) src(%dma_wait3A_119 : memref<128x48xf32, #tpu.memory_space<vmem>>) dst(%dma_wait3A_125 : memref<10112x48xf32, #tpu.memory_space<vmem_shared>>)
    %barrier3A_128 = arith.constant 0 : index
    tpu.barrier barrier_id(%barrier3A_128)
    "tpu.region"() ({
      %run_scoped3A = tpu.sem_alloc : memref<!tpu.dma_semaphore, #tpu.memory_space<semaphore_mem>>
      %dma_start3A_129 = arith.constant 0 : i32
      %dma_start3A_130 = arith.constant 0 : i32
      %dma_start3A_131 = tpu.memref_slice %arg6[%arg0, %dma_start3A_129, %dma_start3A_130] : memref<2x10112x48xf32, #tpu.memory_space<hbm>> -> memref<1x10112x48xf32, #tpu.memory_space<hbm>>
      %dma_start3A_132 = tpu.memref_squeeze %dma_start3A_131 : memref<1x10112x48xf32, #tpu.memory_space<hbm>> -> memref<10112x48xf32, #tpu.memory_space<hbm>>
      %dma_start3A_133 = arith.constant 0 : i32
      %dma_start3A_134 = tpu.memref_slice %dma_start3A_132[%mul3A_2, %dma_start3A_133] : memref<10112x48xf32, #tpu.memory_space<hbm>> -> memref<632x48xf32, #tpu.memory_space<hbm>>
      %dma_start3A_135 = arith.constant 0 : i32
      %dma_start3A_136 = tpu.memref_slice %arg11[%mul3A_2, %dma_start3A_135] : memref<10112x48xf32, #tpu.memory_space<vmem_shared>> -> memref<632x48xf32, #tpu.memory_space<vmem_shared>>
      tpu.enqueue_dma source(%dma_start3A_136 : memref<632x48xf32, #tpu.memory_space<vmem_shared>>) target(%dma_start3A_134 : memref<632x48xf32, #tpu.memory_space<hbm>>) target_semaphore(%run_scoped3A : memref<!tpu.dma_semaphore, #tpu.memory_space<semaphore_mem>>)
      %dma_wait3A_137 = arith.constant 0 : i32
      %dma_wait3A_138 = arith.constant 0 : i32
      %dma_wait3A_139 = tpu.memref_slice %arg6[%arg0, %dma_wait3A_137, %dma_wait3A_138] : memref<2x10112x48xf32, #tpu.memory_space<hbm>> -> memref<1x10112x48xf32, #tpu.memory_space<hbm>>
      %dma_wait3A_140 = tpu.memref_squeeze %dma_wait3A_139 : memref<1x10112x48xf32, #tpu.memory_space<hbm>> -> memref<10112x48xf32, #tpu.memory_space<hbm>>
      %dma_wait3A_141 = arith.constant 0 : i32
      %dma_wait3A_142 = tpu.memref_slice %dma_wait3A_140[%mul3A_2, %dma_wait3A_141] : memref<10112x48xf32, #tpu.memory_space<hbm>> -> memref<632x48xf32, #tpu.memory_space<hbm>>
      %dma_wait3A_143 = arith.constant 0 : i32
      %dma_wait3A_144 = tpu.memref_slice %arg11[%mul3A_2, %dma_wait3A_143] : memref<10112x48xf32, #tpu.memory_space<vmem_shared>> -> memref<632x48xf32, #tpu.memory_space<vmem_shared>>
      tpu.wait_dma2 semaphore(%run_scoped3A : memref<!tpu.dma_semaphore, #tpu.memory_space<semaphore_mem>>) src(%dma_wait3A_144 : memref<632x48xf32, #tpu.memory_space<vmem_shared>>) dst(%dma_wait3A_142 : memref<632x48xf32, #tpu.memory_space<hbm>>)
      tpu.yield
    }) : () -> ()
    return
  }
}

#map = affine_map<(d0, d1) -> (0, 0)>
#map1 = affine_map<(d0, d1) -> (0, 0, 0)>
module attributes {stable_mosaic.version = 14 : i64} {
  func.func @_sc_round_body(%arg0: i32, %arg1: i32, %arg2: memref<10112x48xf32, #tpu.memory_space<hbm>>, %arg3: memref<2560x128xi32, #tpu.memory_space<hbm>>, %arg4: memref<2560x128xi32, #tpu.memory_space<hbm>>, %arg5: memref<10112x48xf32, #tpu.memory_space<hbm>>, %arg6: memref<2x10112x48xf32, #tpu.memory_space<hbm>>, %arg7: memref<80x128xi32, #tpu.memory_space<vmem>>, %arg8: memref<80x128xi32, #tpu.memory_space<vmem>>, %arg9: memref<8x128x48xf32, #tpu.memory_space<vmem>>, %arg10: memref<10112x48xf32, #tpu.memory_space<vmem_shared>>, %arg11: memref<10112x48xf32, #tpu.memory_space<vmem_shared>>, %arg12: memref<8x!tpu.dma_semaphore, #tpu.memory_space<semaphore_mem>>, %arg13: memref<8x!tpu.dma_semaphore, #tpu.memory_space<semaphore_mem>>) attributes {dimension_semantics = [#tpu.dimension_semantics<core_parallel>, #tpu.dimension_semantics<subcore_parallel>], iteration_bounds = array<i64: 2, 16>, scalar_prefetch = 0 : i64, scratch_operands = 7 : i64, tpu.core_type = #tpu.core_type<sc_vector_subcore>, window_params = [{transform_indices = #map}, {transform_indices = #map}, {transform_indices = #map}, {transform_indices = #map}, {transform_indices = #map1}]} {
    %mul3A = arith.constant 2 : i32
    %mul3A_0 = arith.muli %arg1, %mul3A : i32
    %add3A = arith.addi %mul3A_0, %arg0 : i32
    %mul3A_1 = arith.constant 632 : i32
    %mul3A_2 = arith.muli %arg1, %mul3A_1 : i32
    "tpu.region"() ({
      %run_scoped3A = tpu.sem_alloc : memref<!tpu.dma_semaphore, #tpu.memory_space<semaphore_mem>>
      %dma_start3A_129 = arith.constant 0 : i32
      %dma_start3A_130 = tpu.memref_slice %arg11[%mul3A_2, %dma_start3A_129] : memref<10112x48xf32, #tpu.memory_space<vmem_shared>> -> memref<632x48xf32, #tpu.memory_space<vmem_shared>>
      %dma_start3A_131 = arith.constant 0 : i32
      %dma_start3A_132 = tpu.memref_slice %arg5[%mul3A_2, %dma_start3A_131] : memref<10112x48xf32, #tpu.memory_space<hbm>> -> memref<632x48xf32, #tpu.memory_space<hbm>>
      tpu.enqueue_dma source(%dma_start3A_132 : memref<632x48xf32, #tpu.memory_space<hbm>>) target(%dma_start3A_130 : memref<632x48xf32, #tpu.memory_space<vmem_shared>>) target_semaphore(%run_scoped3A : memref<!tpu.dma_semaphore, #tpu.memory_space<semaphore_mem>>)
      %dma_wait3A_133 = arith.constant 0 : i32
      %dma_wait3A_134 = tpu.memref_slice %arg11[%mul3A_2, %dma_wait3A_133] : memref<10112x48xf32, #tpu.memory_space<vmem_shared>> -> memref<632x48xf32, #tpu.memory_space<vmem_shared>>
      %dma_wait3A_135 = arith.constant 0 : i32
      %dma_wait3A_136 = tpu.memref_slice %arg5[%mul3A_2, %dma_wait3A_135] : memref<10112x48xf32, #tpu.memory_space<hbm>> -> memref<632x48xf32, #tpu.memory_space<hbm>>
      tpu.wait_dma2 semaphore(%run_scoped3A : memref<!tpu.dma_semaphore, #tpu.memory_space<semaphore_mem>>) src(%dma_wait3A_136 : memref<632x48xf32, #tpu.memory_space<hbm>>) dst(%dma_wait3A_134 : memref<632x48xf32, #tpu.memory_space<vmem_shared>>)
      tpu.yield
    }) : () -> ()
    "tpu.region"() ({
      %run_scoped3A = tpu.sem_alloc : memref<!tpu.dma_semaphore, #tpu.memory_space<semaphore_mem>>
      %dma_start3A_129 = arith.constant 0 : i32
      %dma_start3A_130 = tpu.memref_slice %arg10[%mul3A_2, %dma_start3A_129] : memref<10112x48xf32, #tpu.memory_space<vmem_shared>> -> memref<632x48xf32, #tpu.memory_space<vmem_shared>>
      %dma_start3A_131 = arith.constant 0 : i32
      %dma_start3A_132 = tpu.memref_slice %arg2[%mul3A_2, %dma_start3A_131] : memref<10112x48xf32, #tpu.memory_space<hbm>> -> memref<632x48xf32, #tpu.memory_space<hbm>>
      tpu.enqueue_dma source(%dma_start3A_132 : memref<632x48xf32, #tpu.memory_space<hbm>>) target(%dma_start3A_130 : memref<632x48xf32, #tpu.memory_space<vmem_shared>>) target_semaphore(%run_scoped3A : memref<!tpu.dma_semaphore, #tpu.memory_space<semaphore_mem>>)
      %dma_wait3A_133 = arith.constant 0 : i32
      %dma_wait3A_134 = tpu.memref_slice %arg10[%mul3A_2, %dma_wait3A_133] : memref<10112x48xf32, #tpu.memory_space<vmem_shared>> -> memref<632x48xf32, #tpu.memory_space<vmem_shared>>
      %dma_wait3A_135 = arith.constant 0 : i32
      %dma_wait3A_136 = tpu.memref_slice %arg2[%mul3A_2, %dma_wait3A_135] : memref<10112x48xf32, #tpu.memory_space<hbm>> -> memref<632x48xf32, #tpu.memory_space<hbm>>
      tpu.wait_dma2 semaphore(%run_scoped3A : memref<!tpu.dma_semaphore, #tpu.memory_space<semaphore_mem>>) src(%dma_wait3A_136 : memref<632x48xf32, #tpu.memory_space<hbm>>) dst(%dma_wait3A_134 : memref<632x48xf32, #tpu.memory_space<vmem_shared>>)
      tpu.yield
    }) : () -> ()
    %mul3A_3 = arith.constant 80 : i32
    %mul3A_4 = arith.muli %add3A, %mul3A_3 : i32
    "tpu.region"() ({
      %run_scoped3A = tpu.sem_alloc : memref<!tpu.dma_semaphore, #tpu.memory_space<semaphore_mem>>
      %dma_start3A_129 = arith.constant 0 : i32
      %dma_start3A_130 = tpu.memref_slice %arg3[%mul3A_4, %dma_start3A_129] : memref<2560x128xi32, #tpu.memory_space<hbm>> -> memref<80x128xi32, #tpu.memory_space<hbm>>
      %dma_start3A_131 = arith.constant 0 : i32
      %dma_start3A_132 = tpu.memref_slice %arg3[%mul3A_4, %dma_start3A_131] : memref<2560x128xi32, #tpu.memory_space<hbm>> -> memref<80x128xi32, #tpu.memory_space<hbm>>
      tpu.enqueue_dma source(%dma_start3A_132 : memref<80x128xi32, #tpu.memory_space<hbm>>) target(%arg7 : memref<80x128xi32, #tpu.memory_space<vmem>>) target_semaphore(%run_scoped3A : memref<!tpu.dma_semaphore, #tpu.memory_space<semaphore_mem>>)
      %dma_wait3A_133 = arith.constant 0 : i32
      %dma_wait3A_134 = tpu.memref_slice %arg3[%mul3A_4, %dma_wait3A_133] : memref<2560x128xi32, #tpu.memory_space<hbm>> -> memref<80x128xi32, #tpu.memory_space<hbm>>
      %dma_wait3A_135 = arith.constant 0 : i32
      %dma_wait3A_136 = tpu.memref_slice %arg3[%mul3A_4, %dma_wait3A_135] : memref<2560x128xi32, #tpu.memory_space<hbm>> -> memref<80x128xi32, #tpu.memory_space<hbm>>
      tpu.wait_dma2 semaphore(%run_scoped3A : memref<!tpu.dma_semaphore, #tpu.memory_space<semaphore_mem>>) src(%dma_wait3A_136 : memref<80x128xi32, #tpu.memory_space<hbm>>) dst(%arg7 : memref<80x128xi32, #tpu.memory_space<vmem>>)
      tpu.yield
    }) : () -> ()
    "tpu.region"() ({
      %run_scoped3A = tpu.sem_alloc : memref<!tpu.dma_semaphore, #tpu.memory_space<semaphore_mem>>
      %dma_start3A_129 = arith.constant 0 : i32
      %dma_start3A_130 = tpu.memref_slice %arg4[%mul3A_4, %dma_start3A_129] : memref<2560x128xi32, #tpu.memory_space<hbm>> -> memref<80x128xi32, #tpu.memory_space<hbm>>
      %dma_start3A_131 = arith.constant 0 : i32
      %dma_start3A_132 = tpu.memref_slice %arg4[%mul3A_4, %dma_start3A_131] : memref<2560x128xi32, #tpu.memory_space<hbm>> -> memref<80x128xi32, #tpu.memory_space<hbm>>
      tpu.enqueue_dma source(%dma_start3A_132 : memref<80x128xi32, #tpu.memory_space<hbm>>) target(%arg8 : memref<80x128xi32, #tpu.memory_space<vmem>>) target_semaphore(%run_scoped3A : memref<!tpu.dma_semaphore, #tpu.memory_space<semaphore_mem>>)
      %dma_wait3A_133 = arith.constant 0 : i32
      %dma_wait3A_134 = tpu.memref_slice %arg4[%mul3A_4, %dma_wait3A_133] : memref<2560x128xi32, #tpu.memory_space<hbm>> -> memref<80x128xi32, #tpu.memory_space<hbm>>
      %dma_wait3A_135 = arith.constant 0 : i32
      %dma_wait3A_136 = tpu.memref_slice %arg4[%mul3A_4, %dma_wait3A_135] : memref<2560x128xi32, #tpu.memory_space<hbm>> -> memref<80x128xi32, #tpu.memory_space<hbm>>
      tpu.wait_dma2 semaphore(%run_scoped3A : memref<!tpu.dma_semaphore, #tpu.memory_space<semaphore_mem>>) src(%dma_wait3A_136 : memref<80x128xi32, #tpu.memory_space<hbm>>) dst(%arg8 : memref<80x128xi32, #tpu.memory_space<vmem>>)
      tpu.yield
    }) : () -> ()
    %barrier3A = arith.constant 0 : index
    tpu.barrier barrier_id(%barrier3A)
    %dma_start3A = arith.constant 0 : i32
    %dma_start3A_5 = arith.constant 0 : i32
    %dma_start3A_6 = arith.constant 0 : i32
    %dma_start3A_7 = arith.constant 0 : i32
    %dma_start3A_8 = arith.constant 0 : i32
    %dma_start3A_9 = tpu.memref_slice %arg9[%dma_start3A_5, %dma_start3A_7, %dma_start3A_8] : memref<8x128x48xf32, #tpu.memory_space<vmem>> -> memref<1x128x48xf32, #tpu.memory_space<vmem>>
    %dma_start3A_10 = tpu.memref_squeeze %dma_start3A_9 : memref<1x128x48xf32, #tpu.memory_space<vmem>> -> memref<128x48xf32, #tpu.memory_space<vmem>>
    %dma_start3A_11 = arith.constant 0 : i32
    %dma_start3A_12 = tpu.memref_slice %arg7[%dma_start3A, %dma_start3A_11] : memref<80x128xi32, #tpu.memory_space<vmem>> -> memref<1x128xi32, #tpu.memory_space<vmem>>
    %dma_start3A_13 = tpu.memref_squeeze %dma_start3A_12 : memref<1x128xi32, #tpu.memory_space<vmem>> -> memref<128xi32, #tpu.memory_space<vmem>>
    %dma_start3A_14 = arith.constant 0 : i32
    %dma_start3A_15 = arith.constant 0 : i32
    %dma_start3A_16 = tpu.memref_slice %arg10[%dma_start3A_14, %dma_start3A_15] : memref<10112x48xf32, #tpu.memory_space<vmem_shared>> -> memref<10112x48xf32, #tpu.memory_space<vmem_shared>>
    %dma_start3A_17 = tpu.memref_slice %arg12[%dma_start3A_6] : memref<8x!tpu.dma_semaphore, #tpu.memory_space<semaphore_mem>> -> memref<1x!tpu.dma_semaphore, #tpu.memory_space<semaphore_mem>>
    %dma_start3A_18 = tpu.memref_squeeze %dma_start3A_17 : memref<1x!tpu.dma_semaphore, #tpu.memory_space<semaphore_mem>> -> memref<!tpu.dma_semaphore, #tpu.memory_space<semaphore_mem>>
    tpu.enqueue_indirect_dma source(%dma_start3A_16 : memref<10112x48xf32, #tpu.memory_space<vmem_shared>>) target(%dma_start3A_10 : memref<128x48xf32, #tpu.memory_space<vmem>>) offsets(%dma_start3A_13 : memref<128xi32, #tpu.memory_space<vmem>>) semaphore(%dma_start3A_18 : memref<!tpu.dma_semaphore, #tpu.memory_space<semaphore_mem>>)
    %dma_start3A_19 = arith.constant 1 : i32
    %dma_start3A_20 = arith.constant 1 : i32
    %dma_start3A_21 = arith.constant 1 : i32
    %dma_start3A_22 = arith.constant 0 : i32
    %dma_start3A_23 = arith.constant 0 : i32
    %dma_start3A_24 = tpu.memref_slice %arg9[%dma_start3A_20, %dma_start3A_22, %dma_start3A_23] : memref<8x128x48xf32, #tpu.memory_space<vmem>> -> memref<1x128x48xf32, #tpu.memory_space<vmem>>
    %dma_start3A_25 = tpu.memref_squeeze %dma_start3A_24 : memref<1x128x48xf32, #tpu.memory_space<vmem>> -> memref<128x48xf32, #tpu.memory_space<vmem>>
    %dma_start3A_26 = arith.constant 0 : i32
    %dma_start3A_27 = tpu.memref_slice %arg7[%dma_start3A_19, %dma_start3A_26] : memref<80x128xi32, #tpu.memory_space<vmem>> -> memref<1x128xi32, #tpu.memory_space<vmem>>
    %dma_start3A_28 = tpu.memref_squeeze %dma_start3A_27 : memref<1x128xi32, #tpu.memory_space<vmem>> -> memref<128xi32, #tpu.memory_space<vmem>>
    %dma_start3A_29 = arith.constant 0 : i32
    %dma_start3A_30 = arith.constant 0 : i32
    %dma_start3A_31 = tpu.memref_slice %arg10[%dma_start3A_29, %dma_start3A_30] : memref<10112x48xf32, #tpu.memory_space<vmem_shared>> -> memref<10112x48xf32, #tpu.memory_space<vmem_shared>>
    %dma_start3A_32 = tpu.memref_slice %arg12[%dma_start3A_21] : memref<8x!tpu.dma_semaphore, #tpu.memory_space<semaphore_mem>> -> memref<1x!tpu.dma_semaphore, #tpu.memory_space<semaphore_mem>>
    %dma_start3A_33 = tpu.memref_squeeze %dma_start3A_32 : memref<1x!tpu.dma_semaphore, #tpu.memory_space<semaphore_mem>> -> memref<!tpu.dma_semaphore, #tpu.memory_space<semaphore_mem>>
    tpu.enqueue_indirect_dma source(%dma_start3A_31 : memref<10112x48xf32, #tpu.memory_space<vmem_shared>>) target(%dma_start3A_25 : memref<128x48xf32, #tpu.memory_space<vmem>>) offsets(%dma_start3A_28 : memref<128xi32, #tpu.memory_space<vmem>>) semaphore(%dma_start3A_33 : memref<!tpu.dma_semaphore, #tpu.memory_space<semaphore_mem>>)
    %dma_start3A_34 = arith.constant 2 : i32
    %dma_start3A_35 = arith.constant 2 : i32
    %dma_start3A_36 = arith.constant 2 : i32
    %dma_start3A_37 = arith.constant 0 : i32
    %dma_start3A_38 = arith.constant 0 : i32
    %dma_start3A_39 = tpu.memref_slice %arg9[%dma_start3A_35, %dma_start3A_37, %dma_start3A_38] : memref<8x128x48xf32, #tpu.memory_space<vmem>> -> memref<1x128x48xf32, #tpu.memory_space<vmem>>
    %dma_start3A_40 = tpu.memref_squeeze %dma_start3A_39 : memref<1x128x48xf32, #tpu.memory_space<vmem>> -> memref<128x48xf32, #tpu.memory_space<vmem>>
    %dma_start3A_41 = arith.constant 0 : i32
    %dma_start3A_42 = tpu.memref_slice %arg7[%dma_start3A_34, %dma_start3A_41] : memref<80x128xi32, #tpu.memory_space<vmem>> -> memref<1x128xi32, #tpu.memory_space<vmem>>
    %dma_start3A_43 = tpu.memref_squeeze %dma_start3A_42 : memref<1x128xi32, #tpu.memory_space<vmem>> -> memref<128xi32, #tpu.memory_space<vmem>>
    %dma_start3A_44 = arith.constant 0 : i32
    %dma_start3A_45 = arith.constant 0 : i32
    %dma_start3A_46 = tpu.memref_slice %arg10[%dma_start3A_44, %dma_start3A_45] : memref<10112x48xf32, #tpu.memory_space<vmem_shared>> -> memref<10112x48xf32, #tpu.memory_space<vmem_shared>>
    %dma_start3A_47 = tpu.memref_slice %arg12[%dma_start3A_36] : memref<8x!tpu.dma_semaphore, #tpu.memory_space<semaphore_mem>> -> memref<1x!tpu.dma_semaphore, #tpu.memory_space<semaphore_mem>>
    %dma_start3A_48 = tpu.memref_squeeze %dma_start3A_47 : memref<1x!tpu.dma_semaphore, #tpu.memory_space<semaphore_mem>> -> memref<!tpu.dma_semaphore, #tpu.memory_space<semaphore_mem>>
    tpu.enqueue_indirect_dma source(%dma_start3A_46 : memref<10112x48xf32, #tpu.memory_space<vmem_shared>>) target(%dma_start3A_40 : memref<128x48xf32, #tpu.memory_space<vmem>>) offsets(%dma_start3A_43 : memref<128xi32, #tpu.memory_space<vmem>>) semaphore(%dma_start3A_48 : memref<!tpu.dma_semaphore, #tpu.memory_space<semaphore_mem>>)
    %dma_start3A_49 = arith.constant 3 : i32
    %dma_start3A_50 = arith.constant 3 : i32
    %dma_start3A_51 = arith.constant 3 : i32
    %dma_start3A_52 = arith.constant 0 : i32
    %dma_start3A_53 = arith.constant 0 : i32
    %dma_start3A_54 = tpu.memref_slice %arg9[%dma_start3A_50, %dma_start3A_52, %dma_start3A_53] : memref<8x128x48xf32, #tpu.memory_space<vmem>> -> memref<1x128x48xf32, #tpu.memory_space<vmem>>
    %dma_start3A_55 = tpu.memref_squeeze %dma_start3A_54 : memref<1x128x48xf32, #tpu.memory_space<vmem>> -> memref<128x48xf32, #tpu.memory_space<vmem>>
    %dma_start3A_56 = arith.constant 0 : i32
    %dma_start3A_57 = tpu.memref_slice %arg7[%dma_start3A_49, %dma_start3A_56] : memref<80x128xi32, #tpu.memory_space<vmem>> -> memref<1x128xi32, #tpu.memory_space<vmem>>
    %dma_start3A_58 = tpu.memref_squeeze %dma_start3A_57 : memref<1x128xi32, #tpu.memory_space<vmem>> -> memref<128xi32, #tpu.memory_space<vmem>>
    %dma_start3A_59 = arith.constant 0 : i32
    %dma_start3A_60 = arith.constant 0 : i32
    %dma_start3A_61 = tpu.memref_slice %arg10[%dma_start3A_59, %dma_start3A_60] : memref<10112x48xf32, #tpu.memory_space<vmem_shared>> -> memref<10112x48xf32, #tpu.memory_space<vmem_shared>>
    %dma_start3A_62 = tpu.memref_slice %arg12[%dma_start3A_51] : memref<8x!tpu.dma_semaphore, #tpu.memory_space<semaphore_mem>> -> memref<1x!tpu.dma_semaphore, #tpu.memory_space<semaphore_mem>>
    %dma_start3A_63 = tpu.memref_squeeze %dma_start3A_62 : memref<1x!tpu.dma_semaphore, #tpu.memory_space<semaphore_mem>> -> memref<!tpu.dma_semaphore, #tpu.memory_space<semaphore_mem>>
    tpu.enqueue_indirect_dma source(%dma_start3A_61 : memref<10112x48xf32, #tpu.memory_space<vmem_shared>>) target(%dma_start3A_55 : memref<128x48xf32, #tpu.memory_space<vmem>>) offsets(%dma_start3A_58 : memref<128xi32, #tpu.memory_space<vmem>>) semaphore(%dma_start3A_63 : memref<!tpu.dma_semaphore, #tpu.memory_space<semaphore_mem>>)
    %scan3A = arith.constant 0 : i32
    %scan3A_64 = arith.constant 0 : i32
    %scan3A_65 = arith.constant 10 : i32
    %scan3A_66 = arith.addi %scan3A_64, %scan3A_65 : i32
    %scan3A_67 = arith.constant 1 : i32
    scf.for %scan3A_129 = %scan3A_64 to %scan3A_66 step %scan3A_67  : i32 {
      %mul3A_130 = arith.constant 8 : i32
      %mul3A_131 = arith.muli %scan3A_129, %mul3A_130 : i32
      %add3A_132 = arith.constant 0 : i32
      %add3A_133 = arith.addi %mul3A_131, %add3A_132 : i32
      %ge3A = arith.constant 4 : i32
      %ge3A_134 = arith.cmpi sge, %add3A_133, %ge3A : i32
      %convert_element_type3A = arith.extui %ge3A_134 : i1 to i32
      %cond3A = arith.constant 0 : i32
      %cond3A_135 = arith.cmpi ne, %convert_element_type3A, %cond3A : i32
      scf.if %cond3A_135 {
        %dma_wait3A_486 = arith.constant 4 : i32
        %dma_wait3A_487 = arith.constant 0 : i32
        %dma_wait3A_488 = arith.constant 4 : i32
        %dma_wait3A_489 = arith.constant 0 : i32
        %dma_wait3A_490 = arith.constant 0 : i32
        %dma_wait3A_491 = tpu.memref_slice %arg9[%dma_wait3A_486, %dma_wait3A_489, %dma_wait3A_490] : memref<8x128x48xf32, #tpu.memory_space<vmem>> -> memref<1x128x48xf32, #tpu.memory_space<vmem>>
        %dma_wait3A_492 = tpu.memref_squeeze %dma_wait3A_491 : memref<1x128x48xf32, #tpu.memory_space<vmem>> -> memref<128x48xf32, #tpu.memory_space<vmem>>
        %dma_wait3A_493 = arith.constant 0 : i32
        %dma_wait3A_494 = tpu.memref_slice %arg8[%dma_wait3A_487, %dma_wait3A_493] : memref<80x128xi32, #tpu.memory_space<vmem>> -> memref<1x128xi32, #tpu.memory_space<vmem>>
        %dma_wait3A_495 = tpu.memref_squeeze %dma_wait3A_494 : memref<1x128xi32, #tpu.memory_space<vmem>> -> memref<128xi32, #tpu.memory_space<vmem>>
        %dma_wait3A_496 = arith.constant 0 : i32
        %dma_wait3A_497 = arith.constant 0 : i32
        %dma_wait3A_498 = tpu.memref_slice %arg11[%dma_wait3A_496, %dma_wait3A_497] : memref<10112x48xf32, #tpu.memory_space<vmem_shared>> -> memref<10112x48xf32, #tpu.memory_space<vmem_shared>>
        %dma_wait3A_499 = tpu.memref_slice %arg13[%dma_wait3A_488] : memref<8x!tpu.dma_semaphore, #tpu.memory_space<semaphore_mem>> -> memref<1x!tpu.dma_semaphore, #tpu.memory_space<semaphore_mem>>
        %dma_wait3A_500 = tpu.memref_squeeze %dma_wait3A_499 : memref<1x!tpu.dma_semaphore, #tpu.memory_space<semaphore_mem>> -> memref<!tpu.dma_semaphore, #tpu.memory_space<semaphore_mem>>
        tpu.wait_indirect_dma semaphore(%dma_wait3A_500 : memref<!tpu.dma_semaphore, #tpu.memory_space<semaphore_mem>>) src(%dma_wait3A_492 : memref<128x48xf32, #tpu.memory_space<vmem>>) dst(%dma_wait3A_498 : memref<10112x48xf32, #tpu.memory_space<vmem_shared>>)
      } else {
      }
      %add3A_136 = arith.constant 4 : i32
      %add3A_137 = arith.addi %add3A_133, %add3A_136 : i32
      %lt3A = arith.constant 80 : i32
      %lt3A_138 = arith.cmpi slt, %add3A_137, %lt3A : i32
      %convert_element_type3A_139 = arith.extui %lt3A_138 : i1 to i32
      %cond3A_140 = arith.constant 0 : i32
      %cond3A_141 = arith.cmpi ne, %convert_element_type3A_139, %cond3A_140 : i32
      scf.if %cond3A_141 {
        %add3A_486 = arith.constant 4 : i32
        %add3A_487 = arith.addi %add3A_133, %add3A_486 : i32
        %dma_start3A_488 = arith.constant 4 : i32
        %dma_start3A_489 = arith.constant 4 : i32
        %dma_start3A_490 = arith.constant 0 : i32
        %dma_start3A_491 = arith.constant 0 : i32
        %dma_start3A_492 = tpu.memref_slice %arg9[%dma_start3A_488, %dma_start3A_490, %dma_start3A_491] : memref<8x128x48xf32, #tpu.memory_space<vmem>> -> memref<1x128x48xf32, #tpu.memory_space<vmem>>
        %dma_start3A_493 = tpu.memref_squeeze %dma_start3A_492 : memref<1x128x48xf32, #tpu.memory_space<vmem>> -> memref<128x48xf32, #tpu.memory_space<vmem>>
        %dma_start3A_494 = arith.constant 0 : i32
        %dma_start3A_495 = tpu.memref_slice %arg7[%add3A_487, %dma_start3A_494] : memref<80x128xi32, #tpu.memory_space<vmem>> -> memref<1x128xi32, #tpu.memory_space<vmem>>
        %dma_start3A_496 = tpu.memref_squeeze %dma_start3A_495 : memref<1x128xi32, #tpu.memory_space<vmem>> -> memref<128xi32, #tpu.memory_space<vmem>>
        %dma_start3A_497 = arith.constant 0 : i32
        %dma_start3A_498 = arith.constant 0 : i32
        %dma_start3A_499 = tpu.memref_slice %arg10[%dma_start3A_497, %dma_start3A_498] : memref<10112x48xf32, #tpu.memory_space<vmem_shared>> -> memref<10112x48xf32, #tpu.memory_space<vmem_shared>>
        %dma_start3A_500 = tpu.memref_slice %arg12[%dma_start3A_489] : memref<8x!tpu.dma_semaphore, #tpu.memory_space<semaphore_mem>> -> memref<1x!tpu.dma_semaphore, #tpu.memory_space<semaphore_mem>>
        %dma_start3A_501 = tpu.memref_squeeze %dma_start3A_500 : memref<1x!tpu.dma_semaphore, #tpu.memory_space<semaphore_mem>> -> memref<!tpu.dma_semaphore, #tpu.memory_space<semaphore_mem>>
        tpu.enqueue_indirect_dma source(%dma_start3A_499 : memref<10112x48xf32, #tpu.memory_space<vmem_shared>>) target(%dma_start3A_493 : memref<128x48xf32, #tpu.memory_space<vmem>>) offsets(%dma_start3A_496 : memref<128xi32, #tpu.memory_space<vmem>>) semaphore(%dma_start3A_501 : memref<!tpu.dma_semaphore, #tpu.memory_space<semaphore_mem>>)
      } else {
      }
      %dma_wait3A_142 = arith.constant 0 : i32
      %dma_wait3A_143 = arith.constant 0 : i32
      %dma_wait3A_144 = arith.constant 0 : i32
      %dma_wait3A_145 = arith.constant 0 : i32
      %dma_wait3A_146 = arith.constant 0 : i32
      %dma_wait3A_147 = tpu.memref_slice %arg9[%dma_wait3A_143, %dma_wait3A_145, %dma_wait3A_146] : memref<8x128x48xf32, #tpu.memory_space<vmem>> -> memref<1x128x48xf32, #tpu.memory_space<vmem>>
      %dma_wait3A_148 = tpu.memref_squeeze %dma_wait3A_147 : memref<1x128x48xf32, #tpu.memory_space<vmem>> -> memref<128x48xf32, #tpu.memory_space<vmem>>
      %dma_wait3A_149 = arith.constant 0 : i32
      %dma_wait3A_150 = tpu.memref_slice %arg7[%dma_wait3A_142, %dma_wait3A_149] : memref<80x128xi32, #tpu.memory_space<vmem>> -> memref<1x128xi32, #tpu.memory_space<vmem>>
      %dma_wait3A_151 = tpu.memref_squeeze %dma_wait3A_150 : memref<1x128xi32, #tpu.memory_space<vmem>> -> memref<128xi32, #tpu.memory_space<vmem>>
      %dma_wait3A_152 = arith.constant 0 : i32
      %dma_wait3A_153 = arith.constant 0 : i32
      %dma_wait3A_154 = tpu.memref_slice %arg10[%dma_wait3A_152, %dma_wait3A_153] : memref<10112x48xf32, #tpu.memory_space<vmem_shared>> -> memref<10112x48xf32, #tpu.memory_space<vmem_shared>>
      %dma_wait3A_155 = tpu.memref_slice %arg12[%dma_wait3A_144] : memref<8x!tpu.dma_semaphore, #tpu.memory_space<semaphore_mem>> -> memref<1x!tpu.dma_semaphore, #tpu.memory_space<semaphore_mem>>
      %dma_wait3A_156 = tpu.memref_squeeze %dma_wait3A_155 : memref<1x!tpu.dma_semaphore, #tpu.memory_space<semaphore_mem>> -> memref<!tpu.dma_semaphore, #tpu.memory_space<semaphore_mem>>
      tpu.wait_indirect_dma semaphore(%dma_wait3A_156 : memref<!tpu.dma_semaphore, #tpu.memory_space<semaphore_mem>>) src(%dma_wait3A_154 : memref<10112x48xf32, #tpu.memory_space<vmem_shared>>) dst(%dma_wait3A_148 : memref<128x48xf32, #tpu.memory_space<vmem>>)
      %dma_start3A_157 = arith.constant 0 : i32
      %dma_start3A_158 = arith.constant 0 : i32
      %dma_start3A_159 = arith.constant 0 : i32
      %dma_start3A_160 = arith.constant 0 : i32
      %dma_start3A_161 = tpu.memref_slice %arg9[%dma_start3A_157, %dma_start3A_159, %dma_start3A_160] : memref<8x128x48xf32, #tpu.memory_space<vmem>> -> memref<1x128x48xf32, #tpu.memory_space<vmem>>
      %dma_start3A_162 = tpu.memref_squeeze %dma_start3A_161 : memref<1x128x48xf32, #tpu.memory_space<vmem>> -> memref<128x48xf32, #tpu.memory_space<vmem>>
      %dma_start3A_163 = arith.constant 0 : i32
      %dma_start3A_164 = tpu.memref_slice %arg8[%add3A_133, %dma_start3A_163] : memref<80x128xi32, #tpu.memory_space<vmem>> -> memref<1x128xi32, #tpu.memory_space<vmem>>
      %dma_start3A_165 = tpu.memref_squeeze %dma_start3A_164 : memref<1x128xi32, #tpu.memory_space<vmem>> -> memref<128xi32, #tpu.memory_space<vmem>>
      %dma_start3A_166 = arith.constant 0 : i32
      %dma_start3A_167 = arith.constant 0 : i32
      %dma_start3A_168 = tpu.memref_slice %arg11[%dma_start3A_166, %dma_start3A_167] : memref<10112x48xf32, #tpu.memory_space<vmem_shared>> -> memref<10112x48xf32, #tpu.memory_space<vmem_shared>>
      %dma_start3A_169 = tpu.memref_slice %arg13[%dma_start3A_158] : memref<8x!tpu.dma_semaphore, #tpu.memory_space<semaphore_mem>> -> memref<1x!tpu.dma_semaphore, #tpu.memory_space<semaphore_mem>>
      %dma_start3A_170 = tpu.memref_squeeze %dma_start3A_169 : memref<1x!tpu.dma_semaphore, #tpu.memory_space<semaphore_mem>> -> memref<!tpu.dma_semaphore, #tpu.memory_space<semaphore_mem>>
      tpu.enqueue_indirect_dma source(%dma_start3A_162 : memref<128x48xf32, #tpu.memory_space<vmem>>) target(%dma_start3A_168 : memref<10112x48xf32, #tpu.memory_space<vmem_shared>>) offsets(%dma_start3A_165 : memref<128xi32, #tpu.memory_space<vmem>>) semaphore(%dma_start3A_170 : memref<!tpu.dma_semaphore, #tpu.memory_space<semaphore_mem>>) {add = true}
      %mul3A_171 = arith.constant 8 : i32
      %mul3A_172 = arith.muli %scan3A_129, %mul3A_171 : i32
      %add3A_173 = arith.constant 1 : i32
      %add3A_174 = arith.addi %mul3A_172, %add3A_173 : i32
      %ge3A_175 = arith.constant 4 : i32
      %ge3A_176 = arith.cmpi sge, %add3A_174, %ge3A_175 : i32
      %convert_element_type3A_177 = arith.extui %ge3A_176 : i1 to i32
      %cond3A_178 = arith.constant 0 : i32
      %cond3A_179 = arith.cmpi ne, %convert_element_type3A_177, %cond3A_178 : i32
      scf.if %cond3A_179 {
        %dma_wait3A_486 = arith.constant 5 : i32
        %dma_wait3A_487 = arith.constant 0 : i32
        %dma_wait3A_488 = arith.constant 5 : i32
        %dma_wait3A_489 = arith.constant 0 : i32
        %dma_wait3A_490 = arith.constant 0 : i32
        %dma_wait3A_491 = tpu.memref_slice %arg9[%dma_wait3A_486, %dma_wait3A_489, %dma_wait3A_490] : memref<8x128x48xf32, #tpu.memory_space<vmem>> -> memref<1x128x48xf32, #tpu.memory_space<vmem>>
        %dma_wait3A_492 = tpu.memref_squeeze %dma_wait3A_491 : memref<1x128x48xf32, #tpu.memory_space<vmem>> -> memref<128x48xf32, #tpu.memory_space<vmem>>
        %dma_wait3A_493 = arith.constant 0 : i32
        %dma_wait3A_494 = tpu.memref_slice %arg8[%dma_wait3A_487, %dma_wait3A_493] : memref<80x128xi32, #tpu.memory_space<vmem>> -> memref<1x128xi32, #tpu.memory_space<vmem>>
        %dma_wait3A_495 = tpu.memref_squeeze %dma_wait3A_494 : memref<1x128xi32, #tpu.memory_space<vmem>> -> memref<128xi32, #tpu.memory_space<vmem>>
        %dma_wait3A_496 = arith.constant 0 : i32
        %dma_wait3A_497 = arith.constant 0 : i32
        %dma_wait3A_498 = tpu.memref_slice %arg11[%dma_wait3A_496, %dma_wait3A_497] : memref<10112x48xf32, #tpu.memory_space<vmem_shared>> -> memref<10112x48xf32, #tpu.memory_space<vmem_shared>>
        %dma_wait3A_499 = tpu.memref_slice %arg13[%dma_wait3A_488] : memref<8x!tpu.dma_semaphore, #tpu.memory_space<semaphore_mem>> -> memref<1x!tpu.dma_semaphore, #tpu.memory_space<semaphore_mem>>
        %dma_wait3A_500 = tpu.memref_squeeze %dma_wait3A_499 : memref<1x!tpu.dma_semaphore, #tpu.memory_space<semaphore_mem>> -> memref<!tpu.dma_semaphore, #tpu.memory_space<semaphore_mem>>
        tpu.wait_indirect_dma semaphore(%dma_wait3A_500 : memref<!tpu.dma_semaphore, #tpu.memory_space<semaphore_mem>>) src(%dma_wait3A_492 : memref<128x48xf32, #tpu.memory_space<vmem>>) dst(%dma_wait3A_498 : memref<10112x48xf32, #tpu.memory_space<vmem_shared>>)
      } else {
      }
      %add3A_180 = arith.constant 4 : i32
      %add3A_181 = arith.addi %add3A_174, %add3A_180 : i32
      %lt3A_182 = arith.constant 80 : i32
      %lt3A_183 = arith.cmpi slt, %add3A_181, %lt3A_182 : i32
      %convert_element_type3A_184 = arith.extui %lt3A_183 : i1 to i32
      %cond3A_185 = arith.constant 0 : i32
      %cond3A_186 = arith.cmpi ne, %convert_element_type3A_184, %cond3A_185 : i32
      scf.if %cond3A_186 {
        %add3A_486 = arith.constant 4 : i32
        %add3A_487 = arith.addi %add3A_174, %add3A_486 : i32
        %dma_start3A_488 = arith.constant 5 : i32
        %dma_start3A_489 = arith.constant 5 : i32
        %dma_start3A_490 = arith.constant 0 : i32
        %dma_start3A_491 = arith.constant 0 : i32
        %dma_start3A_492 = tpu.memref_slice %arg9[%dma_start3A_488, %dma_start3A_490, %dma_start3A_491] : memref<8x128x48xf32, #tpu.memory_space<vmem>> -> memref<1x128x48xf32, #tpu.memory_space<vmem>>
        %dma_start3A_493 = tpu.memref_squeeze %dma_start3A_492 : memref<1x128x48xf32, #tpu.memory_space<vmem>> -> memref<128x48xf32, #tpu.memory_space<vmem>>
        %dma_start3A_494 = arith.constant 0 : i32
        %dma_start3A_495 = tpu.memref_slice %arg7[%add3A_487, %dma_start3A_494] : memref<80x128xi32, #tpu.memory_space<vmem>> -> memref<1x128xi32, #tpu.memory_space<vmem>>
        %dma_start3A_496 = tpu.memref_squeeze %dma_start3A_495 : memref<1x128xi32, #tpu.memory_space<vmem>> -> memref<128xi32, #tpu.memory_space<vmem>>
        %dma_start3A_497 = arith.constant 0 : i32
        %dma_start3A_498 = arith.constant 0 : i32
        %dma_start3A_499 = tpu.memref_slice %arg10[%dma_start3A_497, %dma_start3A_498] : memref<10112x48xf32, #tpu.memory_space<vmem_shared>> -> memref<10112x48xf32, #tpu.memory_space<vmem_shared>>
        %dma_start3A_500 = tpu.memref_slice %arg12[%dma_start3A_489] : memref<8x!tpu.dma_semaphore, #tpu.memory_space<semaphore_mem>> -> memref<1x!tpu.dma_semaphore, #tpu.memory_space<semaphore_mem>>
        %dma_start3A_501 = tpu.memref_squeeze %dma_start3A_500 : memref<1x!tpu.dma_semaphore, #tpu.memory_space<semaphore_mem>> -> memref<!tpu.dma_semaphore, #tpu.memory_space<semaphore_mem>>
        tpu.enqueue_indirect_dma source(%dma_start3A_499 : memref<10112x48xf32, #tpu.memory_space<vmem_shared>>) target(%dma_start3A_493 : memref<128x48xf32, #tpu.memory_space<vmem>>) offsets(%dma_start3A_496 : memref<128xi32, #tpu.memory_space<vmem>>) semaphore(%dma_start3A_501 : memref<!tpu.dma_semaphore, #tpu.memory_space<semaphore_mem>>)
      } else {
      }
      %dma_wait3A_187 = arith.constant 0 : i32
      %dma_wait3A_188 = arith.constant 1 : i32
      %dma_wait3A_189 = arith.constant 1 : i32
      %dma_wait3A_190 = arith.constant 0 : i32
      %dma_wait3A_191 = arith.constant 0 : i32
      %dma_wait3A_192 = tpu.memref_slice %arg9[%dma_wait3A_188, %dma_wait3A_190, %dma_wait3A_191] : memref<8x128x48xf32, #tpu.memory_space<vmem>> -> memref<1x128x48xf32, #tpu.memory_space<vmem>>
      %dma_wait3A_193 = tpu.memref_squeeze %dma_wait3A_192 : memref<1x128x48xf32, #tpu.memory_space<vmem>> -> memref<128x48xf32, #tpu.memory_space<vmem>>
      %dma_wait3A_194 = arith.constant 0 : i32
      %dma_wait3A_195 = tpu.memref_slice %arg7[%dma_wait3A_187, %dma_wait3A_194] : memref<80x128xi32, #tpu.memory_space<vmem>> -> memref<1x128xi32, #tpu.memory_space<vmem>>
      %dma_wait3A_196 = tpu.memref_squeeze %dma_wait3A_195 : memref<1x128xi32, #tpu.memory_space<vmem>> -> memref<128xi32, #tpu.memory_space<vmem>>
      %dma_wait3A_197 = arith.constant 0 : i32
      %dma_wait3A_198 = arith.constant 0 : i32
      %dma_wait3A_199 = tpu.memref_slice %arg10[%dma_wait3A_197, %dma_wait3A_198] : memref<10112x48xf32, #tpu.memory_space<vmem_shared>> -> memref<10112x48xf32, #tpu.memory_space<vmem_shared>>
      %dma_wait3A_200 = tpu.memref_slice %arg12[%dma_wait3A_189] : memref<8x!tpu.dma_semaphore, #tpu.memory_space<semaphore_mem>> -> memref<1x!tpu.dma_semaphore, #tpu.memory_space<semaphore_mem>>
      %dma_wait3A_201 = tpu.memref_squeeze %dma_wait3A_200 : memref<1x!tpu.dma_semaphore, #tpu.memory_space<semaphore_mem>> -> memref<!tpu.dma_semaphore, #tpu.memory_space<semaphore_mem>>
      tpu.wait_indirect_dma semaphore(%dma_wait3A_201 : memref<!tpu.dma_semaphore, #tpu.memory_space<semaphore_mem>>) src(%dma_wait3A_199 : memref<10112x48xf32, #tpu.memory_space<vmem_shared>>) dst(%dma_wait3A_193 : memref<128x48xf32, #tpu.memory_space<vmem>>)
      %dma_start3A_202 = arith.constant 1 : i32
      %dma_start3A_203 = arith.constant 1 : i32
      %dma_start3A_204 = arith.constant 0 : i32
      %dma_start3A_205 = arith.constant 0 : i32
      %dma_start3A_206 = tpu.memref_slice %arg9[%dma_start3A_202, %dma_start3A_204, %dma_start3A_205] : memref<8x128x48xf32, #tpu.memory_space<vmem>> -> memref<1x128x48xf32, #tpu.memory_space<vmem>>
      %dma_start3A_207 = tpu.memref_squeeze %dma_start3A_206 : memref<1x128x48xf32, #tpu.memory_space<vmem>> -> memref<128x48xf32, #tpu.memory_space<vmem>>
      %dma_start3A_208 = arith.constant 0 : i32
      %dma_start3A_209 = tpu.memref_slice %arg8[%add3A_174, %dma_start3A_208] : memref<80x128xi32, #tpu.memory_space<vmem>> -> memref<1x128xi32, #tpu.memory_space<vmem>>
      %dma_start3A_210 = tpu.memref_squeeze %dma_start3A_209 : memref<1x128xi32, #tpu.memory_space<vmem>> -> memref<128xi32, #tpu.memory_space<vmem>>
      %dma_start3A_211 = arith.constant 0 : i32
      %dma_start3A_212 = arith.constant 0 : i32
      %dma_start3A_213 = tpu.memref_slice %arg11[%dma_start3A_211, %dma_start3A_212] : memref<10112x48xf32, #tpu.memory_space<vmem_shared>> -> memref<10112x48xf32, #tpu.memory_space<vmem_shared>>
      %dma_start3A_214 = tpu.memref_slice %arg13[%dma_start3A_203] : memref<8x!tpu.dma_semaphore, #tpu.memory_space<semaphore_mem>> -> memref<1x!tpu.dma_semaphore, #tpu.memory_space<semaphore_mem>>
      %dma_start3A_215 = tpu.memref_squeeze %dma_start3A_214 : memref<1x!tpu.dma_semaphore, #tpu.memory_space<semaphore_mem>> -> memref<!tpu.dma_semaphore, #tpu.memory_space<semaphore_mem>>
      tpu.enqueue_indirect_dma source(%dma_start3A_207 : memref<128x48xf32, #tpu.memory_space<vmem>>) target(%dma_start3A_213 : memref<10112x48xf32, #tpu.memory_space<vmem_shared>>) offsets(%dma_start3A_210 : memref<128xi32, #tpu.memory_space<vmem>>) semaphore(%dma_start3A_215 : memref<!tpu.dma_semaphore, #tpu.memory_space<semaphore_mem>>) {add = true}
      %mul3A_216 = arith.constant 8 : i32
      %mul3A_217 = arith.muli %scan3A_129, %mul3A_216 : i32
      %add3A_218 = arith.constant 2 : i32
      %add3A_219 = arith.addi %mul3A_217, %add3A_218 : i32
      %ge3A_220 = arith.constant 4 : i32
      %ge3A_221 = arith.cmpi sge, %add3A_219, %ge3A_220 : i32
      %convert_element_type3A_222 = arith.extui %ge3A_221 : i1 to i32
      %cond3A_223 = arith.constant 0 : i32
      %cond3A_224 = arith.cmpi ne, %convert_element_type3A_222, %cond3A_223 : i32
      scf.if %cond3A_224 {
        %dma_wait3A_486 = arith.constant 6 : i32
        %dma_wait3A_487 = arith.constant 0 : i32
        %dma_wait3A_488 = arith.constant 6 : i32
        %dma_wait3A_489 = arith.constant 0 : i32
        %dma_wait3A_490 = arith.constant 0 : i32
        %dma_wait3A_491 = tpu.memref_slice %arg9[%dma_wait3A_486, %dma_wait3A_489, %dma_wait3A_490] : memref<8x128x48xf32, #tpu.memory_space<vmem>> -> memref<1x128x48xf32, #tpu.memory_space<vmem>>
        %dma_wait3A_492 = tpu.memref_squeeze %dma_wait3A_491 : memref<1x128x48xf32, #tpu.memory_space<vmem>> -> memref<128x48xf32, #tpu.memory_space<vmem>>
        %dma_wait3A_493 = arith.constant 0 : i32
        %dma_wait3A_494 = tpu.memref_slice %arg8[%dma_wait3A_487, %dma_wait3A_493] : memref<80x128xi32, #tpu.memory_space<vmem>> -> memref<1x128xi32, #tpu.memory_space<vmem>>
        %dma_wait3A_495 = tpu.memref_squeeze %dma_wait3A_494 : memref<1x128xi32, #tpu.memory_space<vmem>> -> memref<128xi32, #tpu.memory_space<vmem>>
        %dma_wait3A_496 = arith.constant 0 : i32
        %dma_wait3A_497 = arith.constant 0 : i32
        %dma_wait3A_498 = tpu.memref_slice %arg11[%dma_wait3A_496, %dma_wait3A_497] : memref<10112x48xf32, #tpu.memory_space<vmem_shared>> -> memref<10112x48xf32, #tpu.memory_space<vmem_shared>>
        %dma_wait3A_499 = tpu.memref_slice %arg13[%dma_wait3A_488] : memref<8x!tpu.dma_semaphore, #tpu.memory_space<semaphore_mem>> -> memref<1x!tpu.dma_semaphore, #tpu.memory_space<semaphore_mem>>
        %dma_wait3A_500 = tpu.memref_squeeze %dma_wait3A_499 : memref<1x!tpu.dma_semaphore, #tpu.memory_space<semaphore_mem>> -> memref<!tpu.dma_semaphore, #tpu.memory_space<semaphore_mem>>
        tpu.wait_indirect_dma semaphore(%dma_wait3A_500 : memref<!tpu.dma_semaphore, #tpu.memory_space<semaphore_mem>>) src(%dma_wait3A_492 : memref<128x48xf32, #tpu.memory_space<vmem>>) dst(%dma_wait3A_498 : memref<10112x48xf32, #tpu.memory_space<vmem_shared>>)
      } else {
      }
      %add3A_225 = arith.constant 4 : i32
      %add3A_226 = arith.addi %add3A_219, %add3A_225 : i32
      %lt3A_227 = arith.constant 80 : i32
      %lt3A_228 = arith.cmpi slt, %add3A_226, %lt3A_227 : i32
      %convert_element_type3A_229 = arith.extui %lt3A_228 : i1 to i32
      %cond3A_230 = arith.constant 0 : i32
      %cond3A_231 = arith.cmpi ne, %convert_element_type3A_229, %cond3A_230 : i32
      scf.if %cond3A_231 {
        %add3A_486 = arith.constant 4 : i32
        %add3A_487 = arith.addi %add3A_219, %add3A_486 : i32
        %dma_start3A_488 = arith.constant 6 : i32
        %dma_start3A_489 = arith.constant 6 : i32
        %dma_start3A_490 = arith.constant 0 : i32
        %dma_start3A_491 = arith.constant 0 : i32
        %dma_start3A_492 = tpu.memref_slice %arg9[%dma_start3A_488, %dma_start3A_490, %dma_start3A_491] : memref<8x128x48xf32, #tpu.memory_space<vmem>> -> memref<1x128x48xf32, #tpu.memory_space<vmem>>
        %dma_start3A_493 = tpu.memref_squeeze %dma_start3A_492 : memref<1x128x48xf32, #tpu.memory_space<vmem>> -> memref<128x48xf32, #tpu.memory_space<vmem>>
        %dma_start3A_494 = arith.constant 0 : i32
        %dma_start3A_495 = tpu.memref_slice %arg7[%add3A_487, %dma_start3A_494] : memref<80x128xi32, #tpu.memory_space<vmem>> -> memref<1x128xi32, #tpu.memory_space<vmem>>
        %dma_start3A_496 = tpu.memref_squeeze %dma_start3A_495 : memref<1x128xi32, #tpu.memory_space<vmem>> -> memref<128xi32, #tpu.memory_space<vmem>>
        %dma_start3A_497 = arith.constant 0 : i32
        %dma_start3A_498 = arith.constant 0 : i32
        %dma_start3A_499 = tpu.memref_slice %arg10[%dma_start3A_497, %dma_start3A_498] : memref<10112x48xf32, #tpu.memory_space<vmem_shared>> -> memref<10112x48xf32, #tpu.memory_space<vmem_shared>>
        %dma_start3A_500 = tpu.memref_slice %arg12[%dma_start3A_489] : memref<8x!tpu.dma_semaphore, #tpu.memory_space<semaphore_mem>> -> memref<1x!tpu.dma_semaphore, #tpu.memory_space<semaphore_mem>>
        %dma_start3A_501 = tpu.memref_squeeze %dma_start3A_500 : memref<1x!tpu.dma_semaphore, #tpu.memory_space<semaphore_mem>> -> memref<!tpu.dma_semaphore, #tpu.memory_space<semaphore_mem>>
        tpu.enqueue_indirect_dma source(%dma_start3A_499 : memref<10112x48xf32, #tpu.memory_space<vmem_shared>>) target(%dma_start3A_493 : memref<128x48xf32, #tpu.memory_space<vmem>>) offsets(%dma_start3A_496 : memref<128xi32, #tpu.memory_space<vmem>>) semaphore(%dma_start3A_501 : memref<!tpu.dma_semaphore, #tpu.memory_space<semaphore_mem>>)
      } else {
      }
      %dma_wait3A_232 = arith.constant 0 : i32
      %dma_wait3A_233 = arith.constant 2 : i32
      %dma_wait3A_234 = arith.constant 2 : i32
      %dma_wait3A_235 = arith.constant 0 : i32
      %dma_wait3A_236 = arith.constant 0 : i32
      %dma_wait3A_237 = tpu.memref_slice %arg9[%dma_wait3A_233, %dma_wait3A_235, %dma_wait3A_236] : memref<8x128x48xf32, #tpu.memory_space<vmem>> -> memref<1x128x48xf32, #tpu.memory_space<vmem>>
      %dma_wait3A_238 = tpu.memref_squeeze %dma_wait3A_237 : memref<1x128x48xf32, #tpu.memory_space<vmem>> -> memref<128x48xf32, #tpu.memory_space<vmem>>
      %dma_wait3A_239 = arith.constant 0 : i32
      %dma_wait3A_240 = tpu.memref_slice %arg7[%dma_wait3A_232, %dma_wait3A_239] : memref<80x128xi32, #tpu.memory_space<vmem>> -> memref<1x128xi32, #tpu.memory_space<vmem>>
      %dma_wait3A_241 = tpu.memref_squeeze %dma_wait3A_240 : memref<1x128xi32, #tpu.memory_space<vmem>> -> memref<128xi32, #tpu.memory_space<vmem>>
      %dma_wait3A_242 = arith.constant 0 : i32
      %dma_wait3A_243 = arith.constant 0 : i32
      %dma_wait3A_244 = tpu.memref_slice %arg10[%dma_wait3A_242, %dma_wait3A_243] : memref<10112x48xf32, #tpu.memory_space<vmem_shared>> -> memref<10112x48xf32, #tpu.memory_space<vmem_shared>>
      %dma_wait3A_245 = tpu.memref_slice %arg12[%dma_wait3A_234] : memref<8x!tpu.dma_semaphore, #tpu.memory_space<semaphore_mem>> -> memref<1x!tpu.dma_semaphore, #tpu.memory_space<semaphore_mem>>
      %dma_wait3A_246 = tpu.memref_squeeze %dma_wait3A_245 : memref<1x!tpu.dma_semaphore, #tpu.memory_space<semaphore_mem>> -> memref<!tpu.dma_semaphore, #tpu.memory_space<semaphore_mem>>
      tpu.wait_indirect_dma semaphore(%dma_wait3A_246 : memref<!tpu.dma_semaphore, #tpu.memory_space<semaphore_mem>>) src(%dma_wait3A_244 : memref<10112x48xf32, #tpu.memory_space<vmem_shared>>) dst(%dma_wait3A_238 : memref<128x48xf32, #tpu.memory_space<vmem>>)
      %dma_start3A_247 = arith.constant 2 : i32
      %dma_start3A_248 = arith.constant 2 : i32
      %dma_start3A_249 = arith.constant 0 : i32
      %dma_start3A_250 = arith.constant 0 : i32
      %dma_start3A_251 = tpu.memref_slice %arg9[%dma_start3A_247, %dma_start3A_249, %dma_start3A_250] : memref<8x128x48xf32, #tpu.memory_space<vmem>> -> memref<1x128x48xf32, #tpu.memory_space<vmem>>
      %dma_start3A_252 = tpu.memref_squeeze %dma_start3A_251 : memref<1x128x48xf32, #tpu.memory_space<vmem>> -> memref<128x48xf32, #tpu.memory_space<vmem>>
      %dma_start3A_253 = arith.constant 0 : i32
      %dma_start3A_254 = tpu.memref_slice %arg8[%add3A_219, %dma_start3A_253] : memref<80x128xi32, #tpu.memory_space<vmem>> -> memref<1x128xi32, #tpu.memory_space<vmem>>
      %dma_start3A_255 = tpu.memref_squeeze %dma_start3A_254 : memref<1x128xi32, #tpu.memory_space<vmem>> -> memref<128xi32, #tpu.memory_space<vmem>>
      %dma_start3A_256 = arith.constant 0 : i32
      %dma_start3A_257 = arith.constant 0 : i32
      %dma_start3A_258 = tpu.memref_slice %arg11[%dma_start3A_256, %dma_start3A_257] : memref<10112x48xf32, #tpu.memory_space<vmem_shared>> -> memref<10112x48xf32, #tpu.memory_space<vmem_shared>>
      %dma_start3A_259 = tpu.memref_slice %arg13[%dma_start3A_248] : memref<8x!tpu.dma_semaphore, #tpu.memory_space<semaphore_mem>> -> memref<1x!tpu.dma_semaphore, #tpu.memory_space<semaphore_mem>>
      %dma_start3A_260 = tpu.memref_squeeze %dma_start3A_259 : memref<1x!tpu.dma_semaphore, #tpu.memory_space<semaphore_mem>> -> memref<!tpu.dma_semaphore, #tpu.memory_space<semaphore_mem>>
      tpu.enqueue_indirect_dma source(%dma_start3A_252 : memref<128x48xf32, #tpu.memory_space<vmem>>) target(%dma_start3A_258 : memref<10112x48xf32, #tpu.memory_space<vmem_shared>>) offsets(%dma_start3A_255 : memref<128xi32, #tpu.memory_space<vmem>>) semaphore(%dma_start3A_260 : memref<!tpu.dma_semaphore, #tpu.memory_space<semaphore_mem>>) {add = true}
      %mul3A_261 = arith.constant 8 : i32
      %mul3A_262 = arith.muli %scan3A_129, %mul3A_261 : i32
      %add3A_263 = arith.constant 3 : i32
      %add3A_264 = arith.addi %mul3A_262, %add3A_263 : i32
      %ge3A_265 = arith.constant 4 : i32
      %ge3A_266 = arith.cmpi sge, %add3A_264, %ge3A_265 : i32
      %convert_element_type3A_267 = arith.extui %ge3A_266 : i1 to i32
      %cond3A_268 = arith.constant 0 : i32
      %cond3A_269 = arith.cmpi ne, %convert_element_type3A_267, %cond3A_268 : i32
      scf.if %cond3A_269 {
        %dma_wait3A_486 = arith.constant 7 : i32
        %dma_wait3A_487 = arith.constant 0 : i32
        %dma_wait3A_488 = arith.constant 7 : i32
        %dma_wait3A_489 = arith.constant 0 : i32
        %dma_wait3A_490 = arith.constant 0 : i32
        %dma_wait3A_491 = tpu.memref_slice %arg9[%dma_wait3A_486, %dma_wait3A_489, %dma_wait3A_490] : memref<8x128x48xf32, #tpu.memory_space<vmem>> -> memref<1x128x48xf32, #tpu.memory_space<vmem>>
        %dma_wait3A_492 = tpu.memref_squeeze %dma_wait3A_491 : memref<1x128x48xf32, #tpu.memory_space<vmem>> -> memref<128x48xf32, #tpu.memory_space<vmem>>
        %dma_wait3A_493 = arith.constant 0 : i32
        %dma_wait3A_494 = tpu.memref_slice %arg8[%dma_wait3A_487, %dma_wait3A_493] : memref<80x128xi32, #tpu.memory_space<vmem>> -> memref<1x128xi32, #tpu.memory_space<vmem>>
        %dma_wait3A_495 = tpu.memref_squeeze %dma_wait3A_494 : memref<1x128xi32, #tpu.memory_space<vmem>> -> memref<128xi32, #tpu.memory_space<vmem>>
        %dma_wait3A_496 = arith.constant 0 : i32
        %dma_wait3A_497 = arith.constant 0 : i32
        %dma_wait3A_498 = tpu.memref_slice %arg11[%dma_wait3A_496, %dma_wait3A_497] : memref<10112x48xf32, #tpu.memory_space<vmem_shared>> -> memref<10112x48xf32, #tpu.memory_space<vmem_shared>>
        %dma_wait3A_499 = tpu.memref_slice %arg13[%dma_wait3A_488] : memref<8x!tpu.dma_semaphore, #tpu.memory_space<semaphore_mem>> -> memref<1x!tpu.dma_semaphore, #tpu.memory_space<semaphore_mem>>
        %dma_wait3A_500 = tpu.memref_squeeze %dma_wait3A_499 : memref<1x!tpu.dma_semaphore, #tpu.memory_space<semaphore_mem>> -> memref<!tpu.dma_semaphore, #tpu.memory_space<semaphore_mem>>
        tpu.wait_indirect_dma semaphore(%dma_wait3A_500 : memref<!tpu.dma_semaphore, #tpu.memory_space<semaphore_mem>>) src(%dma_wait3A_492 : memref<128x48xf32, #tpu.memory_space<vmem>>) dst(%dma_wait3A_498 : memref<10112x48xf32, #tpu.memory_space<vmem_shared>>)
      } else {
      }
      %add3A_270 = arith.constant 4 : i32
      %add3A_271 = arith.addi %add3A_264, %add3A_270 : i32
      %lt3A_272 = arith.constant 80 : i32
      %lt3A_273 = arith.cmpi slt, %add3A_271, %lt3A_272 : i32
      %convert_element_type3A_274 = arith.extui %lt3A_273 : i1 to i32
      %cond3A_275 = arith.constant 0 : i32
      %cond3A_276 = arith.cmpi ne, %convert_element_type3A_274, %cond3A_275 : i32
      scf.if %cond3A_276 {
        %add3A_486 = arith.constant 4 : i32
        %add3A_487 = arith.addi %add3A_264, %add3A_486 : i32
        %dma_start3A_488 = arith.constant 7 : i32
        %dma_start3A_489 = arith.constant 7 : i32
        %dma_start3A_490 = arith.constant 0 : i32
        %dma_start3A_491 = arith.constant 0 : i32
        %dma_start3A_492 = tpu.memref_slice %arg9[%dma_start3A_488, %dma_start3A_490, %dma_start3A_491] : memref<8x128x48xf32, #tpu.memory_space<vmem>> -> memref<1x128x48xf32, #tpu.memory_space<vmem>>
        %dma_start3A_493 = tpu.memref_squeeze %dma_start3A_492 : memref<1x128x48xf32, #tpu.memory_space<vmem>> -> memref<128x48xf32, #tpu.memory_space<vmem>>
        %dma_start3A_494 = arith.constant 0 : i32
        %dma_start3A_495 = tpu.memref_slice %arg7[%add3A_487, %dma_start3A_494] : memref<80x128xi32, #tpu.memory_space<vmem>> -> memref<1x128xi32, #tpu.memory_space<vmem>>
        %dma_start3A_496 = tpu.memref_squeeze %dma_start3A_495 : memref<1x128xi32, #tpu.memory_space<vmem>> -> memref<128xi32, #tpu.memory_space<vmem>>
        %dma_start3A_497 = arith.constant 0 : i32
        %dma_start3A_498 = arith.constant 0 : i32
        %dma_start3A_499 = tpu.memref_slice %arg10[%dma_start3A_497, %dma_start3A_498] : memref<10112x48xf32, #tpu.memory_space<vmem_shared>> -> memref<10112x48xf32, #tpu.memory_space<vmem_shared>>
        %dma_start3A_500 = tpu.memref_slice %arg12[%dma_start3A_489] : memref<8x!tpu.dma_semaphore, #tpu.memory_space<semaphore_mem>> -> memref<1x!tpu.dma_semaphore, #tpu.memory_space<semaphore_mem>>
        %dma_start3A_501 = tpu.memref_squeeze %dma_start3A_500 : memref<1x!tpu.dma_semaphore, #tpu.memory_space<semaphore_mem>> -> memref<!tpu.dma_semaphore, #tpu.memory_space<semaphore_mem>>
        tpu.enqueue_indirect_dma source(%dma_start3A_499 : memref<10112x48xf32, #tpu.memory_space<vmem_shared>>) target(%dma_start3A_493 : memref<128x48xf32, #tpu.memory_space<vmem>>) offsets(%dma_start3A_496 : memref<128xi32, #tpu.memory_space<vmem>>) semaphore(%dma_start3A_501 : memref<!tpu.dma_semaphore, #tpu.memory_space<semaphore_mem>>)
      } else {
      }
      %dma_wait3A_277 = arith.constant 0 : i32
      %dma_wait3A_278 = arith.constant 3 : i32
      %dma_wait3A_279 = arith.constant 3 : i32
      %dma_wait3A_280 = arith.constant 0 : i32
      %dma_wait3A_281 = arith.constant 0 : i32
      %dma_wait3A_282 = tpu.memref_slice %arg9[%dma_wait3A_278, %dma_wait3A_280, %dma_wait3A_281] : memref<8x128x48xf32, #tpu.memory_space<vmem>> -> memref<1x128x48xf32, #tpu.memory_space<vmem>>
      %dma_wait3A_283 = tpu.memref_squeeze %dma_wait3A_282 : memref<1x128x48xf32, #tpu.memory_space<vmem>> -> memref<128x48xf32, #tpu.memory_space<vmem>>
      %dma_wait3A_284 = arith.constant 0 : i32
      %dma_wait3A_285 = tpu.memref_slice %arg7[%dma_wait3A_277, %dma_wait3A_284] : memref<80x128xi32, #tpu.memory_space<vmem>> -> memref<1x128xi32, #tpu.memory_space<vmem>>
      %dma_wait3A_286 = tpu.memref_squeeze %dma_wait3A_285 : memref<1x128xi32, #tpu.memory_space<vmem>> -> memref<128xi32, #tpu.memory_space<vmem>>
      %dma_wait3A_287 = arith.constant 0 : i32
      %dma_wait3A_288 = arith.constant 0 : i32
      %dma_wait3A_289 = tpu.memref_slice %arg10[%dma_wait3A_287, %dma_wait3A_288] : memref<10112x48xf32, #tpu.memory_space<vmem_shared>> -> memref<10112x48xf32, #tpu.memory_space<vmem_shared>>
      %dma_wait3A_290 = tpu.memref_slice %arg12[%dma_wait3A_279] : memref<8x!tpu.dma_semaphore, #tpu.memory_space<semaphore_mem>> -> memref<1x!tpu.dma_semaphore, #tpu.memory_space<semaphore_mem>>
      %dma_wait3A_291 = tpu.memref_squeeze %dma_wait3A_290 : memref<1x!tpu.dma_semaphore, #tpu.memory_space<semaphore_mem>> -> memref<!tpu.dma_semaphore, #tpu.memory_space<semaphore_mem>>
      tpu.wait_indirect_dma semaphore(%dma_wait3A_291 : memref<!tpu.dma_semaphore, #tpu.memory_space<semaphore_mem>>) src(%dma_wait3A_289 : memref<10112x48xf32, #tpu.memory_space<vmem_shared>>) dst(%dma_wait3A_283 : memref<128x48xf32, #tpu.memory_space<vmem>>)
      %dma_start3A_292 = arith.constant 3 : i32
      %dma_start3A_293 = arith.constant 3 : i32
      %dma_start3A_294 = arith.constant 0 : i32
      %dma_start3A_295 = arith.constant 0 : i32
      %dma_start3A_296 = tpu.memref_slice %arg9[%dma_start3A_292, %dma_start3A_294, %dma_start3A_295] : memref<8x128x48xf32, #tpu.memory_space<vmem>> -> memref<1x128x48xf32, #tpu.memory_space<vmem>>
      %dma_start3A_297 = tpu.memref_squeeze %dma_start3A_296 : memref<1x128x48xf32, #tpu.memory_space<vmem>> -> memref<128x48xf32, #tpu.memory_space<vmem>>
      %dma_start3A_298 = arith.constant 0 : i32
      %dma_start3A_299 = tpu.memref_slice %arg8[%add3A_264, %dma_start3A_298] : memref<80x128xi32, #tpu.memory_space<vmem>> -> memref<1x128xi32, #tpu.memory_space<vmem>>
      %dma_start3A_300 = tpu.memref_squeeze %dma_start3A_299 : memref<1x128xi32, #tpu.memory_space<vmem>> -> memref<128xi32, #tpu.memory_space<vmem>>
      %dma_start3A_301 = arith.constant 0 : i32
      %dma_start3A_302 = arith.constant 0 : i32
      %dma_start3A_303 = tpu.memref_slice %arg11[%dma_start3A_301, %dma_start3A_302] : memref<10112x48xf32, #tpu.memory_space<vmem_shared>> -> memref<10112x48xf32, #tpu.memory_space<vmem_shared>>
      %dma_start3A_304 = tpu.memref_slice %arg13[%dma_start3A_293] : memref<8x!tpu.dma_semaphore, #tpu.memory_space<semaphore_mem>> -> memref<1x!tpu.dma_semaphore, #tpu.memory_space<semaphore_mem>>
      %dma_start3A_305 = tpu.memref_squeeze %dma_start3A_304 : memref<1x!tpu.dma_semaphore, #tpu.memory_space<semaphore_mem>> -> memref<!tpu.dma_semaphore, #tpu.memory_space<semaphore_mem>>
      tpu.enqueue_indirect_dma source(%dma_start3A_297 : memref<128x48xf32, #tpu.memory_space<vmem>>) target(%dma_start3A_303 : memref<10112x48xf32, #tpu.memory_space<vmem_shared>>) offsets(%dma_start3A_300 : memref<128xi32, #tpu.memory_space<vmem>>) semaphore(%dma_start3A_305 : memref<!tpu.dma_semaphore, #tpu.memory_space<semaphore_mem>>) {add = true}
      %mul3A_306 = arith.constant 8 : i32
      %mul3A_307 = arith.muli %scan3A_129, %mul3A_306 : i32
      %add3A_308 = arith.constant 4 : i32
      %add3A_309 = arith.addi %mul3A_307, %add3A_308 : i32
      %ge3A_310 = arith.constant 4 : i32
      %ge3A_311 = arith.cmpi sge, %add3A_309, %ge3A_310 : i32
      %convert_element_type3A_312 = arith.extui %ge3A_311 : i1 to i32
      %cond3A_313 = arith.constant 0 : i32
      %cond3A_314 = arith.cmpi ne, %convert_element_type3A_312, %cond3A_313 : i32
      scf.if %cond3A_314 {
        %dma_wait3A_486 = arith.constant 0 : i32
        %dma_wait3A_487 = arith.constant 0 : i32
        %dma_wait3A_488 = arith.constant 0 : i32
        %dma_wait3A_489 = arith.constant 0 : i32
        %dma_wait3A_490 = arith.constant 0 : i32
        %dma_wait3A_491 = tpu.memref_slice %arg9[%dma_wait3A_486, %dma_wait3A_489, %dma_wait3A_490] : memref<8x128x48xf32, #tpu.memory_space<vmem>> -> memref<1x128x48xf32, #tpu.memory_space<vmem>>
        %dma_wait3A_492 = tpu.memref_squeeze %dma_wait3A_491 : memref<1x128x48xf32, #tpu.memory_space<vmem>> -> memref<128x48xf32, #tpu.memory_space<vmem>>
        %dma_wait3A_493 = arith.constant 0 : i32
        %dma_wait3A_494 = tpu.memref_slice %arg8[%dma_wait3A_487, %dma_wait3A_493] : memref<80x128xi32, #tpu.memory_space<vmem>> -> memref<1x128xi32, #tpu.memory_space<vmem>>
        %dma_wait3A_495 = tpu.memref_squeeze %dma_wait3A_494 : memref<1x128xi32, #tpu.memory_space<vmem>> -> memref<128xi32, #tpu.memory_space<vmem>>
        %dma_wait3A_496 = arith.constant 0 : i32
        %dma_wait3A_497 = arith.constant 0 : i32
        %dma_wait3A_498 = tpu.memref_slice %arg11[%dma_wait3A_496, %dma_wait3A_497] : memref<10112x48xf32, #tpu.memory_space<vmem_shared>> -> memref<10112x48xf32, #tpu.memory_space<vmem_shared>>
        %dma_wait3A_499 = tpu.memref_slice %arg13[%dma_wait3A_488] : memref<8x!tpu.dma_semaphore, #tpu.memory_space<semaphore_mem>> -> memref<1x!tpu.dma_semaphore, #tpu.memory_space<semaphore_mem>>
        %dma_wait3A_500 = tpu.memref_squeeze %dma_wait3A_499 : memref<1x!tpu.dma_semaphore, #tpu.memory_space<semaphore_mem>> -> memref<!tpu.dma_semaphore, #tpu.memory_space<semaphore_mem>>
        tpu.wait_indirect_dma semaphore(%dma_wait3A_500 : memref<!tpu.dma_semaphore, #tpu.memory_space<semaphore_mem>>) src(%dma_wait3A_492 : memref<128x48xf32, #tpu.memory_space<vmem>>) dst(%dma_wait3A_498 : memref<10112x48xf32, #tpu.memory_space<vmem_shared>>)
      } else {
      }
      %add3A_315 = arith.constant 4 : i32
      %add3A_316 = arith.addi %add3A_309, %add3A_315 : i32
      %lt3A_317 = arith.constant 80 : i32
      %lt3A_318 = arith.cmpi slt, %add3A_316, %lt3A_317 : i32
      %convert_element_type3A_319 = arith.extui %lt3A_318 : i1 to i32
      %cond3A_320 = arith.constant 0 : i32
      %cond3A_321 = arith.cmpi ne, %convert_element_type3A_319, %cond3A_320 : i32
      scf.if %cond3A_321 {
        %add3A_486 = arith.constant 4 : i32
        %add3A_487 = arith.addi %add3A_309, %add3A_486 : i32
        %dma_start3A_488 = arith.constant 0 : i32
        %dma_start3A_489 = arith.constant 0 : i32
        %dma_start3A_490 = arith.constant 0 : i32
        %dma_start3A_491 = arith.constant 0 : i32
        %dma_start3A_492 = tpu.memref_slice %arg9[%dma_start3A_488, %dma_start3A_490, %dma_start3A_491] : memref<8x128x48xf32, #tpu.memory_space<vmem>> -> memref<1x128x48xf32, #tpu.memory_space<vmem>>
        %dma_start3A_493 = tpu.memref_squeeze %dma_start3A_492 : memref<1x128x48xf32, #tpu.memory_space<vmem>> -> memref<128x48xf32, #tpu.memory_space<vmem>>
        %dma_start3A_494 = arith.constant 0 : i32
        %dma_start3A_495 = tpu.memref_slice %arg7[%add3A_487, %dma_start3A_494] : memref<80x128xi32, #tpu.memory_space<vmem>> -> memref<1x128xi32, #tpu.memory_space<vmem>>
        %dma_start3A_496 = tpu.memref_squeeze %dma_start3A_495 : memref<1x128xi32, #tpu.memory_space<vmem>> -> memref<128xi32, #tpu.memory_space<vmem>>
        %dma_start3A_497 = arith.constant 0 : i32
        %dma_start3A_498 = arith.constant 0 : i32
        %dma_start3A_499 = tpu.memref_slice %arg10[%dma_start3A_497, %dma_start3A_498] : memref<10112x48xf32, #tpu.memory_space<vmem_shared>> -> memref<10112x48xf32, #tpu.memory_space<vmem_shared>>
        %dma_start3A_500 = tpu.memref_slice %arg12[%dma_start3A_489] : memref<8x!tpu.dma_semaphore, #tpu.memory_space<semaphore_mem>> -> memref<1x!tpu.dma_semaphore, #tpu.memory_space<semaphore_mem>>
        %dma_start3A_501 = tpu.memref_squeeze %dma_start3A_500 : memref<1x!tpu.dma_semaphore, #tpu.memory_space<semaphore_mem>> -> memref<!tpu.dma_semaphore, #tpu.memory_space<semaphore_mem>>
        tpu.enqueue_indirect_dma source(%dma_start3A_499 : memref<10112x48xf32, #tpu.memory_space<vmem_shared>>) target(%dma_start3A_493 : memref<128x48xf32, #tpu.memory_space<vmem>>) offsets(%dma_start3A_496 : memref<128xi32, #tpu.memory_space<vmem>>) semaphore(%dma_start3A_501 : memref<!tpu.dma_semaphore, #tpu.memory_space<semaphore_mem>>)
      } else {
      }
      %dma_wait3A_322 = arith.constant 0 : i32
      %dma_wait3A_323 = arith.constant 4 : i32
      %dma_wait3A_324 = arith.constant 4 : i32
      %dma_wait3A_325 = arith.constant 0 : i32
      %dma_wait3A_326 = arith.constant 0 : i32
      %dma_wait3A_327 = tpu.memref_slice %arg9[%dma_wait3A_323, %dma_wait3A_325, %dma_wait3A_326] : memref<8x128x48xf32, #tpu.memory_space<vmem>> -> memref<1x128x48xf32, #tpu.memory_space<vmem>>
      %dma_wait3A_328 = tpu.memref_squeeze %dma_wait3A_327 : memref<1x128x48xf32, #tpu.memory_space<vmem>> -> memref<128x48xf32, #tpu.memory_space<vmem>>
      %dma_wait3A_329 = arith.constant 0 : i32
      %dma_wait3A_330 = tpu.memref_slice %arg7[%dma_wait3A_322, %dma_wait3A_329] : memref<80x128xi32, #tpu.memory_space<vmem>> -> memref<1x128xi32, #tpu.memory_space<vmem>>
      %dma_wait3A_331 = tpu.memref_squeeze %dma_wait3A_330 : memref<1x128xi32, #tpu.memory_space<vmem>> -> memref<128xi32, #tpu.memory_space<vmem>>
      %dma_wait3A_332 = arith.constant 0 : i32
      %dma_wait3A_333 = arith.constant 0 : i32
      %dma_wait3A_334 = tpu.memref_slice %arg10[%dma_wait3A_332, %dma_wait3A_333] : memref<10112x48xf32, #tpu.memory_space<vmem_shared>> -> memref<10112x48xf32, #tpu.memory_space<vmem_shared>>
      %dma_wait3A_335 = tpu.memref_slice %arg12[%dma_wait3A_324] : memref<8x!tpu.dma_semaphore, #tpu.memory_space<semaphore_mem>> -> memref<1x!tpu.dma_semaphore, #tpu.memory_space<semaphore_mem>>
      %dma_wait3A_336 = tpu.memref_squeeze %dma_wait3A_335 : memref<1x!tpu.dma_semaphore, #tpu.memory_space<semaphore_mem>> -> memref<!tpu.dma_semaphore, #tpu.memory_space<semaphore_mem>>
      tpu.wait_indirect_dma semaphore(%dma_wait3A_336 : memref<!tpu.dma_semaphore, #tpu.memory_space<semaphore_mem>>) src(%dma_wait3A_334 : memref<10112x48xf32, #tpu.memory_space<vmem_shared>>) dst(%dma_wait3A_328 : memref<128x48xf32, #tpu.memory_space<vmem>>)
      %dma_start3A_337 = arith.constant 4 : i32
      %dma_start3A_338 = arith.constant 4 : i32
      %dma_start3A_339 = arith.constant 0 : i32
      %dma_start3A_340 = arith.constant 0 : i32
      %dma_start3A_341 = tpu.memref_slice %arg9[%dma_start3A_337, %dma_start3A_339, %dma_start3A_340] : memref<8x128x48xf32, #tpu.memory_space<vmem>> -> memref<1x128x48xf32, #tpu.memory_space<vmem>>
      %dma_start3A_342 = tpu.memref_squeeze %dma_start3A_341 : memref<1x128x48xf32, #tpu.memory_space<vmem>> -> memref<128x48xf32, #tpu.memory_space<vmem>>
      %dma_start3A_343 = arith.constant 0 : i32
      %dma_start3A_344 = tpu.memref_slice %arg8[%add3A_309, %dma_start3A_343] : memref<80x128xi32, #tpu.memory_space<vmem>> -> memref<1x128xi32, #tpu.memory_space<vmem>>
      %dma_start3A_345 = tpu.memref_squeeze %dma_start3A_344 : memref<1x128xi32, #tpu.memory_space<vmem>> -> memref<128xi32, #tpu.memory_space<vmem>>
      %dma_start3A_346 = arith.constant 0 : i32
      %dma_start3A_347 = arith.constant 0 : i32
      %dma_start3A_348 = tpu.memref_slice %arg11[%dma_start3A_346, %dma_start3A_347] : memref<10112x48xf32, #tpu.memory_space<vmem_shared>> -> memref<10112x48xf32, #tpu.memory_space<vmem_shared>>
      %dma_start3A_349 = tpu.memref_slice %arg13[%dma_start3A_338] : memref<8x!tpu.dma_semaphore, #tpu.memory_space<semaphore_mem>> -> memref<1x!tpu.dma_semaphore, #tpu.memory_space<semaphore_mem>>
      %dma_start3A_350 = tpu.memref_squeeze %dma_start3A_349 : memref<1x!tpu.dma_semaphore, #tpu.memory_space<semaphore_mem>> -> memref<!tpu.dma_semaphore, #tpu.memory_space<semaphore_mem>>
      tpu.enqueue_indirect_dma source(%dma_start3A_342 : memref<128x48xf32, #tpu.memory_space<vmem>>) target(%dma_start3A_348 : memref<10112x48xf32, #tpu.memory_space<vmem_shared>>) offsets(%dma_start3A_345 : memref<128xi32, #tpu.memory_space<vmem>>) semaphore(%dma_start3A_350 : memref<!tpu.dma_semaphore, #tpu.memory_space<semaphore_mem>>) {add = true}
      %mul3A_351 = arith.constant 8 : i32
      %mul3A_352 = arith.muli %scan3A_129, %mul3A_351 : i32
      %add3A_353 = arith.constant 5 : i32
      %add3A_354 = arith.addi %mul3A_352, %add3A_353 : i32
      %ge3A_355 = arith.constant 4 : i32
      %ge3A_356 = arith.cmpi sge, %add3A_354, %ge3A_355 : i32
      %convert_element_type3A_357 = arith.extui %ge3A_356 : i1 to i32
      %cond3A_358 = arith.constant 0 : i32
      %cond3A_359 = arith.cmpi ne, %convert_element_type3A_357, %cond3A_358 : i32
      scf.if %cond3A_359 {
        %dma_wait3A_486 = arith.constant 1 : i32
        %dma_wait3A_487 = arith.constant 0 : i32
        %dma_wait3A_488 = arith.constant 1 : i32
        %dma_wait3A_489 = arith.constant 0 : i32
        %dma_wait3A_490 = arith.constant 0 : i32
        %dma_wait3A_491 = tpu.memref_slice %arg9[%dma_wait3A_486, %dma_wait3A_489, %dma_wait3A_490] : memref<8x128x48xf32, #tpu.memory_space<vmem>> -> memref<1x128x48xf32, #tpu.memory_space<vmem>>
        %dma_wait3A_492 = tpu.memref_squeeze %dma_wait3A_491 : memref<1x128x48xf32, #tpu.memory_space<vmem>> -> memref<128x48xf32, #tpu.memory_space<vmem>>
        %dma_wait3A_493 = arith.constant 0 : i32
        %dma_wait3A_494 = tpu.memref_slice %arg8[%dma_wait3A_487, %dma_wait3A_493] : memref<80x128xi32, #tpu.memory_space<vmem>> -> memref<1x128xi32, #tpu.memory_space<vmem>>
        %dma_wait3A_495 = tpu.memref_squeeze %dma_wait3A_494 : memref<1x128xi32, #tpu.memory_space<vmem>> -> memref<128xi32, #tpu.memory_space<vmem>>
        %dma_wait3A_496 = arith.constant 0 : i32
        %dma_wait3A_497 = arith.constant 0 : i32
        %dma_wait3A_498 = tpu.memref_slice %arg11[%dma_wait3A_496, %dma_wait3A_497] : memref<10112x48xf32, #tpu.memory_space<vmem_shared>> -> memref<10112x48xf32, #tpu.memory_space<vmem_shared>>
        %dma_wait3A_499 = tpu.memref_slice %arg13[%dma_wait3A_488] : memref<8x!tpu.dma_semaphore, #tpu.memory_space<semaphore_mem>> -> memref<1x!tpu.dma_semaphore, #tpu.memory_space<semaphore_mem>>
        %dma_wait3A_500 = tpu.memref_squeeze %dma_wait3A_499 : memref<1x!tpu.dma_semaphore, #tpu.memory_space<semaphore_mem>> -> memref<!tpu.dma_semaphore, #tpu.memory_space<semaphore_mem>>
        tpu.wait_indirect_dma semaphore(%dma_wait3A_500 : memref<!tpu.dma_semaphore, #tpu.memory_space<semaphore_mem>>) src(%dma_wait3A_492 : memref<128x48xf32, #tpu.memory_space<vmem>>) dst(%dma_wait3A_498 : memref<10112x48xf32, #tpu.memory_space<vmem_shared>>)
      } else {
      }
      %add3A_360 = arith.constant 4 : i32
      %add3A_361 = arith.addi %add3A_354, %add3A_360 : i32
      %lt3A_362 = arith.constant 80 : i32
      %lt3A_363 = arith.cmpi slt, %add3A_361, %lt3A_362 : i32
      %convert_element_type3A_364 = arith.extui %lt3A_363 : i1 to i32
      %cond3A_365 = arith.constant 0 : i32
      %cond3A_366 = arith.cmpi ne, %convert_element_type3A_364, %cond3A_365 : i32
      scf.if %cond3A_366 {
        %add3A_486 = arith.constant 4 : i32
        %add3A_487 = arith.addi %add3A_354, %add3A_486 : i32
        %dma_start3A_488 = arith.constant 1 : i32
        %dma_start3A_489 = arith.constant 1 : i32
        %dma_start3A_490 = arith.constant 0 : i32
        %dma_start3A_491 = arith.constant 0 : i32
        %dma_start3A_492 = tpu.memref_slice %arg9[%dma_start3A_488, %dma_start3A_490, %dma_start3A_491] : memref<8x128x48xf32, #tpu.memory_space<vmem>> -> memref<1x128x48xf32, #tpu.memory_space<vmem>>
        %dma_start3A_493 = tpu.memref_squeeze %dma_start3A_492 : memref<1x128x48xf32, #tpu.memory_space<vmem>> -> memref<128x48xf32, #tpu.memory_space<vmem>>
        %dma_start3A_494 = arith.constant 0 : i32
        %dma_start3A_495 = tpu.memref_slice %arg7[%add3A_487, %dma_start3A_494] : memref<80x128xi32, #tpu.memory_space<vmem>> -> memref<1x128xi32, #tpu.memory_space<vmem>>
        %dma_start3A_496 = tpu.memref_squeeze %dma_start3A_495 : memref<1x128xi32, #tpu.memory_space<vmem>> -> memref<128xi32, #tpu.memory_space<vmem>>
        %dma_start3A_497 = arith.constant 0 : i32
        %dma_start3A_498 = arith.constant 0 : i32
        %dma_start3A_499 = tpu.memref_slice %arg10[%dma_start3A_497, %dma_start3A_498] : memref<10112x48xf32, #tpu.memory_space<vmem_shared>> -> memref<10112x48xf32, #tpu.memory_space<vmem_shared>>
        %dma_start3A_500 = tpu.memref_slice %arg12[%dma_start3A_489] : memref<8x!tpu.dma_semaphore, #tpu.memory_space<semaphore_mem>> -> memref<1x!tpu.dma_semaphore, #tpu.memory_space<semaphore_mem>>
        %dma_start3A_501 = tpu.memref_squeeze %dma_start3A_500 : memref<1x!tpu.dma_semaphore, #tpu.memory_space<semaphore_mem>> -> memref<!tpu.dma_semaphore, #tpu.memory_space<semaphore_mem>>
        tpu.enqueue_indirect_dma source(%dma_start3A_499 : memref<10112x48xf32, #tpu.memory_space<vmem_shared>>) target(%dma_start3A_493 : memref<128x48xf32, #tpu.memory_space<vmem>>) offsets(%dma_start3A_496 : memref<128xi32, #tpu.memory_space<vmem>>) semaphore(%dma_start3A_501 : memref<!tpu.dma_semaphore, #tpu.memory_space<semaphore_mem>>)
      } else {
      }
      %dma_wait3A_367 = arith.constant 0 : i32
      %dma_wait3A_368 = arith.constant 5 : i32
      %dma_wait3A_369 = arith.constant 5 : i32
      %dma_wait3A_370 = arith.constant 0 : i32
      %dma_wait3A_371 = arith.constant 0 : i32
      %dma_wait3A_372 = tpu.memref_slice %arg9[%dma_wait3A_368, %dma_wait3A_370, %dma_wait3A_371] : memref<8x128x48xf32, #tpu.memory_space<vmem>> -> memref<1x128x48xf32, #tpu.memory_space<vmem>>
      %dma_wait3A_373 = tpu.memref_squeeze %dma_wait3A_372 : memref<1x128x48xf32, #tpu.memory_space<vmem>> -> memref<128x48xf32, #tpu.memory_space<vmem>>
      %dma_wait3A_374 = arith.constant 0 : i32
      %dma_wait3A_375 = tpu.memref_slice %arg7[%dma_wait3A_367, %dma_wait3A_374] : memref<80x128xi32, #tpu.memory_space<vmem>> -> memref<1x128xi32, #tpu.memory_space<vmem>>
      %dma_wait3A_376 = tpu.memref_squeeze %dma_wait3A_375 : memref<1x128xi32, #tpu.memory_space<vmem>> -> memref<128xi32, #tpu.memory_space<vmem>>
      %dma_wait3A_377 = arith.constant 0 : i32
      %dma_wait3A_378 = arith.constant 0 : i32
      %dma_wait3A_379 = tpu.memref_slice %arg10[%dma_wait3A_377, %dma_wait3A_378] : memref<10112x48xf32, #tpu.memory_space<vmem_shared>> -> memref<10112x48xf32, #tpu.memory_space<vmem_shared>>
      %dma_wait3A_380 = tpu.memref_slice %arg12[%dma_wait3A_369] : memref<8x!tpu.dma_semaphore, #tpu.memory_space<semaphore_mem>> -> memref<1x!tpu.dma_semaphore, #tpu.memory_space<semaphore_mem>>
      %dma_wait3A_381 = tpu.memref_squeeze %dma_wait3A_380 : memref<1x!tpu.dma_semaphore, #tpu.memory_space<semaphore_mem>> -> memref<!tpu.dma_semaphore, #tpu.memory_space<semaphore_mem>>
      tpu.wait_indirect_dma semaphore(%dma_wait3A_381 : memref<!tpu.dma_semaphore, #tpu.memory_space<semaphore_mem>>) src(%dma_wait3A_379 : memref<10112x48xf32, #tpu.memory_space<vmem_shared>>) dst(%dma_wait3A_373 : memref<128x48xf32, #tpu.memory_space<vmem>>)
      %dma_start3A_382 = arith.constant 5 : i32
      %dma_start3A_383 = arith.constant 5 : i32
      %dma_start3A_384 = arith.constant 0 : i32
      %dma_start3A_385 = arith.constant 0 : i32
      %dma_start3A_386 = tpu.memref_slice %arg9[%dma_start3A_382, %dma_start3A_384, %dma_start3A_385] : memref<8x128x48xf32, #tpu.memory_space<vmem>> -> memref<1x128x48xf32, #tpu.memory_space<vmem>>
      %dma_start3A_387 = tpu.memref_squeeze %dma_start3A_386 : memref<1x128x48xf32, #tpu.memory_space<vmem>> -> memref<128x48xf32, #tpu.memory_space<vmem>>
      %dma_start3A_388 = arith.constant 0 : i32
      %dma_start3A_389 = tpu.memref_slice %arg8[%add3A_354, %dma_start3A_388] : memref<80x128xi32, #tpu.memory_space<vmem>> -> memref<1x128xi32, #tpu.memory_space<vmem>>
      %dma_start3A_390 = tpu.memref_squeeze %dma_start3A_389 : memref<1x128xi32, #tpu.memory_space<vmem>> -> memref<128xi32, #tpu.memory_space<vmem>>
      %dma_start3A_391 = arith.constant 0 : i32
      %dma_start3A_392 = arith.constant 0 : i32
      %dma_start3A_393 = tpu.memref_slice %arg11[%dma_start3A_391, %dma_start3A_392] : memref<10112x48xf32, #tpu.memory_space<vmem_shared>> -> memref<10112x48xf32, #tpu.memory_space<vmem_shared>>
      %dma_start3A_394 = tpu.memref_slice %arg13[%dma_start3A_383] : memref<8x!tpu.dma_semaphore, #tpu.memory_space<semaphore_mem>> -> memref<1x!tpu.dma_semaphore, #tpu.memory_space<semaphore_mem>>
      %dma_start3A_395 = tpu.memref_squeeze %dma_start3A_394 : memref<1x!tpu.dma_semaphore, #tpu.memory_space<semaphore_mem>> -> memref<!tpu.dma_semaphore, #tpu.memory_space<semaphore_mem>>
      tpu.enqueue_indirect_dma source(%dma_start3A_387 : memref<128x48xf32, #tpu.memory_space<vmem>>) target(%dma_start3A_393 : memref<10112x48xf32, #tpu.memory_space<vmem_shared>>) offsets(%dma_start3A_390 : memref<128xi32, #tpu.memory_space<vmem>>) semaphore(%dma_start3A_395 : memref<!tpu.dma_semaphore, #tpu.memory_space<semaphore_mem>>) {add = true}
      %mul3A_396 = arith.constant 8 : i32
      %mul3A_397 = arith.muli %scan3A_129, %mul3A_396 : i32
      %add3A_398 = arith.constant 6 : i32
      %add3A_399 = arith.addi %mul3A_397, %add3A_398 : i32
      %ge3A_400 = arith.constant 4 : i32
      %ge3A_401 = arith.cmpi sge, %add3A_399, %ge3A_400 : i32
      %convert_element_type3A_402 = arith.extui %ge3A_401 : i1 to i32
      %cond3A_403 = arith.constant 0 : i32
      %cond3A_404 = arith.cmpi ne, %convert_element_type3A_402, %cond3A_403 : i32
      scf.if %cond3A_404 {
        %dma_wait3A_486 = arith.constant 2 : i32
        %dma_wait3A_487 = arith.constant 0 : i32
        %dma_wait3A_488 = arith.constant 2 : i32
        %dma_wait3A_489 = arith.constant 0 : i32
        %dma_wait3A_490 = arith.constant 0 : i32
        %dma_wait3A_491 = tpu.memref_slice %arg9[%dma_wait3A_486, %dma_wait3A_489, %dma_wait3A_490] : memref<8x128x48xf32, #tpu.memory_space<vmem>> -> memref<1x128x48xf32, #tpu.memory_space<vmem>>
        %dma_wait3A_492 = tpu.memref_squeeze %dma_wait3A_491 : memref<1x128x48xf32, #tpu.memory_space<vmem>> -> memref<128x48xf32, #tpu.memory_space<vmem>>
        %dma_wait3A_493 = arith.constant 0 : i32
        %dma_wait3A_494 = tpu.memref_slice %arg8[%dma_wait3A_487, %dma_wait3A_493] : memref<80x128xi32, #tpu.memory_space<vmem>> -> memref<1x128xi32, #tpu.memory_space<vmem>>
        %dma_wait3A_495 = tpu.memref_squeeze %dma_wait3A_494 : memref<1x128xi32, #tpu.memory_space<vmem>> -> memref<128xi32, #tpu.memory_space<vmem>>
        %dma_wait3A_496 = arith.constant 0 : i32
        %dma_wait3A_497 = arith.constant 0 : i32
        %dma_wait3A_498 = tpu.memref_slice %arg11[%dma_wait3A_496, %dma_wait3A_497] : memref<10112x48xf32, #tpu.memory_space<vmem_shared>> -> memref<10112x48xf32, #tpu.memory_space<vmem_shared>>
        %dma_wait3A_499 = tpu.memref_slice %arg13[%dma_wait3A_488] : memref<8x!tpu.dma_semaphore, #tpu.memory_space<semaphore_mem>> -> memref<1x!tpu.dma_semaphore, #tpu.memory_space<semaphore_mem>>
        %dma_wait3A_500 = tpu.memref_squeeze %dma_wait3A_499 : memref<1x!tpu.dma_semaphore, #tpu.memory_space<semaphore_mem>> -> memref<!tpu.dma_semaphore, #tpu.memory_space<semaphore_mem>>
        tpu.wait_indirect_dma semaphore(%dma_wait3A_500 : memref<!tpu.dma_semaphore, #tpu.memory_space<semaphore_mem>>) src(%dma_wait3A_492 : memref<128x48xf32, #tpu.memory_space<vmem>>) dst(%dma_wait3A_498 : memref<10112x48xf32, #tpu.memory_space<vmem_shared>>)
      } else {
      }
      %add3A_405 = arith.constant 4 : i32
      %add3A_406 = arith.addi %add3A_399, %add3A_405 : i32
      %lt3A_407 = arith.constant 80 : i32
      %lt3A_408 = arith.cmpi slt, %add3A_406, %lt3A_407 : i32
      %convert_element_type3A_409 = arith.extui %lt3A_408 : i1 to i32
      %cond3A_410 = arith.constant 0 : i32
      %cond3A_411 = arith.cmpi ne, %convert_element_type3A_409, %cond3A_410 : i32
      scf.if %cond3A_411 {
        %add3A_486 = arith.constant 4 : i32
        %add3A_487 = arith.addi %add3A_399, %add3A_486 : i32
        %dma_start3A_488 = arith.constant 2 : i32
        %dma_start3A_489 = arith.constant 2 : i32
        %dma_start3A_490 = arith.constant 0 : i32
        %dma_start3A_491 = arith.constant 0 : i32
        %dma_start3A_492 = tpu.memref_slice %arg9[%dma_start3A_488, %dma_start3A_490, %dma_start3A_491] : memref<8x128x48xf32, #tpu.memory_space<vmem>> -> memref<1x128x48xf32, #tpu.memory_space<vmem>>
        %dma_start3A_493 = tpu.memref_squeeze %dma_start3A_492 : memref<1x128x48xf32, #tpu.memory_space<vmem>> -> memref<128x48xf32, #tpu.memory_space<vmem>>
        %dma_start3A_494 = arith.constant 0 : i32
        %dma_start3A_495 = tpu.memref_slice %arg7[%add3A_487, %dma_start3A_494] : memref<80x128xi32, #tpu.memory_space<vmem>> -> memref<1x128xi32, #tpu.memory_space<vmem>>
        %dma_start3A_496 = tpu.memref_squeeze %dma_start3A_495 : memref<1x128xi32, #tpu.memory_space<vmem>> -> memref<128xi32, #tpu.memory_space<vmem>>
        %dma_start3A_497 = arith.constant 0 : i32
        %dma_start3A_498 = arith.constant 0 : i32
        %dma_start3A_499 = tpu.memref_slice %arg10[%dma_start3A_497, %dma_start3A_498] : memref<10112x48xf32, #tpu.memory_space<vmem_shared>> -> memref<10112x48xf32, #tpu.memory_space<vmem_shared>>
        %dma_start3A_500 = tpu.memref_slice %arg12[%dma_start3A_489] : memref<8x!tpu.dma_semaphore, #tpu.memory_space<semaphore_mem>> -> memref<1x!tpu.dma_semaphore, #tpu.memory_space<semaphore_mem>>
        %dma_start3A_501 = tpu.memref_squeeze %dma_start3A_500 : memref<1x!tpu.dma_semaphore, #tpu.memory_space<semaphore_mem>> -> memref<!tpu.dma_semaphore, #tpu.memory_space<semaphore_mem>>
        tpu.enqueue_indirect_dma source(%dma_start3A_499 : memref<10112x48xf32, #tpu.memory_space<vmem_shared>>) target(%dma_start3A_493 : memref<128x48xf32, #tpu.memory_space<vmem>>) offsets(%dma_start3A_496 : memref<128xi32, #tpu.memory_space<vmem>>) semaphore(%dma_start3A_501 : memref<!tpu.dma_semaphore, #tpu.memory_space<semaphore_mem>>)
      } else {
      }
      %dma_wait3A_412 = arith.constant 0 : i32
      %dma_wait3A_413 = arith.constant 6 : i32
      %dma_wait3A_414 = arith.constant 6 : i32
      %dma_wait3A_415 = arith.constant 0 : i32
      %dma_wait3A_416 = arith.constant 0 : i32
      %dma_wait3A_417 = tpu.memref_slice %arg9[%dma_wait3A_413, %dma_wait3A_415, %dma_wait3A_416] : memref<8x128x48xf32, #tpu.memory_space<vmem>> -> memref<1x128x48xf32, #tpu.memory_space<vmem>>
      %dma_wait3A_418 = tpu.memref_squeeze %dma_wait3A_417 : memref<1x128x48xf32, #tpu.memory_space<vmem>> -> memref<128x48xf32, #tpu.memory_space<vmem>>
      %dma_wait3A_419 = arith.constant 0 : i32
      %dma_wait3A_420 = tpu.memref_slice %arg7[%dma_wait3A_412, %dma_wait3A_419] : memref<80x128xi32, #tpu.memory_space<vmem>> -> memref<1x128xi32, #tpu.memory_space<vmem>>
      %dma_wait3A_421 = tpu.memref_squeeze %dma_wait3A_420 : memref<1x128xi32, #tpu.memory_space<vmem>> -> memref<128xi32, #tpu.memory_space<vmem>>
      %dma_wait3A_422 = arith.constant 0 : i32
      %dma_wait3A_423 = arith.constant 0 : i32
      %dma_wait3A_424 = tpu.memref_slice %arg10[%dma_wait3A_422, %dma_wait3A_423] : memref<10112x48xf32, #tpu.memory_space<vmem_shared>> -> memref<10112x48xf32, #tpu.memory_space<vmem_shared>>
      %dma_wait3A_425 = tpu.memref_slice %arg12[%dma_wait3A_414] : memref<8x!tpu.dma_semaphore, #tpu.memory_space<semaphore_mem>> -> memref<1x!tpu.dma_semaphore, #tpu.memory_space<semaphore_mem>>
      %dma_wait3A_426 = tpu.memref_squeeze %dma_wait3A_425 : memref<1x!tpu.dma_semaphore, #tpu.memory_space<semaphore_mem>> -> memref<!tpu.dma_semaphore, #tpu.memory_space<semaphore_mem>>
      tpu.wait_indirect_dma semaphore(%dma_wait3A_426 : memref<!tpu.dma_semaphore, #tpu.memory_space<semaphore_mem>>) src(%dma_wait3A_424 : memref<10112x48xf32, #tpu.memory_space<vmem_shared>>) dst(%dma_wait3A_418 : memref<128x48xf32, #tpu.memory_space<vmem>>)
      %dma_start3A_427 = arith.constant 6 : i32
      %dma_start3A_428 = arith.constant 6 : i32
      %dma_start3A_429 = arith.constant 0 : i32
      %dma_start3A_430 = arith.constant 0 : i32
      %dma_start3A_431 = tpu.memref_slice %arg9[%dma_start3A_427, %dma_start3A_429, %dma_start3A_430] : memref<8x128x48xf32, #tpu.memory_space<vmem>> -> memref<1x128x48xf32, #tpu.memory_space<vmem>>
      %dma_start3A_432 = tpu.memref_squeeze %dma_start3A_431 : memref<1x128x48xf32, #tpu.memory_space<vmem>> -> memref<128x48xf32, #tpu.memory_space<vmem>>
      %dma_start3A_433 = arith.constant 0 : i32
      %dma_start3A_434 = tpu.memref_slice %arg8[%add3A_399, %dma_start3A_433] : memref<80x128xi32, #tpu.memory_space<vmem>> -> memref<1x128xi32, #tpu.memory_space<vmem>>
      %dma_start3A_435 = tpu.memref_squeeze %dma_start3A_434 : memref<1x128xi32, #tpu.memory_space<vmem>> -> memref<128xi32, #tpu.memory_space<vmem>>
      %dma_start3A_436 = arith.constant 0 : i32
      %dma_start3A_437 = arith.constant 0 : i32
      %dma_start3A_438 = tpu.memref_slice %arg11[%dma_start3A_436, %dma_start3A_437] : memref<10112x48xf32, #tpu.memory_space<vmem_shared>> -> memref<10112x48xf32, #tpu.memory_space<vmem_shared>>
      %dma_start3A_439 = tpu.memref_slice %arg13[%dma_start3A_428] : memref<8x!tpu.dma_semaphore, #tpu.memory_space<semaphore_mem>> -> memref<1x!tpu.dma_semaphore, #tpu.memory_space<semaphore_mem>>
      %dma_start3A_440 = tpu.memref_squeeze %dma_start3A_439 : memref<1x!tpu.dma_semaphore, #tpu.memory_space<semaphore_mem>> -> memref<!tpu.dma_semaphore, #tpu.memory_space<semaphore_mem>>
      tpu.enqueue_indirect_dma source(%dma_start3A_432 : memref<128x48xf32, #tpu.memory_space<vmem>>) target(%dma_start3A_438 : memref<10112x48xf32, #tpu.memory_space<vmem_shared>>) offsets(%dma_start3A_435 : memref<128xi32, #tpu.memory_space<vmem>>) semaphore(%dma_start3A_440 : memref<!tpu.dma_semaphore, #tpu.memory_space<semaphore_mem>>) {add = true}
      %mul3A_441 = arith.constant 8 : i32
      %mul3A_442 = arith.muli %scan3A_129, %mul3A_441 : i32
      %add3A_443 = arith.constant 7 : i32
      %add3A_444 = arith.addi %mul3A_442, %add3A_443 : i32
      %ge3A_445 = arith.constant 4 : i32
      %ge3A_446 = arith.cmpi sge, %add3A_444, %ge3A_445 : i32
      %convert_element_type3A_447 = arith.extui %ge3A_446 : i1 to i32
      %cond3A_448 = arith.constant 0 : i32
      %cond3A_449 = arith.cmpi ne, %convert_element_type3A_447, %cond3A_448 : i32
      scf.if %cond3A_449 {
        %dma_wait3A_486 = arith.constant 3 : i32
        %dma_wait3A_487 = arith.constant 0 : i32
        %dma_wait3A_488 = arith.constant 3 : i32
        %dma_wait3A_489 = arith.constant 0 : i32
        %dma_wait3A_490 = arith.constant 0 : i32
        %dma_wait3A_491 = tpu.memref_slice %arg9[%dma_wait3A_486, %dma_wait3A_489, %dma_wait3A_490] : memref<8x128x48xf32, #tpu.memory_space<vmem>> -> memref<1x128x48xf32, #tpu.memory_space<vmem>>
        %dma_wait3A_492 = tpu.memref_squeeze %dma_wait3A_491 : memref<1x128x48xf32, #tpu.memory_space<vmem>> -> memref<128x48xf32, #tpu.memory_space<vmem>>
        %dma_wait3A_493 = arith.constant 0 : i32
        %dma_wait3A_494 = tpu.memref_slice %arg8[%dma_wait3A_487, %dma_wait3A_493] : memref<80x128xi32, #tpu.memory_space<vmem>> -> memref<1x128xi32, #tpu.memory_space<vmem>>
        %dma_wait3A_495 = tpu.memref_squeeze %dma_wait3A_494 : memref<1x128xi32, #tpu.memory_space<vmem>> -> memref<128xi32, #tpu.memory_space<vmem>>
        %dma_wait3A_496 = arith.constant 0 : i32
        %dma_wait3A_497 = arith.constant 0 : i32
        %dma_wait3A_498 = tpu.memref_slice %arg11[%dma_wait3A_496, %dma_wait3A_497] : memref<10112x48xf32, #tpu.memory_space<vmem_shared>> -> memref<10112x48xf32, #tpu.memory_space<vmem_shared>>
        %dma_wait3A_499 = tpu.memref_slice %arg13[%dma_wait3A_488] : memref<8x!tpu.dma_semaphore, #tpu.memory_space<semaphore_mem>> -> memref<1x!tpu.dma_semaphore, #tpu.memory_space<semaphore_mem>>
        %dma_wait3A_500 = tpu.memref_squeeze %dma_wait3A_499 : memref<1x!tpu.dma_semaphore, #tpu.memory_space<semaphore_mem>> -> memref<!tpu.dma_semaphore, #tpu.memory_space<semaphore_mem>>
        tpu.wait_indirect_dma semaphore(%dma_wait3A_500 : memref<!tpu.dma_semaphore, #tpu.memory_space<semaphore_mem>>) src(%dma_wait3A_492 : memref<128x48xf32, #tpu.memory_space<vmem>>) dst(%dma_wait3A_498 : memref<10112x48xf32, #tpu.memory_space<vmem_shared>>)
      } else {
      }
      %add3A_450 = arith.constant 4 : i32
      %add3A_451 = arith.addi %add3A_444, %add3A_450 : i32
      %lt3A_452 = arith.constant 80 : i32
      %lt3A_453 = arith.cmpi slt, %add3A_451, %lt3A_452 : i32
      %convert_element_type3A_454 = arith.extui %lt3A_453 : i1 to i32
      %cond3A_455 = arith.constant 0 : i32
      %cond3A_456 = arith.cmpi ne, %convert_element_type3A_454, %cond3A_455 : i32
      scf.if %cond3A_456 {
        %add3A_486 = arith.constant 4 : i32
        %add3A_487 = arith.addi %add3A_444, %add3A_486 : i32
        %dma_start3A_488 = arith.constant 3 : i32
        %dma_start3A_489 = arith.constant 3 : i32
        %dma_start3A_490 = arith.constant 0 : i32
        %dma_start3A_491 = arith.constant 0 : i32
        %dma_start3A_492 = tpu.memref_slice %arg9[%dma_start3A_488, %dma_start3A_490, %dma_start3A_491] : memref<8x128x48xf32, #tpu.memory_space<vmem>> -> memref<1x128x48xf32, #tpu.memory_space<vmem>>
        %dma_start3A_493 = tpu.memref_squeeze %dma_start3A_492 : memref<1x128x48xf32, #tpu.memory_space<vmem>> -> memref<128x48xf32, #tpu.memory_space<vmem>>
        %dma_start3A_494 = arith.constant 0 : i32
        %dma_start3A_495 = tpu.memref_slice %arg7[%add3A_487, %dma_start3A_494] : memref<80x128xi32, #tpu.memory_space<vmem>> -> memref<1x128xi32, #tpu.memory_space<vmem>>
        %dma_start3A_496 = tpu.memref_squeeze %dma_start3A_495 : memref<1x128xi32, #tpu.memory_space<vmem>> -> memref<128xi32, #tpu.memory_space<vmem>>
        %dma_start3A_497 = arith.constant 0 : i32
        %dma_start3A_498 = arith.constant 0 : i32
        %dma_start3A_499 = tpu.memref_slice %arg10[%dma_start3A_497, %dma_start3A_498] : memref<10112x48xf32, #tpu.memory_space<vmem_shared>> -> memref<10112x48xf32, #tpu.memory_space<vmem_shared>>
        %dma_start3A_500 = tpu.memref_slice %arg12[%dma_start3A_489] : memref<8x!tpu.dma_semaphore, #tpu.memory_space<semaphore_mem>> -> memref<1x!tpu.dma_semaphore, #tpu.memory_space<semaphore_mem>>
        %dma_start3A_501 = tpu.memref_squeeze %dma_start3A_500 : memref<1x!tpu.dma_semaphore, #tpu.memory_space<semaphore_mem>> -> memref<!tpu.dma_semaphore, #tpu.memory_space<semaphore_mem>>
        tpu.enqueue_indirect_dma source(%dma_start3A_499 : memref<10112x48xf32, #tpu.memory_space<vmem_shared>>) target(%dma_start3A_493 : memref<128x48xf32, #tpu.memory_space<vmem>>) offsets(%dma_start3A_496 : memref<128xi32, #tpu.memory_space<vmem>>) semaphore(%dma_start3A_501 : memref<!tpu.dma_semaphore, #tpu.memory_space<semaphore_mem>>)
      } else {
      }
      %dma_wait3A_457 = arith.constant 0 : i32
      %dma_wait3A_458 = arith.constant 7 : i32
      %dma_wait3A_459 = arith.constant 7 : i32
      %dma_wait3A_460 = arith.constant 0 : i32
      %dma_wait3A_461 = arith.constant 0 : i32
      %dma_wait3A_462 = tpu.memref_slice %arg9[%dma_wait3A_458, %dma_wait3A_460, %dma_wait3A_461] : memref<8x128x48xf32, #tpu.memory_space<vmem>> -> memref<1x128x48xf32, #tpu.memory_space<vmem>>
      %dma_wait3A_463 = tpu.memref_squeeze %dma_wait3A_462 : memref<1x128x48xf32, #tpu.memory_space<vmem>> -> memref<128x48xf32, #tpu.memory_space<vmem>>
      %dma_wait3A_464 = arith.constant 0 : i32
      %dma_wait3A_465 = tpu.memref_slice %arg7[%dma_wait3A_457, %dma_wait3A_464] : memref<80x128xi32, #tpu.memory_space<vmem>> -> memref<1x128xi32, #tpu.memory_space<vmem>>
      %dma_wait3A_466 = tpu.memref_squeeze %dma_wait3A_465 : memref<1x128xi32, #tpu.memory_space<vmem>> -> memref<128xi32, #tpu.memory_space<vmem>>
      %dma_wait3A_467 = arith.constant 0 : i32
      %dma_wait3A_468 = arith.constant 0 : i32
      %dma_wait3A_469 = tpu.memref_slice %arg10[%dma_wait3A_467, %dma_wait3A_468] : memref<10112x48xf32, #tpu.memory_space<vmem_shared>> -> memref<10112x48xf32, #tpu.memory_space<vmem_shared>>
      %dma_wait3A_470 = tpu.memref_slice %arg12[%dma_wait3A_459] : memref<8x!tpu.dma_semaphore, #tpu.memory_space<semaphore_mem>> -> memref<1x!tpu.dma_semaphore, #tpu.memory_space<semaphore_mem>>
      %dma_wait3A_471 = tpu.memref_squeeze %dma_wait3A_470 : memref<1x!tpu.dma_semaphore, #tpu.memory_space<semaphore_mem>> -> memref<!tpu.dma_semaphore, #tpu.memory_space<semaphore_mem>>
      tpu.wait_indirect_dma semaphore(%dma_wait3A_471 : memref<!tpu.dma_semaphore, #tpu.memory_space<semaphore_mem>>) src(%dma_wait3A_469 : memref<10112x48xf32, #tpu.memory_space<vmem_shared>>) dst(%dma_wait3A_463 : memref<128x48xf32, #tpu.memory_space<vmem>>)
      %dma_start3A_472 = arith.constant 7 : i32
      %dma_start3A_473 = arith.constant 7 : i32
      %dma_start3A_474 = arith.constant 0 : i32
      %dma_start3A_475 = arith.constant 0 : i32
      %dma_start3A_476 = tpu.memref_slice %arg9[%dma_start3A_472, %dma_start3A_474, %dma_start3A_475] : memref<8x128x48xf32, #tpu.memory_space<vmem>> -> memref<1x128x48xf32, #tpu.memory_space<vmem>>
      %dma_start3A_477 = tpu.memref_squeeze %dma_start3A_476 : memref<1x128x48xf32, #tpu.memory_space<vmem>> -> memref<128x48xf32, #tpu.memory_space<vmem>>
      %dma_start3A_478 = arith.constant 0 : i32
      %dma_start3A_479 = tpu.memref_slice %arg8[%add3A_444, %dma_start3A_478] : memref<80x128xi32, #tpu.memory_space<vmem>> -> memref<1x128xi32, #tpu.memory_space<vmem>>
      %dma_start3A_480 = tpu.memref_squeeze %dma_start3A_479 : memref<1x128xi32, #tpu.memory_space<vmem>> -> memref<128xi32, #tpu.memory_space<vmem>>
      %dma_start3A_481 = arith.constant 0 : i32
      %dma_start3A_482 = arith.constant 0 : i32
      %dma_start3A_483 = tpu.memref_slice %arg11[%dma_start3A_481, %dma_start3A_482] : memref<10112x48xf32, #tpu.memory_space<vmem_shared>> -> memref<10112x48xf32, #tpu.memory_space<vmem_shared>>
      %dma_start3A_484 = tpu.memref_slice %arg13[%dma_start3A_473] : memref<8x!tpu.dma_semaphore, #tpu.memory_space<semaphore_mem>> -> memref<1x!tpu.dma_semaphore, #tpu.memory_space<semaphore_mem>>
      %dma_start3A_485 = tpu.memref_squeeze %dma_start3A_484 : memref<1x!tpu.dma_semaphore, #tpu.memory_space<semaphore_mem>> -> memref<!tpu.dma_semaphore, #tpu.memory_space<semaphore_mem>>
      tpu.enqueue_indirect_dma source(%dma_start3A_477 : memref<128x48xf32, #tpu.memory_space<vmem>>) target(%dma_start3A_483 : memref<10112x48xf32, #tpu.memory_space<vmem_shared>>) offsets(%dma_start3A_480 : memref<128xi32, #tpu.memory_space<vmem>>) semaphore(%dma_start3A_485 : memref<!tpu.dma_semaphore, #tpu.memory_space<semaphore_mem>>) {add = true}
    }
    %scan3A_68 = arith.constant 10 : i32
    %dma_wait3A = arith.constant 4 : i32
    %dma_wait3A_69 = arith.constant 0 : i32
    %dma_wait3A_70 = arith.constant 4 : i32
    %dma_wait3A_71 = arith.constant 0 : i32
    %dma_wait3A_72 = arith.constant 0 : i32
    %dma_wait3A_73 = tpu.memref_slice %arg9[%dma_wait3A, %dma_wait3A_71, %dma_wait3A_72] : memref<8x128x48xf32, #tpu.memory_space<vmem>> -> memref<1x128x48xf32, #tpu.memory_space<vmem>>
    %dma_wait3A_74 = tpu.memref_squeeze %dma_wait3A_73 : memref<1x128x48xf32, #tpu.memory_space<vmem>> -> memref<128x48xf32, #tpu.memory_space<vmem>>
    %dma_wait3A_75 = arith.constant 0 : i32
    %dma_wait3A_76 = tpu.memref_slice %arg8[%dma_wait3A_69, %dma_wait3A_75] : memref<80x128xi32, #tpu.memory_space<vmem>> -> memref<1x128xi32, #tpu.memory_space<vmem>>
    %dma_wait3A_77 = tpu.memref_squeeze %dma_wait3A_76 : memref<1x128xi32, #tpu.memory_space<vmem>> -> memref<128xi32, #tpu.memory_space<vmem>>
    %dma_wait3A_78 = arith.constant 0 : i32
    %dma_wait3A_79 = arith.constant 0 : i32
    %dma_wait3A_80 = tpu.memref_slice %arg11[%dma_wait3A_78, %dma_wait3A_79] : memref<10112x48xf32, #tpu.memory_space<vmem_shared>> -> memref<10112x48xf32, #tpu.memory_space<vmem_shared>>
    %dma_wait3A_81 = tpu.memref_slice %arg13[%dma_wait3A_70] : memref<8x!tpu.dma_semaphore, #tpu.memory_space<semaphore_mem>> -> memref<1x!tpu.dma_semaphore, #tpu.memory_space<semaphore_mem>>
    %dma_wait3A_82 = tpu.memref_squeeze %dma_wait3A_81 : memref<1x!tpu.dma_semaphore, #tpu.memory_space<semaphore_mem>> -> memref<!tpu.dma_semaphore, #tpu.memory_space<semaphore_mem>>
    tpu.wait_indirect_dma semaphore(%dma_wait3A_82 : memref<!tpu.dma_semaphore, #tpu.memory_space<semaphore_mem>>) src(%dma_wait3A_74 : memref<128x48xf32, #tpu.memory_space<vmem>>) dst(%dma_wait3A_80 : memref<10112x48xf32, #tpu.memory_space<vmem_shared>>)
    %dma_wait3A_83 = arith.constant 5 : i32
    %dma_wait3A_84 = arith.constant 0 : i32
    %dma_wait3A_85 = arith.constant 5 : i32
    %dma_wait3A_86 = arith.constant 0 : i32
    %dma_wait3A_87 = arith.constant 0 : i32
    %dma_wait3A_88 = tpu.memref_slice %arg9[%dma_wait3A_83, %dma_wait3A_86, %dma_wait3A_87] : memref<8x128x48xf32, #tpu.memory_space<vmem>> -> memref<1x128x48xf32, #tpu.memory_space<vmem>>
    %dma_wait3A_89 = tpu.memref_squeeze %dma_wait3A_88 : memref<1x128x48xf32, #tpu.memory_space<vmem>> -> memref<128x48xf32, #tpu.memory_space<vmem>>
    %dma_wait3A_90 = arith.constant 0 : i32
    %dma_wait3A_91 = tpu.memref_slice %arg8[%dma_wait3A_84, %dma_wait3A_90] : memref<80x128xi32, #tpu.memory_space<vmem>> -> memref<1x128xi32, #tpu.memory_space<vmem>>
    %dma_wait3A_92 = tpu.memref_squeeze %dma_wait3A_91 : memref<1x128xi32, #tpu.memory_space<vmem>> -> memref<128xi32, #tpu.memory_space<vmem>>
    %dma_wait3A_93 = arith.constant 0 : i32
    %dma_wait3A_94 = arith.constant 0 : i32
    %dma_wait3A_95 = tpu.memref_slice %arg11[%dma_wait3A_93, %dma_wait3A_94] : memref<10112x48xf32, #tpu.memory_space<vmem_shared>> -> memref<10112x48xf32, #tpu.memory_space<vmem_shared>>
    %dma_wait3A_96 = tpu.memref_slice %arg13[%dma_wait3A_85] : memref<8x!tpu.dma_semaphore, #tpu.memory_space<semaphore_mem>> -> memref<1x!tpu.dma_semaphore, #tpu.memory_space<semaphore_mem>>
    %dma_wait3A_97 = tpu.memref_squeeze %dma_wait3A_96 : memref<1x!tpu.dma_semaphore, #tpu.memory_space<semaphore_mem>> -> memref<!tpu.dma_semaphore, #tpu.memory_space<semaphore_mem>>
    tpu.wait_indirect_dma semaphore(%dma_wait3A_97 : memref<!tpu.dma_semaphore, #tpu.memory_space<semaphore_mem>>) src(%dma_wait3A_89 : memref<128x48xf32, #tpu.memory_space<vmem>>) dst(%dma_wait3A_95 : memref<10112x48xf32, #tpu.memory_space<vmem_shared>>)
    %dma_wait3A_98 = arith.constant 6 : i32
    %dma_wait3A_99 = arith.constant 0 : i32
    %dma_wait3A_100 = arith.constant 6 : i32
    %dma_wait3A_101 = arith.constant 0 : i32
    %dma_wait3A_102 = arith.constant 0 : i32
    %dma_wait3A_103 = tpu.memref_slice %arg9[%dma_wait3A_98, %dma_wait3A_101, %dma_wait3A_102] : memref<8x128x48xf32, #tpu.memory_space<vmem>> -> memref<1x128x48xf32, #tpu.memory_space<vmem>>
    %dma_wait3A_104 = tpu.memref_squeeze %dma_wait3A_103 : memref<1x128x48xf32, #tpu.memory_space<vmem>> -> memref<128x48xf32, #tpu.memory_space<vmem>>
    %dma_wait3A_105 = arith.constant 0 : i32
    %dma_wait3A_106 = tpu.memref_slice %arg8[%dma_wait3A_99, %dma_wait3A_105] : memref<80x128xi32, #tpu.memory_space<vmem>> -> memref<1x128xi32, #tpu.memory_space<vmem>>
    %dma_wait3A_107 = tpu.memref_squeeze %dma_wait3A_106 : memref<1x128xi32, #tpu.memory_space<vmem>> -> memref<128xi32, #tpu.memory_space<vmem>>
    %dma_wait3A_108 = arith.constant 0 : i32
    %dma_wait3A_109 = arith.constant 0 : i32
    %dma_wait3A_110 = tpu.memref_slice %arg11[%dma_wait3A_108, %dma_wait3A_109] : memref<10112x48xf32, #tpu.memory_space<vmem_shared>> -> memref<10112x48xf32, #tpu.memory_space<vmem_shared>>
    %dma_wait3A_111 = tpu.memref_slice %arg13[%dma_wait3A_100] : memref<8x!tpu.dma_semaphore, #tpu.memory_space<semaphore_mem>> -> memref<1x!tpu.dma_semaphore, #tpu.memory_space<semaphore_mem>>
    %dma_wait3A_112 = tpu.memref_squeeze %dma_wait3A_111 : memref<1x!tpu.dma_semaphore, #tpu.memory_space<semaphore_mem>> -> memref<!tpu.dma_semaphore, #tpu.memory_space<semaphore_mem>>
    tpu.wait_indirect_dma semaphore(%dma_wait3A_112 : memref<!tpu.dma_semaphore, #tpu.memory_space<semaphore_mem>>) src(%dma_wait3A_104 : memref<128x48xf32, #tpu.memory_space<vmem>>) dst(%dma_wait3A_110 : memref<10112x48xf32, #tpu.memory_space<vmem_shared>>)
    %dma_wait3A_113 = arith.constant 7 : i32
    %dma_wait3A_114 = arith.constant 0 : i32
    %dma_wait3A_115 = arith.constant 7 : i32
    %dma_wait3A_116 = arith.constant 0 : i32
    %dma_wait3A_117 = arith.constant 0 : i32
    %dma_wait3A_118 = tpu.memref_slice %arg9[%dma_wait3A_113, %dma_wait3A_116, %dma_wait3A_117] : memref<8x128x48xf32, #tpu.memory_space<vmem>> -> memref<1x128x48xf32, #tpu.memory_space<vmem>>
    %dma_wait3A_119 = tpu.memref_squeeze %dma_wait3A_118 : memref<1x128x48xf32, #tpu.memory_space<vmem>> -> memref<128x48xf32, #tpu.memory_space<vmem>>
    %dma_wait3A_120 = arith.constant 0 : i32
    %dma_wait3A_121 = tpu.memref_slice %arg8[%dma_wait3A_114, %dma_wait3A_120] : memref<80x128xi32, #tpu.memory_space<vmem>> -> memref<1x128xi32, #tpu.memory_space<vmem>>
    %dma_wait3A_122 = tpu.memref_squeeze %dma_wait3A_121 : memref<1x128xi32, #tpu.memory_space<vmem>> -> memref<128xi32, #tpu.memory_space<vmem>>
    %dma_wait3A_123 = arith.constant 0 : i32
    %dma_wait3A_124 = arith.constant 0 : i32
    %dma_wait3A_125 = tpu.memref_slice %arg11[%dma_wait3A_123, %dma_wait3A_124] : memref<10112x48xf32, #tpu.memory_space<vmem_shared>> -> memref<10112x48xf32, #tpu.memory_space<vmem_shared>>
    %dma_wait3A_126 = tpu.memref_slice %arg13[%dma_wait3A_115] : memref<8x!tpu.dma_semaphore, #tpu.memory_space<semaphore_mem>> -> memref<1x!tpu.dma_semaphore, #tpu.memory_space<semaphore_mem>>
    %dma_wait3A_127 = tpu.memref_squeeze %dma_wait3A_126 : memref<1x!tpu.dma_semaphore, #tpu.memory_space<semaphore_mem>> -> memref<!tpu.dma_semaphore, #tpu.memory_space<semaphore_mem>>
    tpu.wait_indirect_dma semaphore(%dma_wait3A_127 : memref<!tpu.dma_semaphore, #tpu.memory_space<semaphore_mem>>) src(%dma_wait3A_119 : memref<128x48xf32, #tpu.memory_space<vmem>>) dst(%dma_wait3A_125 : memref<10112x48xf32, #tpu.memory_space<vmem_shared>>)
    %barrier3A_128 = arith.constant 0 : index
    tpu.barrier barrier_id(%barrier3A_128)
    "tpu.region"() ({
      %run_scoped3A = tpu.sem_alloc : memref<!tpu.dma_semaphore, #tpu.memory_space<semaphore_mem>>
      %dma_start3A_129 = arith.constant 0 : i32
      %dma_start3A_130 = arith.constant 0 : i32
      %dma_start3A_131 = tpu.memref_slice %arg6[%arg0, %dma_start3A_129, %dma_start3A_130] : memref<2x10112x48xf32, #tpu.memory_space<hbm>> -> memref<1x10112x48xf32, #tpu.memory_space<hbm>>
      %dma_start3A_132 = tpu.memref_squeeze %dma_start3A_131 : memref<1x10112x48xf32, #tpu.memory_space<hbm>> -> memref<10112x48xf32, #tpu.memory_space<hbm>>
      %dma_start3A_133 = arith.constant 0 : i32
      %dma_start3A_134 = tpu.memref_slice %dma_start3A_132[%mul3A_2, %dma_start3A_133] : memref<10112x48xf32, #tpu.memory_space<hbm>> -> memref<632x48xf32, #tpu.memory_space<hbm>>
      %dma_start3A_135 = arith.constant 0 : i32
      %dma_start3A_136 = tpu.memref_slice %arg11[%mul3A_2, %dma_start3A_135] : memref<10112x48xf32, #tpu.memory_space<vmem_shared>> -> memref<632x48xf32, #tpu.memory_space<vmem_shared>>
      tpu.enqueue_dma source(%dma_start3A_136 : memref<632x48xf32, #tpu.memory_space<vmem_shared>>) target(%dma_start3A_134 : memref<632x48xf32, #tpu.memory_space<hbm>>) target_semaphore(%run_scoped3A : memref<!tpu.dma_semaphore, #tpu.memory_space<semaphore_mem>>)
      %dma_wait3A_137 = arith.constant 0 : i32
      %dma_wait3A_138 = arith.constant 0 : i32
      %dma_wait3A_139 = tpu.memref_slice %arg6[%arg0, %dma_wait3A_137, %dma_wait3A_138] : memref<2x10112x48xf32, #tpu.memory_space<hbm>> -> memref<1x10112x48xf32, #tpu.memory_space<hbm>>
      %dma_wait3A_140 = tpu.memref_squeeze %dma_wait3A_139 : memref<1x10112x48xf32, #tpu.memory_space<hbm>> -> memref<10112x48xf32, #tpu.memory_space<hbm>>
      %dma_wait3A_141 = arith.constant 0 : i32
      %dma_wait3A_142 = tpu.memref_slice %dma_wait3A_140[%mul3A_2, %dma_wait3A_141] : memref<10112x48xf32, #tpu.memory_space<hbm>> -> memref<632x48xf32, #tpu.memory_space<hbm>>
      %dma_wait3A_143 = arith.constant 0 : i32
      %dma_wait3A_144 = tpu.memref_slice %arg11[%mul3A_2, %dma_wait3A_143] : memref<10112x48xf32, #tpu.memory_space<vmem_shared>> -> memref<632x48xf32, #tpu.memory_space<vmem_shared>>
      tpu.wait_dma2 semaphore(%run_scoped3A : memref<!tpu.dma_semaphore, #tpu.memory_space<semaphore_mem>>) src(%dma_wait3A_144 : memref<632x48xf32, #tpu.memory_space<vmem_shared>>) dst(%dma_wait3A_142 : memref<632x48xf32, #tpu.memory_space<hbm>>)
      tpu.yield
    }) : () -> ()
    return
  }
}

module attributes {stable_mosaic.version = 14 : i64} {
  func.func @_mlp_body(%arg0: i32, %arg1: memref<2000x128xf32, #tpu.memory_space<vmem>>, %arg2: memref<128x16xf32, #tpu.memory_space<vmem>>, %arg3: memref<16x48xf32, #tpu.memory_space<vmem>>, %arg4: memref<2000x48xf32, #tpu.memory_space<vmem>>) attributes {dimension_semantics = [#tpu.dimension_semantics<arbitrary>], iteration_bounds = array<i64: 5>, scalar_prefetch = 0 : i64, scratch_operands = 0 : i64, tpu.core_type = #tpu.core_type<tc>, window_params = [{transform_indices = @transform_0, window_bounds = array<i64: 2000, 128>}, {pipeline_mode = #tpu.pipeline_mode<synchronous>, transform_indices = @transform_1, window_bounds = array<i64: 128, 16>}, {pipeline_mode = #tpu.pipeline_mode<synchronous>, transform_indices = @transform_2, window_bounds = array<i64: 16, 48>}, {transform_indices = @transform_3, window_bounds = array<i64: 2000, 48>}]} {
    %get3A = arith.constant 0 : index
    %get3A_0 = arith.constant 0 : index
    %get3A_1 = vector.load %arg1[%get3A, %get3A_0] : memref<2000x128xf32, #tpu.memory_space<vmem>>, vector<2000x128xf32>
    %get3A_2 = arith.constant 0 : index
    %get3A_3 = arith.constant 0 : index
    %get3A_4 = vector.load %arg2[%get3A_2, %get3A_3] : memref<128x16xf32, #tpu.memory_space<vmem>>, vector<128x16xf32>
    %dot_general3A = arith.constant dense<0.000000e+00> : vector<2000x16xf32>
    %dot_general3A_5 = tpu.matmul %get3A_1, %get3A_4, %dot_general3A {dimension_numbers = #tpu.dot_dimension_numbers<[1], [0], [0], [1], [0, 0, 1, 1], [], []>, transpose_lhs_hint = false} : vector<2000x128xf32>, vector<128x16xf32>, vector<2000x16xf32> -> vector<2000x16xf32>
    %max3A = arith.constant 0.000000e+00 : f32
    %max3A_6 = vector.broadcast %max3A : f32 to vector<2000x16xf32>
    %max3A_7 = arith.maximumf %dot_general3A_5, %max3A_6 : vector<2000x16xf32>
    %get3A_8 = arith.constant 0 : index
    %get3A_9 = arith.constant 0 : index
    %get3A_10 = vector.load %arg3[%get3A_8, %get3A_9] : memref<16x48xf32, #tpu.memory_space<vmem>>, vector<16x48xf32>
    %dot_general3A_11 = arith.constant dense<0.000000e+00> : vector<2000x48xf32>
    %dot_general3A_12 = tpu.matmul %max3A_7, %get3A_10, %dot_general3A_11 {dimension_numbers = #tpu.dot_dimension_numbers<[1], [0], [0], [1], [0, 0, 1, 1], [], []>, transpose_lhs_hint = false} : vector<2000x16xf32>, vector<16x48xf32>, vector<2000x48xf32> -> vector<2000x48xf32>
    %swap3A = arith.constant 0 : index
    %swap3A_13 = arith.constant 0 : index
    %swap3A_14 = vector.load %arg4[%swap3A, %swap3A_13] : memref<2000x48xf32, #tpu.memory_space<vmem>>, vector<2000x48xf32>
    tpu.vector_store %arg4[%swap3A, %swap3A_13], %dot_general3A_12 {strides = array<i32>} : memref<2000x48xf32, #tpu.memory_space<vmem>>, vector<2000x48xf32>,
    return
  }
  func.func @transform_0(%arg0: i32) -> (i32, i32) {
    %c0_i32 = arith.constant 0 : i32
    %c0_i32_0 = arith.constant 0 : i32
    return %arg0, %c0_i32 : i32, i32
  }
  func.func @transform_1(%arg0: i32) -> (i32, i32) {
    %c0_i32 = arith.constant 0 : i32
    %c0_i32_0 = arith.constant 0 : i32
    %c0_i32_1 = arith.constant 0 : i32
    return %c0_i32, %c0_i32_0 : i32, i32
  }
  func.func @transform_2(%arg0: i32) -> (i32, i32) {
    %c0_i32 = arith.constant 0 : i32
    %c0_i32_0 = arith.constant 0 : i32
    %c0_i32_1 = arith.constant 0 : i32
    return %c0_i32, %c0_i32_0 : i32, i32
  }
  func.func @transform_3(%arg0: i32) -> (i32, i32) {
    %c0_i32 = arith.constant 0 : i32
    %c0_i32_0 = arith.constant 0 : i32
    return %arg0, %c0_i32 : i32, i32
  }
}

module attributes {stable_mosaic.version = 14 : i64} {
  func.func @_combine_body(%arg0: i32, %arg1: memref<2x1000x48xf32, #tpu.memory_space<vmem>>, %arg2: memref<1000x48xf32, #tpu.memory_space<vmem>>) attributes {dimension_semantics = [#tpu.dimension_semantics<arbitrary>], iteration_bounds = array<i64: 10>, scalar_prefetch = 0 : i64, scratch_operands = 0 : i64, tpu.core_type = #tpu.core_type<tc>, window_params = [{transform_indices = @transform_0, window_bounds = array<i64: 2, 1000, 48>}, {transform_indices = @transform_1, window_bounds = array<i64: 1000, 48>}]} {
    %get3A = arith.constant 0 : index
    %get3A_0 = arith.constant 0 : index
    %get3A_1 = arith.constant 0 : index
    %get3A_2 = vector.load %arg1[%get3A, %get3A_0, %get3A_1] : memref<2x1000x48xf32, #tpu.memory_space<vmem>>, vector<1x1000x48xf32>
    %get3A_3 = vector.shape_cast %get3A_2 : vector<1x1000x48xf32> to vector<1000x48xf32>
    %get3A_4 = arith.constant 1 : index
    %get3A_5 = arith.constant 0 : index
    %get3A_6 = arith.constant 0 : index
    %get3A_7 = vector.load %arg1[%get3A_4, %get3A_5, %get3A_6] : memref<2x1000x48xf32, #tpu.memory_space<vmem>>, vector<1x1000x48xf32>
    %get3A_8 = vector.shape_cast %get3A_7 : vector<1x1000x48xf32> to vector<1000x48xf32>
    %add3A = arith.addf %get3A_3, %get3A_8 : vector<1000x48xf32>
    %swap3A = arith.constant 0 : index
    %swap3A_9 = arith.constant 0 : index
    %swap3A_10 = vector.load %arg2[%swap3A, %swap3A_9] : memref<1000x48xf32, #tpu.memory_space<vmem>>, vector<1000x48xf32>
    tpu.vector_store %arg2[%swap3A, %swap3A_9], %add3A {strides = array<i32>} : memref<1000x48xf32, #tpu.memory_space<vmem>>, vector<1000x48xf32>,
    return
  }
  func.func @transform_0(%arg0: i32) -> (i32, i32, i32) {
    %c0_i32 = arith.constant 0 : i32
    %c0_i32_0 = arith.constant 0 : i32
    %c0_i32_1 = arith.constant 0 : i32
    return %c0_i32, %arg0, %c0_i32_0 : i32, i32, i32
  }
  func.func @transform_1(%arg0: i32) -> (i32, i32) {
    %c0_i32 = arith.constant 0 : i32
    %c0_i32_0 = arith.constant 0 : i32
    return %arg0, %c0_i32 : i32, i32
  }
}

module attributes {stable_mosaic.version = 14 : i64} {
  func.func @_final_body(%arg0: i32, %arg1: memref<2x1000x48xf32, #tpu.memory_space<vmem>>, %arg2: memref<1000x40xf32, #tpu.memory_space<vmem>>) attributes {dimension_semantics = [#tpu.dimension_semantics<arbitrary>], iteration_bounds = array<i64: 10>, scalar_prefetch = 0 : i64, scratch_operands = 0 : i64, tpu.core_type = #tpu.core_type<tc>, window_params = [{transform_indices = @transform_0, window_bounds = array<i64: 2, 1000, 48>}, {transform_indices = @transform_1, window_bounds = array<i64: 1000, 40>}]} {
    %get3A = arith.constant 0 : index
    %get3A_0 = arith.constant 0 : index
    %get3A_1 = arith.constant 0 : index
    %get3A_2 = vector.load %arg1[%get3A, %get3A_0, %get3A_1] : memref<2x1000x48xf32, #tpu.memory_space<vmem>>, vector<1x1000x48xf32>
    %get3A_3 = vector.shape_cast %get3A_2 : vector<1x1000x48xf32> to vector<1000x48xf32>
    %get3A_4 = arith.constant 1 : index
    %get3A_5 = arith.constant 0 : index
    %get3A_6 = arith.constant 0 : index
    %get3A_7 = vector.load %arg1[%get3A_4, %get3A_5, %get3A_6] : memref<2x1000x48xf32, #tpu.memory_space<vmem>>, vector<1x1000x48xf32>
    %get3A_8 = vector.shape_cast %get3A_7 : vector<1x1000x48xf32> to vector<1000x48xf32>
    %add3A = arith.addf %get3A_3, %get3A_8 : vector<1000x48xf32>
    %slice3A = vector.extract_strided_slice %add3A {offsets = [0, 0], sizes = [1000, 40], strides = [1, 1]} : vector<1000x48xf32> to vector<1000x40xf32>
    %swap3A = arith.constant 0 : index
    %swap3A_9 = arith.constant 0 : index
    %swap3A_10 = vector.load %arg2[%swap3A, %swap3A_9] : memref<1000x40xf32, #tpu.memory_space<vmem>>, vector<1000x40xf32>
    tpu.vector_store %arg2[%swap3A, %swap3A_9], %slice3A {strides = array<i32>} : memref<1000x40xf32, #tpu.memory_space<vmem>>, vector<1000x40xf32>,
    return
  }
  func.func @transform_0(%arg0: i32) -> (i32, i32, i32) {
    %c0_i32 = arith.constant 0 : i32
    %c0_i32_0 = arith.constant 0 : i32
    %c0_i32_1 = arith.constant 0 : i32
    return %c0_i32, %arg0, %c0_i32_0 : i32, i32, i32
  }
  func.func @transform_1(%arg0: i32) -> (i32, i32) {
    %c0_i32 = arith.constant 0 : i32
    %c0_i32_0 = arith.constant 0 : i32
    return %arg0, %c0_i32 : i32, i32
  }
}

</mosaic_0001>

<sc_bundles>
// kernel: kernel.10.cloned.1.call-start
scs
__scs_entry_jumppad:
0x0: {  	(pc) =	sbr.rel $0x88, $3  }
0x1: {  	(tag) =	ssettag $0x0;
	lr =	simm.s32 $0x1  }
0x2: {  	[smem:$0x3F9D] =	sst lr;
	_ =	strace $0xD0000000  }
0x3: {  	_ = 	snop  }
0x4: {  	_ = 	snop  }
0x5: {  	_ = 	snop  }
0x6: {  	_ = 	snop  }
0x7: {  	_ = 	snop  }
__scs_overlays_trampoline_lowered:
0x8: {  	[smem:$0x3FAC] =	sst s0  }
0x9: {  	[smem:$0x3FAD] =	sst s1  }
0xa: {  	[smem:$0x3FAE] =	sst s2  }
0xb: {  	[smem:$0x3FAF] =	sst s3  }
0xc: {  	[smem:$0x3FB0] =	sst s4  }
0xd: {  	[smem:$0x3FB1] =	sst s5  }
0xe: {  	[smem:$0x3FB2] =	sst s6  }
0xf: {  	[smem:$0x3FB3] =	sst s7  }
0x10: {  	[smem:$0x3FB4] =	sst s8  }
0x11: {  	[smem:$0x3FB5] =	sst s9;
	s0 =	simm.s32 @!p0 $0x0  }
0x12: {  	s1 =	sld [smem:$0x3F9B];
	s0 =	simm.s32 @p0 $0x1  }
0x13: {  	[smem:$0x3FB6] =	sst s0;
	s0 =	simm.s32 @!p1 $0x0  }
0x14: {  	s2 =	sld [smem:$0x3F9A];
	s0 =	simm.s32 @p1 $0x1  }
0x15: {  	[smem:$0x3FB7] =	sst s0;
	s0 =	simm.s32 @!p2 $0x0  }
0x16: {  	s3 =	sld [smem:$0x3FDB];
	s0 =	simm.s32 @p2 $0x1  }
0x17: {  	s4 =	simm.s32 $0x1BF5;
	[smem:$0x3FB9] =	sst s0  }
0x18: {  	s0 =	sld [smem:$0x3F9C];
	_ =	swait.ge [sflag:s4], $0x0  }
0x19: {  	s7 =	sld [smem:$0x3F9D]  }
0x1a: {  	s8 =	sadd.s32 $0xFFFFE003, lr  }
0x1b: {  	s9 =	sadd.s32 $0xFFFFFEF7, lr;
	s5 =	simm.s32 $0xFFFFFFFF;
	p2 =	slt.u32 s8, $0xFFFFF086  }
0x1c: {  	p1 =	slt.u32 s9, $0xF7A;
	s5 =	simm.s32 @!p2 $0x0  }
0x1d: {  	s5 =	simm.s32 @p1 $0x1;
	p0 =	seq.s32 s7, s2  }
0x1e: {  	s7 =	smul.u32 @!p0 $0xF7A, s2;
	p2 =	seq.s32 @!p0 s5, $0x0  }
0x1f: {  	s9 =	smul.u32 $0xF7A, s1;
	s8 =	simm.s32 @!p0 $0x1BF5;
	p2 =	por !p2, p0  }
0x20: {  	[sflag:s8] =	ssyncset.s32 @!p0 $0xFFFFF086;
	s6 =	sadd.s32 @!p0 s3, s7;
	s7 =	simm.s32 @!p0 $0x108  }
0x21: {  	s3 =	sadd.s32 s3, s9;
	s6 =	sadd.s32 @!p0 $0x88, s6;
	s7 =	simm.s32 @p2 $0x1082  }
0x22: {  	[simem:s7], [sflag:s8] =	dma.local @!p0 [hbm:s6], $0xF7A  }
0x23: {  	s9 =	sor.u32 $0xD0000000, s2;
	s6 =	simm.s32 $0x108;
	_ =	swait.ge @!p0 [sflag:s8], $0x0  }
0x24: {  	s3 =	sadd.s32 $0x88, s3;
	s6 =	simm.s32 @!p1 $0x1082;
	[sflag:s4] =	ssyncset.s32 $0xFFFFF086  }
0x25: {  	[simem:s6], [sflag:s4] =	dma.local [hbm:s3], $0xF7A  }
0x26: {  	[smem:$0x3F9D] =	sst s1;
	(tag) =	ssettag s2;
	_ =	strace s9  }
0x27: {  	s1 =	sld [smem:$0x3FAD]  }
0x28: {  	s2 =	sld [smem:$0x3FAE]  }
0x29: {  	s4 =	sld [smem:$0x3FB0]  }
0x2a: {  	p0 =	seq.s32 s5, $0x0;
	s5 =	sld [smem:$0x3FB1]  }
0x2b: {  	s6 =	sld [smem:$0x3FB2]  }
0x2c: {  	s7 =	sld [smem:$0x3FB3]  }
0x2d: {  	s3 =	simm.s32 $0x108;
	s8 =	sld [smem:$0x3FB4]  }
0x2e: {  	s3 =	simm.s32 @!p0 $0x1082;
	s9 =	sld [smem:$0x3FB5]  }
0x2f: {  	lr =	sadd.s32 s0, s3;
	s0 =	sld [smem:$0x3FAC]  }
0x30: {  	s3 =	sld [smem:$0x3FAF]  }
0x31: {  	[smem:$0x3FB8] =	sst s10  }
0x32: {  	s10 =	sld [smem:$0x3FB6];
	_ =	sdelay $0x3  }
0x33: {  	p0 =	seq.s32 s10, $0x1;
	s10 =	sld [smem:$0x3FB8];
	_ =	sdelay $0x3  }
0x34: {  	[smem:$0x3FB8] =	sst s10  }
0x35: {  	s10 =	sld [smem:$0x3FB7];
	_ =	sdelay $0x3  }
0x36: {  	p1 =	seq.s32 s10, $0x1;
	s10 =	sld [smem:$0x3FB8];
	_ =	sdelay $0x3  }
0x37: {  	[smem:$0x3FB8] =	sst s10  }
0x38: {  	s10 =	sld [smem:$0x3FB9]  }
0x39: {  	_ = 	snop;
	(pc) =	sbr.ind lr, $3  }
0x3a: {  	_ = 	snop  }
0x3b: {  	_ = 	snop  }
0x3c: {  	p2 =	seq.s32 s10, $0x1;
	s10 =	sld [smem:$0x3FB8]  }
0x3d: {  	_ =	shalt  }
0x3e: {  	_ =	shalt  }
0x3f: {  	_ =	shalt  }
0x40: {  	_ =	shalt  }
0x41: {  	_ =	shalt  }
0x42: {  	_ =	shalt  }
0x43: {  	_ =	shalt  }
0x44: {  	_ =	shalt  }
0x45: {  	_ =	shalt  }
0x46: {  	_ =	shalt  }
0x47: {  	_ =	shalt  }
0x48: {  	_ =	shalt  }
0x49: {  	_ =	shalt  }
0x4a: {  	_ =	shalt  }
0x4b: {  	_ =	shalt  }
0x4c: {  	_ =	shalt  }
0x4d: {  	_ =	shalt  }
0x4e: {  	_ =	shalt  }
0x4f: {  	_ =	shalt  }
0x50: {  	_ =	shalt  }
0x51: {  	_ =	shalt  }
0x52: {  	_ =	shalt  }
0x53: {  	_ =	shalt  }
0x54: {  	_ =	shalt  }
0x55: {  	_ =	shalt  }
0x56: {  	_ =	shalt  }
0x57: {  	_ =	shalt  }
0x58: {  	_ =	shalt  }
0x59: {  	_ =	shalt  }
0x5a: {  	_ =	shalt  }
0x5b: {  	_ =	shalt  }
0x5c: {  	_ =	shalt  }
0x5d: {  	_ =	shalt  }
0x5e: {  	_ =	shalt  }
0x5f: {  	_ =	shalt  }
0x60: {  	_ =	shalt  }
0x61: {  	_ =	shalt  }
0x62: {  	_ =	shalt  }
0x63: {  	_ =	shalt  }
0x64: {  	_ =	shalt  }
0x65: {  	_ =	shalt  }
0x66: {  	_ =	shalt  }
0x67: {  	_ =	shalt  }
0x68: {  	_ =	shalt  }
0x69: {  	_ =	shalt  }
0x6a: {  	_ =	shalt  }
0x6b: {  	_ =	shalt  }
0x6c: {  	_ =	shalt  }
0x6d: {  	_ =	shalt  }
0x6e: {  	_ =	shalt  }
0x6f: {  	_ =	shalt  }
0x70: {  	_ =	shalt  }
0x71: {  	_ =	shalt  }
0x72: {  	_ =	shalt  }
0x73: {  	_ =	shalt  }
0x74: {  	_ =	shalt  }
0x75: {  	_ =	shalt  }
0x76: {  	_ =	shalt  }
0x77: {  	_ =	shalt  }
0x78: {  	_ =	shalt  }
0x79: {  	_ =	shalt  }
0x7a: {  	_ =	shalt  }
0x7b: {  	_ =	shalt  }
0x7c: {  	_ =	shalt  }
0x7d: {  	_ =	shalt  }
0x7e: {  	_ =	shalt  }
0x7f: {  	_ =	shalt  }
0x80: {  	_ =	shalt  }
0x81: {  	_ =	shalt  }
0x82: {  	_ =	shalt  }
0x83: {  	_ =	shalt  }
0x84: {  	_ =	shalt  }
0x85: {  	_ =	shalt  }
0x86: {  	_ =	shalt  }
0x87: {  	_ =	shalt  }
.Lfunc_end0:
.L_simem_size_0:
called_computation.1_lowered:
.L_overlay_start_0:
0x88: {  	s2 =	sld [smem:$0x3FD9]  }
0x89: {  	s3 =	sld [smem:$0x3FFE];
	_ =	sdelay $0x1  }
0x8a: {  	s1 =	srdreg.scid  }
0x8b: {  	s0 =	sand.u32 $0x1, s1  }
0x8c: {  	s17 =	sshll.u32 s0, $0xA;
	s2 =	sadd.s32 s3, s2  }
0x8d: {  	s2 =	sadd.s32 s2, s17  }
0x8e: {  	[smem:$0x3FC4] =	sst s2  }
0x8f: {  	_ = 	snop  }
0x90: {  	s2 =	sld [smem:$0x3FD0];
	(tm) =	ssettm $0x1  }
0x91: {  	s18 =	sld [smem:$0x3FFB];
	_ =	sdelay $0x3  }
0x92: {  	_ =	strace s18  }
0x93: {  	s3 =	sld [smem:$0x3FFC];
	_ =	sdelay $0x3  }
0x94: {  	_ =	strace s3  }
0x95: {  	s3 =	sld [smem:$0x3FFD];
	_ =	sdelay $0x3  }
0x96: {  	_ =	strace s3  }
0x97: {  	_ =	strace $0x8FFFFFFF  }
0x98: {  	s19 =	sld [smem:$0x3FDB];
	_ =	sdelay $0x1  }
0x99: {  	s4 =	simm.s32 $_scs_section_size  }
0x9a: {  	s5 =	simm.s32 $_size__tile_overlayer_lowered;
	s6 =	simm.s32 $_tile_overlayer_lowered  }
0x9b: {  	s22 =	simm.s32 $0x1BFF;
	s21 =	sshll.u32 s6, $0x1;
	s3 =	sadd.s32 s4, s19  }
0x9c: {  	s7 =	simm.s32 $0x0;
	s20 =	sshll.u32 s5, $0x1;
	s5 =	sadd.s32 s21, s3  }
0x9d: {  	[timem:s7], [sflag:s22] =	dma.local [hbm:s5], s20  }
0x9e: {  	_ =	swait.ge [sflag:s22], s20  }
0x9f: {  	s4 =	ssub.s32 $0x0, s20;
	[sflag:s22] =	ssyncset.done $0x0  }
0xa0: {  	[sflag:s22] =	ssyncadd.s32 s4;
	_ =	sdelay $0x1  }
0xa1: {  	s23 =	simm.s32 $0x1B8B  }
0xa2: {  	_ =	swait.ge [sflag:s23], $0x1  }
0xa3: {  	[sflag:s23] =	ssyncset.done $0x0  }
0xa4: {  	s25 =	simm.s32 $0x1B8E;
	s24 =	sld [smem:$0x3FFE];
	[sflag:s23] =	ssyncadd.s32 $0xFFFFFFFF  }
0xa5: {  	s26 =	simm.s32 $execute0_lowered;
	[smem:$0x3FD2] =	sst s25  }
0xa6: {  	s5 =	sshll.u32 s26, $0x1;
	_ =	strace $0x80000049;
	[dreg:$0x1] =	wrdreg $0xFFFFFFFF  }
0xa7: {  	s28 =	simm.s32 $_size_execute0_lowered;
	s3 =	sadd.s32 s3, s5;
	[dreg:$0x0] =	wrdreg $0x0  }
0xa8: {  	s5 =	sshll.u32 s28, $0x1;
	[dreg:$0x2] =	wrdreg s3  }
0xa9: {  	[dreg:$0x3] =	wrdreg s5  }
0xaa: {  	[dreg:$0x4] =	wrdreg $0xC0  }
0xab: {  	_ =	task [dreg:s7], $0x5FFFF  }
0xac: {  	[dreg:$0x1] =	wrdreg $0xFFFFFFFF  }
0xad: {  	[dreg:$0x0] =	wrdreg $0x60  }
0xae: {  	[dreg:$0x2] =	wrdreg s24  }
0xaf: {  	[dreg:$0x3] =	wrdreg s2  }
0xb0: {  	[dreg:$0x4] =	wrdreg $0x186800  }
0xb1: {  	[dreg:$0x5] =	wrdreg $0x110000  }
0xb2: {  	[dreg:$0x6] =	wrdreg $0x9  }
0xb3: {  	_ =	task.clear_ibuf [dreg:s7], $0x7FFFF;
	_ =	strace $0x90000049  }
0xb4: {  	s29 =	simm.s32 $0x9;
	_ =	strace $0x8000004B  }
0xb5: {  	_ =	swait.ge [sflag:s29], $0x1  }
0xb6: {  	[sflag:s29] =	ssyncadd.s32 $0xFFFFFFFF  }
0xb7: {  	_ =	strace $0x9000004B  }
0xb8: {  	_ =	sfence  }
0xb9: {  	s30 =	sld [smem:$0x0];
	_ =	sdelay $0x2  }
0xba: {  	s31 =	sshll.u32 s1, $0xD;
	s1 =	sshrl.u32 s1, $0x2  }
0xbb: {  	s3 =	sand.u32 $0x4000, s31;
	s1 =	sadd.s32 s1, s30  }
0xbc: {  	s0 =	sor.u32 s3, s0;
	s1 =	sshll.u32 s1, $0x11  }
0xbd: {  	s0 =	sor.u32 s1, s0  }
0xbe: {  	s0 =	sadd.s32 $0x8F2B, s0  }
0xbf: {  	[sflag:s0] =	ssyncadd.remote.s32 $0x1  }
0xc0: {  	_ =	sfence.sel $0xFFFF  }
0xc1: {  	[dreg:$0x0] =	wrdreg $0xFFFFFFFF;
	(pc) =	sbr.abs _section_cstart, $3  }
0xc2: {  	[dreg:$0x1] =	wrdreg $0xFFFFFFFF  }
0xc3: {  	_ =	task.clear_ibuf [dreg:s7], $0x2FFFF;
	_ =	strace $0x9FFFFFFF  }
0xc4: {  	(tm) =	ssettm $0x7FFFFFFF  }
0xc5: {  	_ =	shalt  }
tec
execute0_lowered:
.L_overlay_start_1:
0x0: {  	(tag) =	ssettag $0x1  }
0x1: {  	s0 =	rddreg [dreg:$0x0]  }
0x2: {  	s1 =	rddreg [dreg:$0x1];
	s12 =	stileid.u32  }
0x3: {  	s3 =	srdreg.scid;
	s2 =	rddreg [dreg:$0x2]  }
0x4: {  	s6 =	simm.s32 $0x0;
	s15 =	simm.s32 $0x80;
	s16 =	simm.s32 $0x5000  }
0x5: {  	s17 =	simm.s32 $0x6800;
	s25 =	simm.s32 $0xB000;
	s26 =	simm.s32 $0xE000  }
0x6: {  	s28 =	simm.s32 $0xF800;
	s29 =	simm.s32 $0x4;
	s30 =	simm.s32 $0x9  }
0x7: {  	s31 =	simm.s32 $0x6;
	s4 =	sand.u32 $0x1, s3;
	s3 =	rddreg [dreg:$0x3]  }
0x8: {  	s5 =	sshll.u32 s12, $0x1;
	s7 =	smul.u32 $0x7680, s12;
	[smem:$0x7FF] =	sst s6  }
0x9: {  	s20 =	sshll.u32 s12, $0x6;
	s5 =	sor.u32 s4, s5;
	s18 =	smul.u32 $0xED00, s4  }
0xa: {  	_ =	strace $0x8000004A;
	s4 =	ssub.s32 $0x2, s4;
	[dreg:$0x5] =	wrdreg s25  }
0xb: {  	s6 =	sor.u32 $0x1C11, s20;
	[dreg:$0x6] =	wrdreg s26;
	s25 =	simm.s32 $0x2  }
0xc: {  	s26 =	simm.s32 $0x3;
	s5 =	smul.u32 $0x500, s5;
	s8 =	sshrl.u32 s7, $0x3  }
0xd: {  	s19 =	sshrl.u32 s4, $0x1;
	s11 =	sadd.s32 s7, s2;
	s7 =	sadd.s32 s7, s3  }
0xe: {  	[dreg:$0x8] =	wrdreg s6;
	s9 =	sadd.s32 s8, s0;
	s4 =	ssub.s32 s4, s19  }
0xf: {  	s24 =	sshrl.u32 s7, $0x3;
	s19 =	simm.s32 $0x8000;
	s7 =	simm.s32 $0x0  }
0x10: {  	s10 =	sadd.s32 s5, s0;
	s21 =	sadd.s32 $0x19200, s9;
	[dreg:$0xe] =	wrdreg s24  }
0x11: {  	s0 =	sadd.s32 s18, s0;
	s9 =	sadd.s32 $0x400, s9;
	[dreg:$0x7] =	wrdreg s21  }
0x12: {  	s1 =	sadd.s32 s1, s5;
	s23 =	smax.u32 s4, $0x1;
	[dreg:$0x9] =	wrdreg s9  }
0x13: {  	s5 =	sshrl.u32 s11, $0x3;
	[dreg:$0xa] =	wrdreg s1;
	s22 =	sadd.s32 $0xF200, s10  }
0x14: {  	s0 =	sadd.s32 $0x28000, s0;
	[dreg:$0xc] =	wrdreg s23;
	s9 =	simm.s32 $0x11  }
0x15: {  	s21 =	simm.s32 $0x9800;
	s23 =	simm.s32 $0xC800;
	[dreg:$0xd] =	wrdreg s5  }
0x16: {  	s1 =	simm.s32 $0xB;
	[dreg:$0xb] =	wrdreg s22;
	s0 =	sadd.s32 s8, s0  }
0x17: {  	s22 =	simm.s32 $0x1;
	[dreg:$0xf] =	wrdreg s0;
	s0 =	simm.s32 $0x8  }
.LBB2_1:
0x18: {  	[dreg:$0x10] =	wrdreg s7  }
0x19: {  	s4 =	rddreg [dreg:$0x7]  }
0x1a: {  	[spmem:s5], [sflag:s6] =	dma.local [hbm:s4], $0xED0  }
0x1b: {  	_ =	swait.ge [sflag:s9], $0xED0  }
0x1c: {  	[sflag:s9] =	ssyncset.done $0x0;
	s12 =	rddreg [dreg:$0x9]  }
0x1d: {  	s13 =	rddreg [dreg:$0xe];
	[sflag:s9] =	ssyncadd.s32 $0xFFFFF130  }
0x1e: {  	[spmem:s13], [sflag:s6] =	dma.local [hbm:s12], $0xED0  }
0x1f: {  	_ =	swait.ge [sflag:s9], $0xED0  }
0x20: {  	[sflag:s9] =	ssyncset.done $0x0  }
0x21: {  	s14 =	simm.s32 $0x0;
	s18 =	rddreg [dreg:$0xa];
	[sflag:s9] =	ssyncadd.s32 $0xFFFFF130  }
0x22: {  	[tilespmem:s14], [sflag:$0x11] =	stream.linear.gather [hbm4b:s18+s14], $0x2800, $0x38;
	[tilespmem:$0x1FD00] =	vst v63  }
0x23: {  	_ =	swait.ge [sflag:s9], $0x2800  }
0x24: {  	[sflag:s9] =	ssyncset.done $0x0  }
0x25: {  	s24 =	simm.s32 $0x2800;
	s20 =	rddreg [dreg:$0xb];
	[sflag:s9] =	ssyncadd.s32 $0xFFFFD800  }
0x26: {  	[tilespmem:s24], [sflag:$0x11] =	stream.linear.gather [hbm4b:s20+s14], $0x2800, $0x38;
	[tilespmem:$0x1FD00] =	vst v63  }
0x27: {  	_ =	swait.ge [sflag:s9], $0x2800  }
0x28: {  	[sflag:s9] =	ssyncset.done $0x0  }
0x29: {  	[sflag:s9] =	ssyncadd.s32 $0xFFFFD800  }
0x2a: {  	[bflag:$0x0] =	sbarrier.arrive $0xFFFF  }
0x2b: {  	[tilespmem:s16], [sflag:$0x1] =	stream.indirect.gather [spmem:s3], $0x30, s14, s15, $0xb8;
	[tilespmem:$0x1FD00] =	vst v63  }
0x2c: {  	_ = 	snop  }
0x2d: {  	[tilespmem:s17], [sflag:$0x2] =	stream.indirect.gather [spmem:s3], $0x30, s15, s15, $0xb8;
	[tilespmem:$0x1FD00] =	vst v63  }
0x2e: {  	p0 =	por $0x1, $0x1;
	s5 =	simm.s32 $0x100  }
0x2f: {  	[tilespmem:s19], [sflag:$0x3] =	stream.indirect.gather [spmem:s3], $0x30, s5, s15, $0xb8;
	[tilespmem:$0x1FD00] =	vst v63  }
0x30: {  	s4 =	simm.s32 @!p0 $0xD;
	s6 =	simm.s32 $0x180  }
0x31: {  	[tilespmem:s21], [sflag:$0x4] =	stream.indirect.gather [spmem:s3], $0x30, s6, s15, $0xb8;
	[tilespmem:$0x1FD00] =	vst v63  }
0x32: {  	_ =	swait.ge @!p0 [sflag:s4], $0x1800  }
0x33: {  	[sflag:s4] =	ssyncset.done @!p0 $0x0  }
0x34: {  	s7 =	simm.s32 $0x200;
	s8 =	rddreg [dreg:$0x5];
	[sflag:s4] =	ssyncadd.s32 @!p0 $0xFFFFE800  }
0x35: {  	[tilespmem:s8], [sflag:$0x5] =	stream.indirect.gather [spmem:s3], $0x30, s7, s15, $0xb8;
	[tilespmem:$0x1FD00] =	vst v63  }
0x36: {  	_ =	swait.ge [sflag:s22], $0x1800  }
0x37: {  	[sflag:s22] =	ssyncset.done $0x0  }
0x38: {  	s9 =	simm.s32 $0x2800;
	s8 =	simm.s32 @!p0 $0xE;
	[sflag:s22] =	ssyncadd.s32 $0xFFFFE800  }
0x39: {  	[spmem:s2] =	stream.indirect.scatter.add.f32 [tilespmem:s16], [sflag:$0x9], $0x30, s9, s15, $0xb8;
	[tilespmem:$0x1FD00] =	vst v63  }
0x3a: {  	_ =	swait.ge @!p0 [sflag:s8], $0x1800  }
0x3b: {  	[sflag:s8] =	ssyncset.done @!p0 $0x0  }
0x3c: {  	s10 =	simm.s32 $0x280;
	[sflag:s8] =	ssyncadd.s32 @!p0 $0xFFFFE800  }
0x3d: {  	[tilespmem:s23], [sflag:$0x6] =	stream.indirect.gather [spmem:s3], $0x30, s10, s15, $0xb8;
	[tilespmem:$0x1FD00] =	vst v63  }
0x3e: {  	_ =	swait.ge [sflag:s25], $0x1800  }
0x3f: {  	[sflag:s25] =	ssyncset.done $0x0  }
0x40: {  	s11 =	simm.s32 $0x2880;
	s8 =	simm.s32 @!p0 $0xF;
	[sflag:s25] =	ssyncadd.s32 $0xFFFFE800  }
0x41: {  	[spmem:s2] =	stream.indirect.scatter.add.f32 [tilespmem:s17], [sflag:$0xA], $0x30, s11, s15, $0xb8;
	[tilespmem:$0x1FD00] =	vst v63  }
0x42: {  	_ =	swait.ge @!p0 [sflag:s8], $0x1800  }
0x43: {  	[sflag:s8] =	ssyncset.done @!p0 $0x0  }
0x44: {  	s13 =	simm.s32 $0x300;
	s12 =	rddreg [dreg:$0x6];
	[sflag:s8] =	ssyncadd.s32 @!p0 $0xFFFFE800  }
0x45: {  	[tilespmem:s12], [sflag:$0x7] =	stream.indirect.gather [spmem:s3], $0x30, s13, s15, $0xb8;
	[tilespmem:$0x1FD00] =	vst v63  }
0x46: {  	_ =	swait.ge [sflag:s26], $0x1800  }
0x47: {  	[sflag:s26] =	ssyncset.done $0x0  }
0x48: {  	s14 =	simm.s32 $0x2900;
	s8 =	simm.s32 @!p0 $0x10;
	[sflag:s26] =	ssyncadd.s32 $0xFFFFE800  }
0x49: {  	[spmem:s2] =	stream.indirect.scatter.add.f32 [tilespmem:s19], [sflag:$0xB], $0x30, s14, s15, $0xb8;
	[tilespmem:$0x1FD00] =	vst v63  }
0x4a: {  	_ =	swait.ge @!p0 [sflag:s8], $0x1800  }
0x4b: {  	[sflag:s8] =	ssyncset.done @!p0 $0x0  }
0x4c: {  	s18 =	simm.s32 $0x380;
	[sflag:s8] =	ssyncadd.s32 @!p0 $0xFFFFE800  }
0x4d: {  	[tilespmem:s28], [sflag:$0x8] =	stream.indirect.gather [spmem:s3], $0x30, s18, s15, $0xb8;
	[tilespmem:$0x1FD00] =	vst v63  }
0x4e: {  	_ =	swait.ge [sflag:s29], $0x1800  }
0x4f: {  	[sflag:s29] =	ssyncset.done $0x0  }
0x50: {  	s20 =	simm.s32 $0x2980;
	[sflag:s29] =	ssyncadd.s32 $0xFFFFE800  }
0x51: {  	[spmem:s2] =	stream.indirect.scatter.add.f32 [tilespmem:s21], [sflag:$0xC], $0x30, s20, s15, $0xb8;
	[tilespmem:$0x1FD00] =	vst v63  }
0x52: {  	_ =	swait.ge [sflag:s30], $0x1800  }
0x53: {  	p0 =	por $0x0, $0x0;
	[sflag:s30] =	ssyncset.done $0x0  }
0x54: {  	s4 =	simm.s32 @p0 $0x5;
	[sflag:s30] =	ssyncadd.s32 $0xFFFFE800  }
0x55: {  	_ =	swait.ge @p0 [sflag:s4], $0x1800  }
0x56: {  	s8 =	simm.s32 @p0 $0x2A00;
	s9 =	simm.s32 @p0 $0xA;
	[sflag:s4] =	ssyncset.done @p0 $0x0  }
0x57: {  	s10 =	simm.s32 @p0 $0xB000;
	[sflag:s4] =	ssyncadd.s32 @p0 $0xFFFFE800;
	s4 =	simm.s32 @p0 $0x80  }
0x58: {  	[spmem:s2] =	stream.indirect.scatter.add.f32 @p0 [tilespmem:s10], [sflag:$0xD], $0x30, s8, s4, $0xb8;
	[tilespmem:$0x1FD00] =	vst v63  }
0x59: {  	_ =	swait.ge @p0 [sflag:s9], $0x1800  }
0x5a: {  	s8 =	simm.s32 @!p0 $0x400;
	[sflag:s9] =	ssyncset.done @p0 $0x0  }
0x5b: {  	s10 =	simm.s32 @!p0 $0x5000;
	[sflag:s9] =	ssyncadd.s32 @p0 $0xFFFFE800;
	s9 =	simm.s32 @!p0 $0x80  }
0x5c: {  	[tilespmem:s10], [sflag:$0x1] =	stream.indirect.gather @!p0 [spmem:s3], $0x30, s8, s9, $0xb8;
	[tilespmem:$0x1FD00] =	vst v63  }
0x5d: {  	s8 =	simm.s32 @!p0 $0x5  }
0x5e: {  	_ =	swait.ge @!p0 [sflag:s8], $0x1800  }
0x5f: {  	[sflag:s8] =	ssyncset.done @!p0 $0x0  }
0x60: {  	s10 =	simm.s32 @!p0 $0x2A00;
	[sflag:s8] =	ssyncadd.s32 @!p0 $0xFFFFE800;
	s8 =	simm.s32 @!p0 $0xB000  }
0x61: {  	[spmem:s2] =	stream.indirect.scatter.add.f32 @!p0 [tilespmem:s8], [sflag:$0xD], $0x30, s10, s9, $0xb8;
	[tilespmem:$0x1FD00] =	vst v63  }
0x62: {  	s8 =	simm.s32 @!p0 $0xA  }
0x63: {  	_ =	swait.ge @!p0 [sflag:s8], $0x1800  }
0x64: {  	[sflag:s8] =	ssyncset.done @!p0 $0x0  }
0x65: {  	s10 =	simm.s32 @!p0 $0x480;
	[sflag:s8] =	ssyncadd.s32 @!p0 $0xFFFFE800;
	s8 =	simm.s32 @!p0 $0x6800  }
0x66: {  	[tilespmem:s8], [sflag:$0x2] =	stream.indirect.gather @!p0 [spmem:s3], $0x30, s10, s9, $0xb8;
	[tilespmem:$0x1FD00] =	vst v63  }
0x67: {  	_ =	swait.ge [sflag:s31], $0x1800  }
0x68: {  	[sflag:s31] =	ssyncset.done $0x0  }
0x69: {  	s24 =	simm.s32 $0x2A80;
	[sflag:s31] =	ssyncadd.s32 $0xFFFFE800  }
0x6a: {  	[spmem:s2] =	stream.indirect.scatter.add.f32 [tilespmem:s23], [sflag:$0xE], $0x30, s24, s15, $0xb8;
	[tilespmem:$0x1FD00] =	vst v63  }
0x6b: {  	_ =	swait.ge [sflag:s1], $0x1800  }
0x6c: {  	[sflag:s1] =	ssyncset.done $0x0  }
0x6d: {  	s8 =	simm.s32 @p0 $0x7;
	[sflag:s1] =	ssyncadd.s32 $0xFFFFE800  }
0x6e: {  	_ =	swait.ge @p0 [sflag:s8], $0x1800  }
0x6f: {  	[sflag:s8] =	ssyncset.done @p0 $0x0  }
0x70: {  	s10 =	simm.s32 @p0 $0x2B00;
	[sflag:s8] =	ssyncadd.s32 @p0 $0xFFFFE800;
	s8 =	simm.s32 @p0 $0xE000  }
0x71: {  	[spmem:s2] =	stream.indirect.scatter.add.f32 @p0 [tilespmem:s8], [sflag:$0xF], $0x30, s10, s4, $0xb8;
	[tilespmem:$0x1FD00] =	vst v63  }
0x72: {  	s4 =	simm.s32 @p0 $0xC  }
0x73: {  	_ =	swait.ge @p0 [sflag:s4], $0x1800  }
0x74: {  	[sflag:s4] =	ssyncset.done @p0 $0x0  }
0x75: {  	s8 =	simm.s32 @!p0 $0x500;
	[sflag:s4] =	ssyncadd.s32 @p0 $0xFFFFE800;
	s4 =	simm.s32 @!p0 $0x8000  }
0x76: {  	[tilespmem:s4], [sflag:$0x3] =	stream.indirect.gather @!p0 [spmem:s3], $0x30, s8, s9, $0xb8;
	[tilespmem:$0x1FD00] =	vst v63  }
0x77: {  	s4 =	simm.s32 @!p0 $0x7  }
0x78: {  	_ =	swait.ge @!p0 [sflag:s4], $0x1800  }
0x79: {  	[sflag:s4] =	ssyncset.done @!p0 $0x0  }
0x7a: {  	s8 =	simm.s32 @!p0 $0x2B00;
	[sflag:s4] =	ssyncadd.s32 @!p0 $0xFFFFE800;
	s4 =	simm.s32 @!p0 $0xE000  }
0x7b: {  	[spmem:s2] =	stream.indirect.scatter.add.f32 @!p0 [tilespmem:s4], [sflag:$0xF], $0x30, s8, s9, $0xb8;
	[tilespmem:$0x1FD00] =	vst v63  }
0x7c: {  	s4 =	simm.s32 @!p0 $0xC  }
0x7d: {  	_ =	swait.ge @!p0 [sflag:s4], $0x1800  }
0x7e: {  	[sflag:s4] =	ssyncset.done @!p0 $0x0  }
0x7f: {  	s8 =	simm.s32 @!p0 $0x580;
	[sflag:s4] =	ssyncadd.s32 @!p0 $0xFFFFE800;
	s4 =	simm.s32 @!p0 $0x9800  }
0x80: {  	[tilespmem:s4], [sflag:$0x4] =	stream.indirect.gather @!p0 [spmem:s3], $0x30, s8, s9, $0xb8;
	[tilespmem:$0x1FD00] =	vst v63  }
0x81: {  	p1 =	por $0x0, $0x0;
	s8 =	simm.s32 $0x1000;
	_ =	swait.ge [sflag:s0], $0x1800  }
0x82: {  	s9 =	simm.s32 $0x2000;
	s4 =	simm.s32 $0x2B80;
	[sflag:s0] =	ssyncset.done $0x0  }
.LBB2_2:
0x83: {  	s10 =	simm.s32 @!p1 $0xD;
	[sflag:s0] =	ssyncadd.s32 $0xFFFFE800  }
0x84: {  	[spmem:s2] =	stream.indirect.scatter.add.f32 [tilespmem:s28], [sflag:$0x10], $0x30, s4, s15, $0xb8;
	[tilespmem:$0x1FD00] =	vst v63  }
0x85: {  	_ =	swait.ge @!p1 [sflag:s10], $0x1800  }
0x86: {  	[sflag:s10] =	ssyncset.done @!p1 $0x0  }
0x87: {  	[sflag:s10] =	ssyncadd.s32 @!p1 $0xFFFFE800;
	s10 =	sshra.s32 s8, $0x2  }
0x88: {  	s20 =	rddreg [dreg:$0x5];
	s14 =	sadd.s32 $0x200, s10  }
0x89: {  	[tilespmem:s20], [sflag:$0x5] =	stream.indirect.gather [spmem:s3], $0x30, s14, s15, $0xb8;
	[tilespmem:$0x1FD00] =	vst v63  }
0x8a: {  	_ =	swait.ge [sflag:s22], $0x1800  }
0x8b: {  	[sflag:s22] =	ssyncset.done $0x0  }
0x8c: {  	s24 =	sadd.s32 $0x2800, s10;
	s14 =	simm.s32 @!p1 $0xE;
	[sflag:s22] =	ssyncadd.s32 $0xFFFFE800  }
0x8d: {  	[spmem:s2] =	stream.indirect.scatter.add.f32 [tilespmem:s16], [sflag:$0x9], $0x30, s24, s15, $0xb8;
	[tilespmem:$0x1FD00] =	vst v63  }
0x8e: {  	_ =	swait.ge @!p1 [sflag:s14], $0x1800  }
0x8f: {  	[sflag:s14] =	ssyncset.done @!p1 $0x0  }
0x90: {  	s5 =	sadd.s32 $0x280, s10;
	[sflag:s14] =	ssyncadd.s32 @!p1 $0xFFFFE800  }
0x91: {  	[tilespmem:s23], [sflag:$0x6] =	stream.indirect.gather [spmem:s3], $0x30, s5, s15, $0xb8;
	[tilespmem:$0x1FD00] =	vst v63  }
0x92: {  	_ =	swait.ge [sflag:s25], $0x1800  }
0x93: {  	[sflag:s25] =	ssyncset.done $0x0  }
0x94: {  	s6 =	sadd.s32 $0x2880, s10;
	s14 =	simm.s32 @!p1 $0xF;
	[sflag:s25] =	ssyncadd.s32 $0xFFFFE800  }
0x95: {  	[spmem:s2] =	stream.indirect.scatter.add.f32 [tilespmem:s17], [sflag:$0xA], $0x30, s6, s15, $0xb8;
	[tilespmem:$0x1FD00] =	vst v63  }
0x96: {  	_ =	swait.ge @!p1 [sflag:s14], $0x1800  }
0x97: {  	[sflag:s14] =	ssyncset.done @!p1 $0x0  }
0x98: {  	s11 =	sadd.s32 $0x300, s10;
	s7 =	rddreg [dreg:$0x6];
	[sflag:s14] =	ssyncadd.s32 @!p1 $0xFFFFE800  }
0x99: {  	[tilespmem:s7], [sflag:$0x7] =	stream.indirect.gather [spmem:s3], $0x30, s11, s15, $0xb8;
	[tilespmem:$0x1FD00] =	vst v63  }
0x9a: {  	_ =	swait.ge [sflag:s26], $0x1800  }
0x9b: {  	[sflag:s26] =	ssyncset.done $0x0  }
0x9c: {  	s12 =	sadd.s32 $0x2900, s10;
	s14 =	simm.s32 @!p1 $0x10;
	[sflag:s26] =	ssyncadd.s32 $0xFFFFE800  }
0x9d: {  	[spmem:s2] =	stream.indirect.scatter.add.f32 [tilespmem:s19], [sflag:$0xB], $0x30, s12, s15, $0xb8;
	[tilespmem:$0x1FD00] =	vst v63  }
0x9e: {  	_ =	swait.ge @!p1 [sflag:s14], $0x1800  }
0x9f: {  	[sflag:s14] =	ssyncset.done @!p1 $0x0  }
0xa0: {  	[sflag:s14] =	ssyncadd.s32 @!p1 $0xFFFFE800;
	s14 =	sadd.s32 $0x380, s10  }
0xa1: {  	[tilespmem:s28], [sflag:$0x8] =	stream.indirect.gather [spmem:s3], $0x30, s14, s15, $0xb8;
	[tilespmem:$0x1FD00] =	vst v63  }
0xa2: {  	_ =	swait.ge [sflag:s29], $0x1800  }
0xa3: {  	[sflag:s29] =	ssyncset.done $0x0  }
0xa4: {  	s18 =	sadd.s32 $0x2980, s10;
	[sflag:s29] =	ssyncadd.s32 $0xFFFFE800  }
0xa5: {  	[spmem:s2] =	stream.indirect.scatter.add.f32 [tilespmem:s21], [sflag:$0xC], $0x30, s18, s15, $0xb8;
	[tilespmem:$0x1FD00] =	vst v63  }
0xa6: {  	_ =	swait.ge [sflag:s30], $0x1800  }
0xa7: {  	s13 =	smov.u32 s9;
	p1 =	seq.s32 s8, $0x9000;
	[sflag:s30] =	ssyncset.done $0x0  }
0xa8: {  	s4 =	simm.s32 @p1 $0x5;
	s20 =	simm.s32 @p1 $0xA;
	[sflag:s30] =	ssyncadd.s32 $0xFFFFE800  }
0xa9: {  	s14 =	simm.s32 @p1 $0x80;
	s7 =	simm.s32 @!p1 $0x5;
	_ =	swait.ge @p1 [sflag:s4], $0x1800  }
0xaa: {  	s18 =	sshra.s32 @p1 s8, $0x2;
	s8 =	sshra.s32 @!p1 s8, $0x2;
	[sflag:s4] =	ssyncset.done @p1 $0x0  }
0xab: {  	s24 =	sadd.s32 @p1 $0x2A00, s18;
	[sflag:s4] =	ssyncadd.s32 @p1 $0xFFFFE800;
	s4 =	simm.s32 @p1 $0xB000  }
0xac: {  	[spmem:s2] =	stream.indirect.scatter.add.f32 @p1 [tilespmem:s4], [sflag:$0xD], $0x30, s24, s14, $0xb8;
	[tilespmem:$0x1FD00] =	vst v63  }
0xad: {  	s5 =	sadd.s32 @!p1 $0x400, s8;
	s11 =	sadd.s32 @!p1 $0x2A00, s8;
	_ =	swait.ge @p1 [sflag:s20], $0x1800  }
0xae: {  	s6 =	sadd.s32 @!p1 $0x480, s8;
	s12 =	sadd.s32 @p1 $0x2B00, s18;
	[sflag:s20] =	ssyncset.done @p1 $0x0  }
0xaf: {  	s24 =	simm.s32 @!p1 $0x80;
	s4 =	simm.s32 @!p1 $0x5000;
	[sflag:s20] =	ssyncadd.s32 @p1 $0xFFFFE800  }
0xb0: {  	[tilespmem:s4], [sflag:$0x1] =	stream.indirect.gather @!p1 [spmem:s3], $0x30, s5, s24, $0xb8;
	[tilespmem:$0x1FD00] =	vst v63  }
0xb1: {  	s18 =	sadd.s32 @!p1 $0x2B00, s8;
	s5 =	sadd.s32 @!p1 $0x500, s8;
	_ =	swait.ge @!p1 [sflag:s7], $0x1800  }
0xb2: {  	s4 =	sadd.s32 @!p1 $0x580, s8;
	s8 =	smov.u32 s13;
	[sflag:s7] =	ssyncset.done @!p1 $0x0  }
0xb3: {  	s13 =	simm.s32 @!p1 $0xA;
	[sflag:s7] =	ssyncadd.s32 @!p1 $0xFFFFE800;
	s7 =	simm.s32 @!p1 $0xB000  }
0xb4: {  	[spmem:s2] =	stream.indirect.scatter.add.f32 @!p1 [tilespmem:s7], [sflag:$0xD], $0x30, s11, s24, $0xb8;
	[tilespmem:$0x1FD00] =	vst v63  }
0xb5: {  	_ =	swait.ge @!p1 [sflag:s13], $0x1800  }
0xb6: {  	[sflag:s13] =	ssyncset.done @!p1 $0x0  }
0xb7: {  	s7 =	simm.s32 @!p1 $0x6800;
	[sflag:s13] =	ssyncadd.s32 @!p1 $0xFFFFE800  }
0xb8: {  	[tilespmem:s7], [sflag:$0x2] =	stream.indirect.gather @!p1 [spmem:s3], $0x30, s6, s24, $0xb8;
	[tilespmem:$0x1FD00] =	vst v63  }
0xb9: {  	_ =	swait.ge [sflag:s31], $0x1800  }
0xba: {  	[sflag:s31] =	ssyncset.done $0x0  }
0xbb: {  	s20 =	sadd.s32 $0x2A80, s10;
	[sflag:s31] =	ssyncadd.s32 $0xFFFFE800  }
0xbc: {  	[spmem:s2] =	stream.indirect.scatter.add.f32 [tilespmem:s23], [sflag:$0xE], $0x30, s20, s15, $0xb8;
	[tilespmem:$0x1FD00] =	vst v63  }
0xbd: {  	_ =	swait.ge [sflag:s1], $0x1800  }
0xbe: {  	[sflag:s1] =	ssyncset.done $0x0  }
0xbf: {  	s6 =	simm.s32 @p1 $0x7;
	[sflag:s1] =	ssyncadd.s32 $0xFFFFE800  }
0xc0: {  	_ =	swait.ge @p1 [sflag:s6], $0x1800  }
0xc1: {  	[sflag:s6] =	ssyncset.done @p1 $0x0  }
0xc2: {  	s7 =	simm.s32 @p1 $0xC;
	[sflag:s6] =	ssyncadd.s32 @p1 $0xFFFFE800;
	s6 =	simm.s32 @p1 $0xE000  }
0xc3: {  	[spmem:s2] =	stream.indirect.scatter.add.f32 @p1 [tilespmem:s6], [sflag:$0xF], $0x30, s12, s14, $0xb8;
	[tilespmem:$0x1FD00] =	vst v63  }
0xc4: {  	_ =	swait.ge @p1 [sflag:s7], $0x1800  }
0xc5: {  	[sflag:s7] =	ssyncset.done @p1 $0x0  }
0xc6: {  	s6 =	simm.s32 @!p1 $0x8000;
	[sflag:s7] =	ssyncadd.s32 @p1 $0xFFFFE800;
	s7 =	simm.s32 @!p1 $0x7  }
0xc7: {  	[tilespmem:s6], [sflag:$0x3] =	stream.indirect.gather @!p1 [spmem:s3], $0x30, s5, s24, $0xb8;
	[tilespmem:$0x1FD00] =	vst v63  }
0xc8: {  	_ =	swait.ge @!p1 [sflag:s7], $0x1800  }
0xc9: {  	s9 =	sadd.s32 $0x1000, s9;
	[sflag:s7] =	ssyncset.done @!p1 $0x0  }
0xca: {  	s5 =	simm.s32 @!p1 $0xE000;
	s6 =	simm.s32 @!p1 $0xC;
	[sflag:s7] =	ssyncadd.s32 @!p1 $0xFFFFE800  }
0xcb: {  	[spmem:s2] =	stream.indirect.scatter.add.f32 @!p1 [tilespmem:s5], [sflag:$0xF], $0x30, s18, s24, $0xb8;
	[tilespmem:$0x1FD00] =	vst v63  }
0xcc: {  	p0 =	sne.s32 s9, $0xA000;
	_ =	swait.ge @!p1 [sflag:s6], $0x1800  }
.Ltmp0:
0xcd: {  	[sflag:s6] =	ssyncset.done @!p1 $0x0;
	(pc) =	sbr.rel @p0 .LBB2_2-.Ltmp0, $4  }
0xce: {  	s5 =	simm.s32 @!p1 $0x9800;
	[sflag:s6] =	ssyncadd.s32 @!p1 $0xFFFFE800  }
0xcf: {  	[tilespmem:s5], [sflag:$0x4] =	stream.indirect.gather @!p1 [spmem:s3], $0x30, s4, s24, $0xb8;
	[tilespmem:$0x1FD00] =	vst v63  }
0xd0: {  	_ =	swait.ge [sflag:s0], $0x1800  }
0xd1: {  	p1 =	seq.s32 s8, $0x0;
	s4 =	sadd.s32 $0x2B80, s10;
	[sflag:s0] =	ssyncset.done $0x0  }
0xd2: {  	s5 =	simm.s32 @!p1 $0xD;
	[sflag:s0] =	ssyncadd.s32 $0xFFFFE800  }
0xd3: {  	[spmem:s2] =	stream.indirect.scatter.add.f32 [tilespmem:s28], [sflag:$0x10], $0x30, s4, s15, $0xb8;
	[tilespmem:$0x1FD00] =	vst v63  }
0xd4: {  	_ =	swait.ge @!p1 [sflag:s5], $0x1800  }
0xd5: {  	s9 =	sshra.s32 s8, $0x2;
	[sflag:s5] =	ssyncset.done @!p1 $0x0  }
0xd6: {  	s6 =	sadd.s32 $0x200, s9;
	s24 =	rddreg [dreg:$0x5];
	[sflag:s5] =	ssyncadd.s32 @!p1 $0xFFFFE800  }
0xd7: {  	[tilespmem:s24], [sflag:$0x5] =	stream.indirect.gather [spmem:s3], $0x30, s6, s15, $0xb8;
	[tilespmem:$0x1FD00] =	vst v63  }
0xd8: {  	_ =	swait.ge [sflag:s22], $0x1800  }
0xd9: {  	[sflag:s22] =	ssyncset.done $0x0  }
0xda: {  	s7 =	sadd.s32 $0x2800, s9;
	s5 =	simm.s32 @!p1 $0xE;
	[sflag:s22] =	ssyncadd.s32 $0xFFFFE800  }
0xdb: {  	[spmem:s2] =	stream.indirect.scatter.add.f32 [tilespmem:s16], [sflag:$0x9], $0x30, s7, s15, $0xb8;
	[tilespmem:$0x1FD00] =	vst v63  }
0xdc: {  	_ =	swait.ge @!p1 [sflag:s5], $0x1800  }
0xdd: {  	[sflag:s5] =	ssyncset.done @!p1 $0x0  }
0xde: {  	s10 =	sadd.s32 $0x280, s9;
	[sflag:s5] =	ssyncadd.s32 @!p1 $0xFFFFE800  }
0xdf: {  	[tilespmem:s23], [sflag:$0x6] =	stream.indirect.gather [spmem:s3], $0x30, s10, s15, $0xb8;
	[tilespmem:$0x1FD00] =	vst v63  }
0xe0: {  	_ =	swait.ge [sflag:s25], $0x1800  }
0xe1: {  	[sflag:s25] =	ssyncset.done $0x0  }
0xe2: {  	s11 =	sadd.s32 $0x2880, s9;
	s5 =	simm.s32 @!p1 $0xF;
	[sflag:s25] =	ssyncadd.s32 $0xFFFFE800  }
0xe3: {  	[spmem:s2] =	stream.indirect.scatter.add.f32 [tilespmem:s17], [sflag:$0xA], $0x30, s11, s15, $0xb8;
	[tilespmem:$0x1FD00] =	vst v63  }
0xe4: {  	_ =	swait.ge @!p1 [sflag:s5], $0x1800  }
0xe5: {  	[sflag:s5] =	ssyncset.done @!p1 $0x0  }
0xe6: {  	s13 =	sadd.s32 $0x300, s9;
	s12 =	rddreg [dreg:$0x6];
	[sflag:s5] =	ssyncadd.s32 @!p1 $0xFFFFE800  }
0xe7: {  	[tilespmem:s12], [sflag:$0x7] =	stream.indirect.gather [spmem:s3], $0x30, s13, s15, $0xb8;
	[tilespmem:$0x1FD00] =	vst v63  }
0xe8: {  	_ =	swait.ge [sflag:s26], $0x1800  }
0xe9: {  	[sflag:s26] =	ssyncset.done $0x0  }
0xea: {  	s14 =	sadd.s32 $0x2900, s9;
	s5 =	simm.s32 @!p1 $0x10;
	[sflag:s26] =	ssyncadd.s32 $0xFFFFE800  }
0xeb: {  	[spmem:s2] =	stream.indirect.scatter.add.f32 [tilespmem:s19], [sflag:$0xB], $0x30, s14, s15, $0xb8;
	[tilespmem:$0x1FD00] =	vst v63  }
0xec: {  	_ =	swait.ge @!p1 [sflag:s5], $0x1800  }
0xed: {  	[sflag:s5] =	ssyncset.done @!p1 $0x0  }
0xee: {  	s18 =	sadd.s32 $0x380, s9;
	[sflag:s5] =	ssyncadd.s32 @!p1 $0xFFFFE800  }
0xef: {  	[tilespmem:s28], [sflag:$0x8] =	stream.indirect.gather [spmem:s3], $0x30, s18, s15, $0xb8;
	[tilespmem:$0x1FD00] =	vst v63  }
0xf0: {  	_ =	swait.ge [sflag:s29], $0x1800  }
0xf1: {  	[sflag:s29] =	ssyncset.done $0x0  }
0xf2: {  	s20 =	sadd.s32 $0x2980, s9;
	[sflag:s29] =	ssyncadd.s32 $0xFFFFE800  }
0xf3: {  	[spmem:s2] =	stream.indirect.scatter.add.f32 [tilespmem:s21], [sflag:$0xC], $0x30, s20, s15, $0xb8;
	[tilespmem:$0x1FD00] =	vst v63  }
0xf4: {  	_ =	swait.ge [sflag:s30], $0x1800  }
0xf5: {  	p0 =	seq.s32 s8, $0x9000;
	[sflag:s30] =	ssyncset.done $0x0  }
0xf6: {  	s4 =	simm.s32 @p0 $0x5;
	[sflag:s30] =	ssyncadd.s32 $0xFFFFE800  }
0xf7: {  	s7 =	simm.s32 @p0 $0xA;
	_ =	swait.ge @p0 [sflag:s4], $0x1800  }
0xf8: {  	s10 =	simm.s32 @p0 $0xB000;
	s5 =	sshra.s32 @p0 s8, $0x2;
	[sflag:s4] =	ssyncset.done @p0 $0x0  }
0xf9: {  	s6 =	sadd.s32 @p0 $0x2A00, s5;
	[sflag:s4] =	ssyncadd.s32 @p0 $0xFFFFE800;
	s4 =	simm.s32 @p0 $0x80  }
0xfa: {  	[spmem:s2] =	stream.indirect.scatter.add.f32 @p0 [tilespmem:s10], [sflag:$0xD], $0x30, s6, s4, $0xb8;
	[tilespmem:$0x1FD00] =	vst v63  }
0xfb: {  	_ =	swait.ge @p0 [sflag:s7], $0x1800  }
0xfc: {  	s6 =	sshra.s32 @!p0 s8, $0x2;
	s10 =	simm.s32 @!p0 $0x5000;
	[sflag:s7] =	ssyncset.done @p0 $0x0  }
0xfd: {  	s8 =	sadd.s32 @!p0 $0x400, s6;
	[sflag:s7] =	ssyncadd.s32 @p0 $0xFFFFE800;
	s7 =	simm.s32 @!p0 $0x80  }
0xfe: {  	[tilespmem:s10], [sflag:$0x1] =	stream.indirect.gather @!p0 [spmem:s3], $0x30, s8, s7, $0xb8;
	[tilespmem:$0x1FD00] =	vst v63  }
0xff: {  	s8 =	simm.s32 @!p0 $0x5  }
0x100: {  	_ =	swait.ge @!p0 [sflag:s8], $0x1800  }
0x101: {  	[sflag:s8] =	ssyncset.done @!p0 $0x0  }
0x102: {  	s10 =	sadd.s32 @!p0 $0x2A00, s6;
	[sflag:s8] =	ssyncadd.s32 @!p0 $0xFFFFE800;
	s8 =	simm.s32 @!p0 $0xB000  }
0x103: {  	[spmem:s2] =	stream.indirect.scatter.add.f32 @!p0 [tilespmem:s8], [sflag:$0xD], $0x30, s10, s7, $0xb8;
	[tilespmem:$0x1FD00] =	vst v63  }
0x104: {  	s8 =	simm.s32 @!p0 $0xA  }
0x105: {  	_ =	swait.ge @!p0 [sflag:s8], $0x1800  }
0x106: {  	[sflag:s8] =	ssyncset.done @!p0 $0x0  }
0x107: {  	s10 =	sadd.s32 @!p0 $0x480, s6;
	[sflag:s8] =	ssyncadd.s32 @!p0 $0xFFFFE800;
	s8 =	simm.s32 @!p0 $0x6800  }
0x108: {  	[tilespmem:s8], [sflag:$0x2] =	stream.indirect.gather @!p0 [spmem:s3], $0x30, s10, s7, $0xb8;
	[tilespmem:$0x1FD00] =	vst v63  }
0x109: {  	_ =	swait.ge [sflag:s31], $0x1800  }
0x10a: {  	[sflag:s31] =	ssyncset.done $0x0  }
0x10b: {  	s24 =	sadd.s32 $0x2A80, s9;
	[sflag:s31] =	ssyncadd.s32 $0xFFFFE800  }
0x10c: {  	[spmem:s2] =	stream.indirect.scatter.add.f32 [tilespmem:s23], [sflag:$0xE], $0x30, s24, s15, $0xb8;
	[tilespmem:$0x1FD00] =	vst v63  }
0x10d: {  	_ =	swait.ge [sflag:s1], $0x1800  }
0x10e: {  	[sflag:s1] =	ssyncset.done $0x0  }
0x10f: {  	s8 =	simm.s32 @p0 $0x7;
	[sflag:s1] =	ssyncadd.s32 $0xFFFFE800  }
0x110: {  	_ =	swait.ge @p0 [sflag:s8], $0x1800  }
0x111: {  	[sflag:s8] =	ssyncset.done @p0 $0x0  }
0x112: {  	s5 =	sadd.s32 @p0 $0x2B00, s5;
	[sflag:s8] =	ssyncadd.s32 @p0 $0xFFFFE800;
	s8 =	simm.s32 @p0 $0xE000  }
0x113: {  	[spmem:s2] =	stream.indirect.scatter.add.f32 @p0 [tilespmem:s8], [sflag:$0xF], $0x30, s5, s4, $0xb8;
	[tilespmem:$0x1FD00] =	vst v63  }
0x114: {  	s4 =	simm.s32 @p0 $0xC  }
0x115: {  	_ =	swait.ge @p0 [sflag:s4], $0x1800  }
0x116: {  	[sflag:s4] =	ssyncset.done @p0 $0x0  }
0x117: {  	s5 =	sadd.s32 @!p0 $0x500, s6;
	[sflag:s4] =	ssyncadd.s32 @p0 $0xFFFFE800;
	s4 =	simm.s32 @!p0 $0x8000  }
0x118: {  	[tilespmem:s4], [sflag:$0x3] =	stream.indirect.gather @!p0 [spmem:s3], $0x30, s5, s7, $0xb8;
	[tilespmem:$0x1FD00] =	vst v63  }
0x119: {  	s4 =	simm.s32 @!p0 $0x7  }
0x11a: {  	_ =	swait.ge @!p0 [sflag:s4], $0x1800  }
0x11b: {  	[sflag:s4] =	ssyncset.done @!p0 $0x0  }
0x11c: {  	s5 =	sadd.s32 @!p0 $0x2B00, s6;
	[sflag:s4] =	ssyncadd.s32 @!p0 $0xFFFFE800;
	s4 =	simm.s32 @!p0 $0xE000  }
0x11d: {  	[spmem:s2] =	stream.indirect.scatter.add.f32 @!p0 [tilespmem:s4], [sflag:$0xF], $0x30, s5, s7, $0xb8;
	[tilespmem:$0x1FD00] =	vst v63  }
0x11e: {  	s4 =	simm.s32 @!p0 $0xC  }
0x11f: {  	_ =	swait.ge @!p0 [sflag:s4], $0x1800  }
0x120: {  	[sflag:s4] =	ssyncset.done @!p0 $0x0  }
0x121: {  	s5 =	sadd.s32 @!p0 $0x580, s6;
	[sflag:s4] =	ssyncadd.s32 @!p0 $0xFFFFE800;
	s4 =	simm.s32 @!p0 $0x9800  }
0x122: {  	[tilespmem:s4], [sflag:$0x4] =	stream.indirect.gather @!p0 [spmem:s3], $0x30, s5, s7, $0xb8;
	[tilespmem:$0x1FD00] =	vst v63  }
0x123: {  	_ =	swait.ge [sflag:s0], $0x1800  }
0x124: {  	[sflag:s0] =	ssyncset.done $0x0  }
0x125: {  	s11 =	simm.s32 $0xD;
	s10 =	sadd.s32 $0x2B80, s9;
	[sflag:s0] =	ssyncadd.s32 $0xFFFFE800  }
0x126: {  	[spmem:s2] =	stream.indirect.scatter.add.f32 [tilespmem:s28], [sflag:$0x10], $0x30, s10, s15, $0xb8;
	[tilespmem:$0x1FD00] =	vst v63  }
0x127: {  	_ =	swait.ge [sflag:s11], $0x1800  }
0x128: {  	[sflag:s11] =	ssyncset.done $0x0  }
0x129: {  	s12 =	simm.s32 $0xE;
	[sflag:s11] =	ssyncadd.s32 $0xFFFFE800  }
0x12a: {  	_ =	swait.ge [sflag:s12], $0x1800  }
0x12b: {  	[sflag:s12] =	ssyncset.done $0x0  }
0x12c: {  	s13 =	simm.s32 $0xF;
	[sflag:s12] =	ssyncadd.s32 $0xFFFFE800  }
0x12d: {  	_ =	swait.ge [sflag:s13], $0x1800  }
0x12e: {  	[sflag:s13] =	ssyncset.done $0x0  }
0x12f: {  	s14 =	simm.s32 $0x10;
	[sflag:s13] =	ssyncadd.s32 $0xFFFFE800  }
0x130: {  	_ =	swait.ge [sflag:s14], $0x1800  }
0x131: {  	[sflag:s14] =	ssyncset.done $0x0  }
0x132: {  	[sflag:s14] =	ssyncadd.s32 $0xFFFFE800  }
0x133: {  	[bflag:$0x0] =	sbarrier.arrive $0xFFFF  }
0x134: {  	s6 =	rddreg [dreg:$0x8]  }
0x135: {  	s5 =	rddreg [dreg:$0xd]  }
0x136: {  	s9 =	simm.s32 $0x11;
	s18 =	rddreg [dreg:$0xf]  }
0x137: {  	[hbm:s18], [sflag:s6] =	dma.local [spmem:s5], $0xED0  }
0x138: {  	_ =	swait.ge [sflag:s9], $0xED0  }
0x139: {  	s20 =	rddreg [dreg:$0x10]  }
0x13a: {  	s24 =	rddreg [dreg:$0xc];
	s7 =	sadd.s32 $0x1, s20  }
0x13b: {  	p0 =	sne.s32 s7, s24  }
.Ltmp1:
0x13c: {  	_ = 	snop;
	(pc) =	sbr.rel @p0 .LBB2_1-.Ltmp1, $3  }
0x13d: {  	_ =	sdelay $0x1  }
0x13e: {  	[sflag:s9] =	ssyncset.done $0x0  }
0x13f: {  	[sflag:s9] =	ssyncadd.s32 $0xFFFFF130  }
0x140: {  	_ =	sfence.sel $0x180000  }
0x141: {  	[bflag:$0x0] =	sbarrier.arrive $0xFFFF  }
0x142: {  	_ =	strace $0x9000004A  }
0x143: {  	s0 =	stileid.u32;
	[bflag:$0x2] =	sbarrier.arrive $0xFFFF  }
0x144: {  	p0 =	sne.s32 s0, $0x0;
	s0 =	rddreg [dreg:$0x4]  }
0x145: {  	s0 =	sadd.s32 @!p0 $0x100000, s0  }
0x146: {  	[sflag:s0] =	ssyncadd.tile.s32 @!p0 $0x1;
	_ =	shalt  }
.Lfunc_end2:
_tile_overlayer_lowered:
.L_overlay_start_2:
0x147: {  	(tag) =	ssettag $0x2  }
0x148: {  	s0 =	rddreg [dreg:$0x0];
	s2 =	stileid.u32  }
0x149: {  	s1 =	rddreg [dreg:$0x1];
	p0 =	sne.s32 s2, $0x0  }
0x14a: {  	s3 =	rddreg [dreg:$0x2];
	[bflag:$0x3] =	sbarrier.arrive $0xFFFF;
	s2 =	simm.s32 @!p0 $0x1C11  }
0x14b: {  	[timem:s3], [sflag:s2] =	dma.local @!p0 [hbm:s0], s1  }
0x14c: {  	s0 =	simm.s32 @!p0 $0x11  }
0x14d: {  	_ =	swait.ge @!p0 [sflag:s0], s1  }
0x14e: {  	s1 =	ssub.s32 @!p0 $0x0, s1;
	[sflag:s0] =	ssyncset.done @!p0 $0x0  }
0x14f: {  	[sflag:s0] =	ssyncadd.s32 @!p0 s1  }
0x150: {  	[bflag:$0x3] =	sbarrier.arrive $0xFFFF  }
0x151: {  	_ =	shalt  }

// kernel: kernel.7.cloned.1.call-start
scs
__scs_entry_jumppad:
0x0: {  	(pc) =	sbr.rel $0x88, $3  }
0x1: {  	(tag) =	ssettag $0x0;
	lr =	simm.s32 $0x1  }
0x2: {  	[smem:$0x3F9D] =	sst lr;
	_ =	strace $0xD0000000  }
0x3: {  	_ = 	snop  }
0x4: {  	_ = 	snop  }
0x5: {  	_ = 	snop  }
0x6: {  	_ = 	snop  }
0x7: {  	_ = 	snop  }
__scs_overlays_trampoline_lowered:
0x8: {  	[smem:$0x3FAC] =	sst s0  }
0x9: {  	[smem:$0x3FAD] =	sst s1  }
0xa: {  	[smem:$0x3FAE] =	sst s2  }
0xb: {  	[smem:$0x3FAF] =	sst s3  }
0xc: {  	[smem:$0x3FB0] =	sst s4  }
0xd: {  	[smem:$0x3FB1] =	sst s5  }
0xe: {  	[smem:$0x3FB2] =	sst s6  }
0xf: {  	[smem:$0x3FB3] =	sst s7  }
0x10: {  	[smem:$0x3FB4] =	sst s8  }
0x11: {  	[smem:$0x3FB5] =	sst s9;
	s0 =	simm.s32 @!p0 $0x0  }
0x12: {  	s1 =	sld [smem:$0x3F9B];
	s0 =	simm.s32 @p0 $0x1  }
0x13: {  	[smem:$0x3FB6] =	sst s0;
	s0 =	simm.s32 @!p1 $0x0  }
0x14: {  	s2 =	sld [smem:$0x3F9A];
	s0 =	simm.s32 @p1 $0x1  }
0x15: {  	[smem:$0x3FB7] =	sst s0;
	s0 =	simm.s32 @!p2 $0x0  }
0x16: {  	s3 =	sld [smem:$0x3FDB];
	s0 =	simm.s32 @p2 $0x1  }
0x17: {  	s4 =	simm.s32 $0x1BF5;
	[smem:$0x3FB9] =	sst s0  }
0x18: {  	s0 =	sld [smem:$0x3F9C];
	_ =	swait.ge [sflag:s4], $0x0  }
0x19: {  	s7 =	sld [smem:$0x3F9D]  }
0x1a: {  	s8 =	sadd.s32 $0xFFFFE003, lr  }
0x1b: {  	s9 =	sadd.s32 $0xFFFFFEF7, lr;
	s5 =	simm.s32 $0xFFFFFFFF;
	p2 =	slt.u32 s8, $0xFFFFF086  }
0x1c: {  	p1 =	slt.u32 s9, $0xF7A;
	s5 =	simm.s32 @!p2 $0x0  }
0x1d: {  	s5 =	simm.s32 @p1 $0x1;
	p0 =	seq.s32 s7, s2  }
0x1e: {  	s7 =	smul.u32 @!p0 $0xF7A, s2;
	p2 =	seq.s32 @!p0 s5, $0x0  }
0x1f: {  	s9 =	smul.u32 $0xF7A, s1;
	s8 =	simm.s32 @!p0 $0x1BF5;
	p2 =	por !p2, p0  }
0x20: {  	[sflag:s8] =	ssyncset.s32 @!p0 $0xFFFFF086;
	s6 =	sadd.s32 @!p0 s3, s7;
	s7 =	simm.s32 @!p0 $0x108  }
0x21: {  	s3 =	sadd.s32 s3, s9;
	s6 =	sadd.s32 @!p0 $0x88, s6;
	s7 =	simm.s32 @p2 $0x1082  }
0x22: {  	[simem:s7], [sflag:s8] =	dma.local @!p0 [hbm:s6], $0xF7A  }
0x23: {  	s9 =	sor.u32 $0xD0000000, s2;
	s6 =	simm.s32 $0x108;
	_ =	swait.ge @!p0 [sflag:s8], $0x0  }
0x24: {  	s3 =	sadd.s32 $0x88, s3;
	s6 =	simm.s32 @!p1 $0x1082;
	[sflag:s4] =	ssyncset.s32 $0xFFFFF086  }
0x25: {  	[simem:s6], [sflag:s4] =	dma.local [hbm:s3], $0xF7A  }
0x26: {  	[smem:$0x3F9D] =	sst s1;
	(tag) =	ssettag s2;
	_ =	strace s9  }
0x27: {  	s1 =	sld [smem:$0x3FAD]  }
0x28: {  	s2 =	sld [smem:$0x3FAE]  }
0x29: {  	s4 =	sld [smem:$0x3FB0]  }
0x2a: {  	p0 =	seq.s32 s5, $0x0;
	s5 =	sld [smem:$0x3FB1]  }
0x2b: {  	s6 =	sld [smem:$0x3FB2]  }
0x2c: {  	s7 =	sld [smem:$0x3FB3]  }
0x2d: {  	s3 =	simm.s32 $0x108;
	s8 =	sld [smem:$0x3FB4]  }
0x2e: {  	s3 =	simm.s32 @!p0 $0x1082;
	s9 =	sld [smem:$0x3FB5]  }
0x2f: {  	lr =	sadd.s32 s0, s3;
	s0 =	sld [smem:$0x3FAC]  }
0x30: {  	s3 =	sld [smem:$0x3FAF]  }
0x31: {  	[smem:$0x3FB8] =	sst s10  }
0x32: {  	s10 =	sld [smem:$0x3FB6];
	_ =	sdelay $0x3  }
0x33: {  	p0 =	seq.s32 s10, $0x1;
	s10 =	sld [smem:$0x3FB8];
	_ =	sdelay $0x3  }
0x34: {  	[smem:$0x3FB8] =	sst s10  }
0x35: {  	s10 =	sld [smem:$0x3FB7];
	_ =	sdelay $0x3  }
0x36: {  	p1 =	seq.s32 s10, $0x1;
	s10 =	sld [smem:$0x3FB8];
	_ =	sdelay $0x3  }
0x37: {  	[smem:$0x3FB8] =	sst s10  }
0x38: {  	s10 =	sld [smem:$0x3FB9]  }
0x39: {  	_ = 	snop;
	(pc) =	sbr.ind lr, $3  }
0x3a: {  	_ = 	snop  }
0x3b: {  	_ = 	snop  }
0x3c: {  	p2 =	seq.s32 s10, $0x1;
	s10 =	sld [smem:$0x3FB8]  }
0x3d: {  	_ =	shalt  }
0x3e: {  	_ =	shalt  }
0x3f: {  	_ =	shalt  }
0x40: {  	_ =	shalt  }
0x41: {  	_ =	shalt  }
0x42: {  	_ =	shalt  }
0x43: {  	_ =	shalt  }
0x44: {  	_ =	shalt  }
0x45: {  	_ =	shalt  }
0x46: {  	_ =	shalt  }
0x47: {  	_ =	shalt  }
0x48: {  	_ =	shalt  }
0x49: {  	_ =	shalt  }
0x4a: {  	_ =	shalt  }
0x4b: {  	_ =	shalt  }
0x4c: {  	_ =	shalt  }
0x4d: {  	_ =	shalt  }
0x4e: {  	_ =	shalt  }
0x4f: {  	_ =	shalt  }
0x50: {  	_ =	shalt  }
0x51: {  	_ =	shalt  }
0x52: {  	_ =	shalt  }
0x53: {  	_ =	shalt  }
0x54: {  	_ =	shalt  }
0x55: {  	_ =	shalt  }
0x56: {  	_ =	shalt  }
0x57: {  	_ =	shalt  }
0x58: {  	_ =	shalt  }
0x59: {  	_ =	shalt  }
0x5a: {  	_ =	shalt  }
0x5b: {  	_ =	shalt  }
0x5c: {  	_ =	shalt  }
0x5d: {  	_ =	shalt  }
0x5e: {  	_ =	shalt  }
0x5f: {  	_ =	shalt  }
0x60: {  	_ =	shalt  }
0x61: {  	_ =	shalt  }
0x62: {  	_ =	shalt  }
0x63: {  	_ =	shalt  }
0x64: {  	_ =	shalt  }
0x65: {  	_ =	shalt  }
0x66: {  	_ =	shalt  }
0x67: {  	_ =	shalt  }
0x68: {  	_ =	shalt  }
0x69: {  	_ =	shalt  }
0x6a: {  	_ =	shalt  }
0x6b: {  	_ =	shalt  }
0x6c: {  	_ =	shalt  }
0x6d: {  	_ =	shalt  }
0x6e: {  	_ =	shalt  }
0x6f: {  	_ =	shalt  }
0x70: {  	_ =	shalt  }
0x71: {  	_ =	shalt  }
0x72: {  	_ =	shalt  }
0x73: {  	_ =	shalt  }
0x74: {  	_ =	shalt  }
0x75: {  	_ =	shalt  }
0x76: {  	_ =	shalt  }
0x77: {  	_ =	shalt  }
0x78: {  	_ =	shalt  }
0x79: {  	_ =	shalt  }
0x7a: {  	_ =	shalt  }
0x7b: {  	_ =	shalt  }
0x7c: {  	_ =	shalt  }
0x7d: {  	_ =	shalt  }
0x7e: {  	_ =	shalt  }
0x7f: {  	_ =	shalt  }
0x80: {  	_ =	shalt  }
0x81: {  	_ =	shalt  }
0x82: {  	_ =	shalt  }
0x83: {  	_ =	shalt  }
0x84: {  	_ =	shalt  }
0x85: {  	_ =	shalt  }
0x86: {  	_ =	shalt  }
0x87: {  	_ =	shalt  }
.Lfunc_end0:
.L_simem_size_0:
called_computation_lowered:
.L_overlay_start_0:
0x88: {  	s2 =	sld [smem:$0x3FD9]  }
0x89: {  	s3 =	sld [smem:$0x3FFE];
	_ =	sdelay $0x1  }
0x8a: {  	s1 =	srdreg.scid  }
0x8b: {  	s0 =	sand.u32 $0x1, s1  }
0x8c: {  	s17 =	sshll.u32 s0, $0xA;
	s2 =	sadd.s32 s3, s2  }
0x8d: {  	s2 =	sadd.s32 s2, s17  }
0x8e: {  	[smem:$0x3FC4] =	sst s2  }
0x8f: {  	_ = 	snop  }
0x90: {  	s2 =	sld [smem:$0x3FD0];
	(tm) =	ssettm $0x1  }
0x91: {  	s18 =	sld [smem:$0x3FFB];
	_ =	sdelay $0x3  }
0x92: {  	_ =	strace s18  }
0x93: {  	s3 =	sld [smem:$0x3FFC];
	_ =	sdelay $0x3  }
0x94: {  	_ =	strace s3  }
0x95: {  	s3 =	sld [smem:$0x3FFD];
	_ =	sdelay $0x3  }
0x96: {  	_ =	strace s3  }
0x97: {  	_ =	strace $0x8FFFFFFF  }
0x98: {  	s19 =	sld [smem:$0x3FDB];
	_ =	sdelay $0x1  }
0x99: {  	s4 =	simm.s32 $_scs_section_size  }
0x9a: {  	s5 =	simm.s32 $_size__tile_overlayer_lowered;
	s6 =	simm.s32 $_tile_overlayer_lowered  }
0x9b: {  	s22 =	simm.s32 $0x1BFF;
	s21 =	sshll.u32 s6, $0x1;
	s3 =	sadd.s32 s4, s19  }
0x9c: {  	s7 =	simm.s32 $0x0;
	s20 =	sshll.u32 s5, $0x1;
	s5 =	sadd.s32 s21, s3  }
0x9d: {  	[timem:s7], [sflag:s22] =	dma.local [hbm:s5], s20  }
0x9e: {  	_ =	swait.ge [sflag:s22], s20  }
0x9f: {  	s4 =	ssub.s32 $0x0, s20;
	[sflag:s22] =	ssyncset.done $0x0  }
0xa0: {  	[sflag:s22] =	ssyncadd.s32 s4;
	_ =	sdelay $0x1  }
0xa1: {  	s23 =	simm.s32 $0x1B8B  }
0xa2: {  	_ =	swait.ge [sflag:s23], $0x1  }
0xa3: {  	[sflag:s23] =	ssyncset.done $0x0  }
0xa4: {  	s25 =	simm.s32 $0x1B8E;
	s24 =	sld [smem:$0x3FFE];
	[sflag:s23] =	ssyncadd.s32 $0xFFFFFFFF  }
0xa5: {  	s26 =	simm.s32 $execute0_lowered;
	[smem:$0x3FD2] =	sst s25  }
0xa6: {  	s5 =	sshll.u32 s26, $0x1;
	_ =	strace $0x80000046;
	[dreg:$0x1] =	wrdreg $0xFFFFFFFF  }
0xa7: {  	s28 =	simm.s32 $_size_execute0_lowered;
	s3 =	sadd.s32 s3, s5;
	[dreg:$0x0] =	wrdreg $0x0  }
0xa8: {  	s5 =	sshll.u32 s28, $0x1;
	[dreg:$0x2] =	wrdreg s3  }
0xa9: {  	[dreg:$0x3] =	wrdreg s5  }
0xaa: {  	[dreg:$0x4] =	wrdreg $0xC0  }
0xab: {  	_ =	task [dreg:s7], $0x5FFFF  }
0xac: {  	[dreg:$0x1] =	wrdreg $0xFFFFFFFF  }
0xad: {  	[dreg:$0x0] =	wrdreg $0x60  }
0xae: {  	[dreg:$0x2] =	wrdreg s24  }
0xaf: {  	[dreg:$0x3] =	wrdreg s2  }
0xb0: {  	[dreg:$0x4] =	wrdreg $0x186800  }
0xb1: {  	[dreg:$0x5] =	wrdreg $0x110000  }
0xb2: {  	[dreg:$0x6] =	wrdreg $0x9  }
0xb3: {  	_ =	task.clear_ibuf [dreg:s7], $0x7FFFF;
	_ =	strace $0x90000046  }
0xb4: {  	s29 =	simm.s32 $0x9;
	_ =	strace $0x80000048  }
0xb5: {  	_ =	swait.ge [sflag:s29], $0x1  }
0xb6: {  	[sflag:s29] =	ssyncadd.s32 $0xFFFFFFFF  }
0xb7: {  	_ =	strace $0x90000048  }
0xb8: {  	_ =	sfence  }
0xb9: {  	s30 =	sld [smem:$0x0];
	_ =	sdelay $0x2  }
0xba: {  	s31 =	sshll.u32 s1, $0xD;
	s1 =	sshrl.u32 s1, $0x2  }
0xbb: {  	s3 =	sand.u32 $0x4000, s31;
	s1 =	sadd.s32 s1, s30  }
0xbc: {  	s0 =	sor.u32 s3, s0;
	s1 =	sshll.u32 s1, $0x11  }
0xbd: {  	s0 =	sor.u32 s1, s0  }
0xbe: {  	s0 =	sadd.s32 $0x8F2B, s0  }
0xbf: {  	[sflag:s0] =	ssyncadd.remote.s32 $0x1  }
0xc0: {  	_ =	sfence.sel $0xFFFF  }
0xc1: {  	[dreg:$0x0] =	wrdreg $0xFFFFFFFF;
	(pc) =	sbr.abs _section_cstart, $3  }
0xc2: {  	[dreg:$0x1] =	wrdreg $0xFFFFFFFF  }
0xc3: {  	_ =	task.clear_ibuf [dreg:s7], $0x2FFFF;
	_ =	strace $0x9FFFFFFF  }
0xc4: {  	(tm) =	ssettm $0x7FFFFFFF  }
0xc5: {  	_ =	shalt  }
tec
execute0_lowered:
.L_overlay_start_1:
0x0: {  	(tag) =	ssettag $0x1  }
0x1: {  	s0 =	rddreg [dreg:$0x0]  }
0x2: {  	s1 =	rddreg [dreg:$0x1];
	s12 =	stileid.u32  }
0x3: {  	s3 =	srdreg.scid;
	s2 =	rddreg [dreg:$0x2]  }
0x4: {  	s6 =	simm.s32 $0x0;
	s15 =	simm.s32 $0x80;
	s16 =	simm.s32 $0x5000  }
0x5: {  	s17 =	simm.s32 $0x6800;
	s25 =	simm.s32 $0xB000;
	s26 =	simm.s32 $0xE000  }
0x6: {  	s28 =	simm.s32 $0xF800;
	s29 =	simm.s32 $0x4;
	s30 =	simm.s32 $0x9  }
0x7: {  	s31 =	simm.s32 $0x6;
	s4 =	sand.u32 $0x1, s3;
	s3 =	rddreg [dreg:$0x3]  }
0x8: {  	s5 =	sshll.u32 s12, $0x1;
	s7 =	smul.u32 $0x7680, s12;
	[smem:$0x7FF] =	sst s6  }
0x9: {  	s20 =	sshll.u32 s12, $0x6;
	s5 =	sor.u32 s4, s5;
	s18 =	smul.u32 $0xED00, s4  }
0xa: {  	_ =	strace $0x80000047;
	s4 =	ssub.s32 $0x2, s4;
	[dreg:$0x5] =	wrdreg s25  }
0xb: {  	s6 =	sor.u32 $0x1C11, s20;
	[dreg:$0x6] =	wrdreg s26;
	s25 =	simm.s32 $0x2  }
0xc: {  	s26 =	simm.s32 $0x3;
	s5 =	smul.u32 $0x500, s5;
	s8 =	sshrl.u32 s7, $0x3  }
0xd: {  	s19 =	sshrl.u32 s4, $0x1;
	s11 =	sadd.s32 s7, s2;
	s7 =	sadd.s32 s7, s3  }
0xe: {  	[dreg:$0x8] =	wrdreg s6;
	s9 =	sadd.s32 s8, s0;
	s4 =	ssub.s32 s4, s19  }
0xf: {  	s24 =	sshrl.u32 s7, $0x3;
	s19 =	simm.s32 $0x8000;
	s7 =	simm.s32 $0x0  }
0x10: {  	s10 =	sadd.s32 s5, s0;
	s21 =	sadd.s32 $0x19200, s9;
	[dreg:$0xe] =	wrdreg s24  }
0x11: {  	s0 =	sadd.s32 s18, s0;
	s9 =	sadd.s32 $0x400, s9;
	[dreg:$0x7] =	wrdreg s21  }
0x12: {  	s1 =	sadd.s32 s1, s5;
	s23 =	smax.u32 s4, $0x1;
	[dreg:$0x9] =	wrdreg s9  }
0x13: {  	s5 =	sshrl.u32 s11, $0x3;
	[dreg:$0xa] =	wrdreg s1;
	s22 =	sadd.s32 $0xF200, s10  }
0x14: {  	s0 =	sadd.s32 $0x28000, s0;
	[dreg:$0xc] =	wrdreg s23;
	s9 =	simm.s32 $0x11  }
0x15: {  	s21 =	simm.s32 $0x9800;
	s23 =	simm.s32 $0xC800;
	[dreg:$0xd] =	wrdreg s5  }
0x16: {  	s1 =	simm.s32 $0xB;
	[dreg:$0xb] =	wrdreg s22;
	s0 =	sadd.s32 s8, s0  }
0x17: {  	s22 =	simm.s32 $0x1;
	[dreg:$0xf] =	wrdreg s0;
	s0 =	simm.s32 $0x8  }
.LBB2_1:
0x18: {  	[dreg:$0x10] =	wrdreg s7  }
0x19: {  	s4 =	rddreg [dreg:$0x7]  }
0x1a: {  	[spmem:s5], [sflag:s6] =	dma.local [hbm:s4], $0xED0  }
0x1b: {  	_ =	swait.ge [sflag:s9], $0xED0  }
0x1c: {  	[sflag:s9] =	ssyncset.done $0x0;
	s12 =	rddreg [dreg:$0x9]  }
0x1d: {  	s13 =	rddreg [dreg:$0xe];
	[sflag:s9] =	ssyncadd.s32 $0xFFFFF130  }
0x1e: {  	[spmem:s13], [sflag:s6] =	dma.local [hbm:s12], $0xED0  }
0x1f: {  	_ =	swait.ge [sflag:s9], $0xED0  }
0x20: {  	[sflag:s9] =	ssyncset.done $0x0  }
0x21: {  	s14 =	simm.s32 $0x0;
	s18 =	rddreg [dreg:$0xa];
	[sflag:s9] =	ssyncadd.s32 $0xFFFFF130  }
0x22: {  	[tilespmem:s14], [sflag:$0x11] =	stream.linear.gather [hbm4b:s18+s14], $0x2800, $0x38;
	[tilespmem:$0x1FD00] =	vst v63  }
0x23: {  	_ =	swait.ge [sflag:s9], $0x2800  }
0x24: {  	[sflag:s9] =	ssyncset.done $0x0  }
0x25: {  	s24 =	simm.s32 $0x2800;
	s20 =	rddreg [dreg:$0xb];
	[sflag:s9] =	ssyncadd.s32 $0xFFFFD800  }
0x26: {  	[tilespmem:s24], [sflag:$0x11] =	stream.linear.gather [hbm4b:s20+s14], $0x2800, $0x38;
	[tilespmem:$0x1FD00] =	vst v63  }
0x27: {  	_ =	swait.ge [sflag:s9], $0x2800  }
0x28: {  	[sflag:s9] =	ssyncset.done $0x0  }
0x29: {  	[sflag:s9] =	ssyncadd.s32 $0xFFFFD800  }
0x2a: {  	[bflag:$0x0] =	sbarrier.arrive $0xFFFF  }
0x2b: {  	[tilespmem:s16], [sflag:$0x1] =	stream.indirect.gather [spmem:s3], $0x30, s14, s15, $0xb8;
	[tilespmem:$0x1FD00] =	vst v63  }
0x2c: {  	_ = 	snop  }
0x2d: {  	[tilespmem:s17], [sflag:$0x2] =	stream.indirect.gather [spmem:s3], $0x30, s15, s15, $0xb8;
	[tilespmem:$0x1FD00] =	vst v63  }
0x2e: {  	p0 =	por $0x1, $0x1;
	s5 =	simm.s32 $0x100  }
0x2f: {  	[tilespmem:s19], [sflag:$0x3] =	stream.indirect.gather [spmem:s3], $0x30, s5, s15, $0xb8;
	[tilespmem:$0x1FD00] =	vst v63  }
0x30: {  	s4 =	simm.s32 @!p0 $0xD;
	s6 =	simm.s32 $0x180  }
0x31: {  	[tilespmem:s21], [sflag:$0x4] =	stream.indirect.gather [spmem:s3], $0x30, s6, s15, $0xb8;
	[tilespmem:$0x1FD00] =	vst v63  }
0x32: {  	_ =	swait.ge @!p0 [sflag:s4], $0x1800  }
0x33: {  	[sflag:s4] =	ssyncset.done @!p0 $0x0  }
0x34: {  	s7 =	simm.s32 $0x200;
	s8 =	rddreg [dreg:$0x5];
	[sflag:s4] =	ssyncadd.s32 @!p0 $0xFFFFE800  }
0x35: {  	[tilespmem:s8], [sflag:$0x5] =	stream.indirect.gather [spmem:s3], $0x30, s7, s15, $0xb8;
	[tilespmem:$0x1FD00] =	vst v63  }
0x36: {  	_ =	swait.ge [sflag:s22], $0x1800  }
0x37: {  	[sflag:s22] =	ssyncset.done $0x0  }
0x38: {  	s9 =	simm.s32 $0x2800;
	s8 =	simm.s32 @!p0 $0xE;
	[sflag:s22] =	ssyncadd.s32 $0xFFFFE800  }
0x39: {  	[spmem:s2] =	stream.indirect.scatter.add.f32 [tilespmem:s16], [sflag:$0x9], $0x30, s9, s15, $0xb8;
	[tilespmem:$0x1FD00] =	vst v63  }
0x3a: {  	_ =	swait.ge @!p0 [sflag:s8], $0x1800  }
0x3b: {  	[sflag:s8] =	ssyncset.done @!p0 $0x0  }
0x3c: {  	s10 =	simm.s32 $0x280;
	[sflag:s8] =	ssyncadd.s32 @!p0 $0xFFFFE800  }
0x3d: {  	[tilespmem:s23], [sflag:$0x6] =	stream.indirect.gather [spmem:s3], $0x30, s10, s15, $0xb8;
	[tilespmem:$0x1FD00] =	vst v63  }
0x3e: {  	_ =	swait.ge [sflag:s25], $0x1800  }
0x3f: {  	[sflag:s25] =	ssyncset.done $0x0  }
0x40: {  	s11 =	simm.s32 $0x2880;
	s8 =	simm.s32 @!p0 $0xF;
	[sflag:s25] =	ssyncadd.s32 $0xFFFFE800  }
0x41: {  	[spmem:s2] =	stream.indirect.scatter.add.f32 [tilespmem:s17], [sflag:$0xA], $0x30, s11, s15, $0xb8;
	[tilespmem:$0x1FD00] =	vst v63  }
0x42: {  	_ =	swait.ge @!p0 [sflag:s8], $0x1800  }
0x43: {  	[sflag:s8] =	ssyncset.done @!p0 $0x0  }
0x44: {  	s13 =	simm.s32 $0x300;
	s12 =	rddreg [dreg:$0x6];
	[sflag:s8] =	ssyncadd.s32 @!p0 $0xFFFFE800  }
0x45: {  	[tilespmem:s12], [sflag:$0x7] =	stream.indirect.gather [spmem:s3], $0x30, s13, s15, $0xb8;
	[tilespmem:$0x1FD00] =	vst v63  }
0x46: {  	_ =	swait.ge [sflag:s26], $0x1800  }
0x47: {  	[sflag:s26] =	ssyncset.done $0x0  }
0x48: {  	s14 =	simm.s32 $0x2900;
	s8 =	simm.s32 @!p0 $0x10;
	[sflag:s26] =	ssyncadd.s32 $0xFFFFE800  }
0x49: {  	[spmem:s2] =	stream.indirect.scatter.add.f32 [tilespmem:s19], [sflag:$0xB], $0x30, s14, s15, $0xb8;
	[tilespmem:$0x1FD00] =	vst v63  }
0x4a: {  	_ =	swait.ge @!p0 [sflag:s8], $0x1800  }
0x4b: {  	[sflag:s8] =	ssyncset.done @!p0 $0x0  }
0x4c: {  	s18 =	simm.s32 $0x380;
	[sflag:s8] =	ssyncadd.s32 @!p0 $0xFFFFE800  }
0x4d: {  	[tilespmem:s28], [sflag:$0x8] =	stream.indirect.gather [spmem:s3], $0x30, s18, s15, $0xb8;
	[tilespmem:$0x1FD00] =	vst v63  }
0x4e: {  	_ =	swait.ge [sflag:s29], $0x1800  }
0x4f: {  	[sflag:s29] =	ssyncset.done $0x0  }
0x50: {  	s20 =	simm.s32 $0x2980;
	[sflag:s29] =	ssyncadd.s32 $0xFFFFE800  }
0x51: {  	[spmem:s2] =	stream.indirect.scatter.add.f32 [tilespmem:s21], [sflag:$0xC], $0x30, s20, s15, $0xb8;
	[tilespmem:$0x1FD00] =	vst v63  }
0x52: {  	_ =	swait.ge [sflag:s30], $0x1800  }
0x53: {  	p0 =	por $0x0, $0x0;
	[sflag:s30] =	ssyncset.done $0x0  }
0x54: {  	s4 =	simm.s32 @p0 $0x5;
	[sflag:s30] =	ssyncadd.s32 $0xFFFFE800  }
0x55: {  	_ =	swait.ge @p0 [sflag:s4], $0x1800  }
0x56: {  	s8 =	simm.s32 @p0 $0x2A00;
	s9 =	simm.s32 @p0 $0xA;
	[sflag:s4] =	ssyncset.done @p0 $0x0  }
0x57: {  	s10 =	simm.s32 @p0 $0xB000;
	[sflag:s4] =	ssyncadd.s32 @p0 $0xFFFFE800;
	s4 =	simm.s32 @p0 $0x80  }
0x58: {  	[spmem:s2] =	stream.indirect.scatter.add.f32 @p0 [tilespmem:s10], [sflag:$0xD], $0x30, s8, s4, $0xb8;
	[tilespmem:$0x1FD00] =	vst v63  }
0x59: {  	_ =	swait.ge @p0 [sflag:s9], $0x1800  }
0x5a: {  	s8 =	simm.s32 @!p0 $0x400;
	[sflag:s9] =	ssyncset.done @p0 $0x0  }
0x5b: {  	s10 =	simm.s32 @!p0 $0x5000;
	[sflag:s9] =	ssyncadd.s32 @p0 $0xFFFFE800;
	s9 =	simm.s32 @!p0 $0x80  }
0x5c: {  	[tilespmem:s10], [sflag:$0x1] =	stream.indirect.gather @!p0 [spmem:s3], $0x30, s8, s9, $0xb8;
	[tilespmem:$0x1FD00] =	vst v63  }
0x5d: {  	s8 =	simm.s32 @!p0 $0x5  }
0x5e: {  	_ =	swait.ge @!p0 [sflag:s8], $0x1800  }
0x5f: {  	[sflag:s8] =	ssyncset.done @!p0 $0x0  }
0x60: {  	s10 =	simm.s32 @!p0 $0x2A00;
	[sflag:s8] =	ssyncadd.s32 @!p0 $0xFFFFE800;
	s8 =	simm.s32 @!p0 $0xB000  }
0x61: {  	[spmem:s2] =	stream.indirect.scatter.add.f32 @!p0 [tilespmem:s8], [sflag:$0xD], $0x30, s10, s9, $0xb8;
	[tilespmem:$0x1FD00] =	vst v63  }
0x62: {  	s8 =	simm.s32 @!p0 $0xA  }
0x63: {  	_ =	swait.ge @!p0 [sflag:s8], $0x1800  }
0x64: {  	[sflag:s8] =	ssyncset.done @!p0 $0x0  }
0x65: {  	s10 =	simm.s32 @!p0 $0x480;
	[sflag:s8] =	ssyncadd.s32 @!p0 $0xFFFFE800;
	s8 =	simm.s32 @!p0 $0x6800  }
0x66: {  	[tilespmem:s8], [sflag:$0x2] =	stream.indirect.gather @!p0 [spmem:s3], $0x30, s10, s9, $0xb8;
	[tilespmem:$0x1FD00] =	vst v63  }
0x67: {  	_ =	swait.ge [sflag:s31], $0x1800  }
0x68: {  	[sflag:s31] =	ssyncset.done $0x0  }
0x69: {  	s24 =	simm.s32 $0x2A80;
	[sflag:s31] =	ssyncadd.s32 $0xFFFFE800  }
0x6a: {  	[spmem:s2] =	stream.indirect.scatter.add.f32 [tilespmem:s23], [sflag:$0xE], $0x30, s24, s15, $0xb8;
	[tilespmem:$0x1FD00] =	vst v63  }
0x6b: {  	_ =	swait.ge [sflag:s1], $0x1800  }
0x6c: {  	[sflag:s1] =	ssyncset.done $0x0  }
0x6d: {  	s8 =	simm.s32 @p0 $0x7;
	[sflag:s1] =	ssyncadd.s32 $0xFFFFE800  }
0x6e: {  	_ =	swait.ge @p0 [sflag:s8], $0x1800  }
0x6f: {  	[sflag:s8] =	ssyncset.done @p0 $0x0  }
0x70: {  	s10 =	simm.s32 @p0 $0x2B00;
	[sflag:s8] =	ssyncadd.s32 @p0 $0xFFFFE800;
	s8 =	simm.s32 @p0 $0xE000  }
0x71: {  	[spmem:s2] =	stream.indirect.scatter.add.f32 @p0 [tilespmem:s8], [sflag:$0xF], $0x30, s10, s4, $0xb8;
	[tilespmem:$0x1FD00] =	vst v63  }
0x72: {  	s4 =	simm.s32 @p0 $0xC  }
0x73: {  	_ =	swait.ge @p0 [sflag:s4], $0x1800  }
0x74: {  	[sflag:s4] =	ssyncset.done @p0 $0x0  }
0x75: {  	s8 =	simm.s32 @!p0 $0x500;
	[sflag:s4] =	ssyncadd.s32 @p0 $0xFFFFE800;
	s4 =	simm.s32 @!p0 $0x8000  }
0x76: {  	[tilespmem:s4], [sflag:$0x3] =	stream.indirect.gather @!p0 [spmem:s3], $0x30, s8, s9, $0xb8;
	[tilespmem:$0x1FD00] =	vst v63  }
0x77: {  	s4 =	simm.s32 @!p0 $0x7  }
0x78: {  	_ =	swait.ge @!p0 [sflag:s4], $0x1800  }
0x79: {  	[sflag:s4] =	ssyncset.done @!p0 $0x0  }
0x7a: {  	s8 =	simm.s32 @!p0 $0x2B00;
	[sflag:s4] =	ssyncadd.s32 @!p0 $0xFFFFE800;
	s4 =	simm.s32 @!p0 $0xE000  }
0x7b: {  	[spmem:s2] =	stream.indirect.scatter.add.f32 @!p0 [tilespmem:s4], [sflag:$0xF], $0x30, s8, s9, $0xb8;
	[tilespmem:$0x1FD00] =	vst v63  }
0x7c: {  	s4 =	simm.s32 @!p0 $0xC  }
0x7d: {  	_ =	swait.ge @!p0 [sflag:s4], $0x1800  }
0x7e: {  	[sflag:s4] =	ssyncset.done @!p0 $0x0  }
0x7f: {  	s8 =	simm.s32 @!p0 $0x580;
	[sflag:s4] =	ssyncadd.s32 @!p0 $0xFFFFE800;
	s4 =	simm.s32 @!p0 $0x9800  }
0x80: {  	[tilespmem:s4], [sflag:$0x4] =	stream.indirect.gather @!p0 [spmem:s3], $0x30, s8, s9, $0xb8;
	[tilespmem:$0x1FD00] =	vst v63  }
0x81: {  	p1 =	por $0x0, $0x0;
	s8 =	simm.s32 $0x1000;
	_ =	swait.ge [sflag:s0], $0x1800  }
0x82: {  	s9 =	simm.s32 $0x2000;
	s4 =	simm.s32 $0x2B80;
	[sflag:s0] =	ssyncset.done $0x0  }
.LBB2_2:
0x83: {  	s10 =	simm.s32 @!p1 $0xD;
	[sflag:s0] =	ssyncadd.s32 $0xFFFFE800  }
0x84: {  	[spmem:s2] =	stream.indirect.scatter.add.f32 [tilespmem:s28], [sflag:$0x10], $0x30, s4, s15, $0xb8;
	[tilespmem:$0x1FD00] =	vst v63  }
0x85: {  	_ =	swait.ge @!p1 [sflag:s10], $0x1800  }
0x86: {  	[sflag:s10] =	ssyncset.done @!p1 $0x0  }
0x87: {  	[sflag:s10] =	ssyncadd.s32 @!p1 $0xFFFFE800;
	s10 =	sshra.s32 s8, $0x2  }
0x88: {  	s20 =	rddreg [dreg:$0x5];
	s14 =	sadd.s32 $0x200, s10  }
0x89: {  	[tilespmem:s20], [sflag:$0x5] =	stream.indirect.gather [spmem:s3], $0x30, s14, s15, $0xb8;
	[tilespmem:$0x1FD00] =	vst v63  }
0x8a: {  	_ =	swait.ge [sflag:s22], $0x1800  }
0x8b: {  	[sflag:s22] =	ssyncset.done $0x0  }
0x8c: {  	s24 =	sadd.s32 $0x2800, s10;
	s14 =	simm.s32 @!p1 $0xE;
	[sflag:s22] =	ssyncadd.s32 $0xFFFFE800  }
0x8d: {  	[spmem:s2] =	stream.indirect.scatter.add.f32 [tilespmem:s16], [sflag:$0x9], $0x30, s24, s15, $0xb8;
	[tilespmem:$0x1FD00] =	vst v63  }
0x8e: {  	_ =	swait.ge @!p1 [sflag:s14], $0x1800  }
0x8f: {  	[sflag:s14] =	ssyncset.done @!p1 $0x0  }
0x90: {  	s5 =	sadd.s32 $0x280, s10;
	[sflag:s14] =	ssyncadd.s32 @!p1 $0xFFFFE800  }
0x91: {  	[tilespmem:s23], [sflag:$0x6] =	stream.indirect.gather [spmem:s3], $0x30, s5, s15, $0xb8;
	[tilespmem:$0x1FD00] =	vst v63  }
0x92: {  	_ =	swait.ge [sflag:s25], $0x1800  }
0x93: {  	[sflag:s25] =	ssyncset.done $0x0  }
0x94: {  	s6 =	sadd.s32 $0x2880, s10;
	s14 =	simm.s32 @!p1 $0xF;
	[sflag:s25] =	ssyncadd.s32 $0xFFFFE800  }
0x95: {  	[spmem:s2] =	stream.indirect.scatter.add.f32 [tilespmem:s17], [sflag:$0xA], $0x30, s6, s15, $0xb8;
	[tilespmem:$0x1FD00] =	vst v63  }
0x96: {  	_ =	swait.ge @!p1 [sflag:s14], $0x1800  }
0x97: {  	[sflag:s14] =	ssyncset.done @!p1 $0x0  }
0x98: {  	s11 =	sadd.s32 $0x300, s10;
	s7 =	rddreg [dreg:$0x6];
	[sflag:s14] =	ssyncadd.s32 @!p1 $0xFFFFE800  }
0x99: {  	[tilespmem:s7], [sflag:$0x7] =	stream.indirect.gather [spmem:s3], $0x30, s11, s15, $0xb8;
	[tilespmem:$0x1FD00] =	vst v63  }
0x9a: {  	_ =	swait.ge [sflag:s26], $0x1800  }
0x9b: {  	[sflag:s26] =	ssyncset.done $0x0  }
0x9c: {  	s12 =	sadd.s32 $0x2900, s10;
	s14 =	simm.s32 @!p1 $0x10;
	[sflag:s26] =	ssyncadd.s32 $0xFFFFE800  }
0x9d: {  	[spmem:s2] =	stream.indirect.scatter.add.f32 [tilespmem:s19], [sflag:$0xB], $0x30, s12, s15, $0xb8;
	[tilespmem:$0x1FD00] =	vst v63  }
0x9e: {  	_ =	swait.ge @!p1 [sflag:s14], $0x1800  }
0x9f: {  	[sflag:s14] =	ssyncset.done @!p1 $0x0  }
0xa0: {  	[sflag:s14] =	ssyncadd.s32 @!p1 $0xFFFFE800;
	s14 =	sadd.s32 $0x380, s10  }
0xa1: {  	[tilespmem:s28], [sflag:$0x8] =	stream.indirect.gather [spmem:s3], $0x30, s14, s15, $0xb8;
	[tilespmem:$0x1FD00] =	vst v63  }
0xa2: {  	_ =	swait.ge [sflag:s29], $0x1800  }
0xa3: {  	[sflag:s29] =	ssyncset.done $0x0  }
0xa4: {  	s18 =	sadd.s32 $0x2980, s10;
	[sflag:s29] =	ssyncadd.s32 $0xFFFFE800  }
0xa5: {  	[spmem:s2] =	stream.indirect.scatter.add.f32 [tilespmem:s21], [sflag:$0xC], $0x30, s18, s15, $0xb8;
	[tilespmem:$0x1FD00] =	vst v63  }
0xa6: {  	_ =	swait.ge [sflag:s30], $0x1800  }
0xa7: {  	s13 =	smov.u32 s9;
	p1 =	seq.s32 s8, $0x9000;
	[sflag:s30] =	ssyncset.done $0x0  }
0xa8: {  	s4 =	simm.s32 @p1 $0x5;
	s20 =	simm.s32 @p1 $0xA;
	[sflag:s30] =	ssyncadd.s32 $0xFFFFE800  }
0xa9: {  	s14 =	simm.s32 @p1 $0x80;
	s7 =	simm.s32 @!p1 $0x5;
	_ =	swait.ge @p1 [sflag:s4], $0x1800  }
0xaa: {  	s18 =	sshra.s32 @p1 s8, $0x2;
	s8 =	sshra.s32 @!p1 s8, $0x2;
	[sflag:s4] =	ssyncset.done @p1 $0x0  }
0xab: {  	s24 =	sadd.s32 @p1 $0x2A00, s18;
	[sflag:s4] =	ssyncadd.s32 @p1 $0xFFFFE800;
	s4 =	simm.s32 @p1 $0xB000  }
0xac: {  	[spmem:s2] =	stream.indirect.scatter.add.f32 @p1 [tilespmem:s4], [sflag:$0xD], $0x30, s24, s14, $0xb8;
	[tilespmem:$0x1FD00] =	vst v63  }
0xad: {  	s5 =	sadd.s32 @!p1 $0x400, s8;
	s11 =	sadd.s32 @!p1 $0x2A00, s8;
	_ =	swait.ge @p1 [sflag:s20], $0x1800  }
0xae: {  	s6 =	sadd.s32 @!p1 $0x480, s8;
	s12 =	sadd.s32 @p1 $0x2B00, s18;
	[sflag:s20] =	ssyncset.done @p1 $0x0  }
0xaf: {  	s24 =	simm.s32 @!p1 $0x80;
	s4 =	simm.s32 @!p1 $0x5000;
	[sflag:s20] =	ssyncadd.s32 @p1 $0xFFFFE800  }
0xb0: {  	[tilespmem:s4], [sflag:$0x1] =	stream.indirect.gather @!p1 [spmem:s3], $0x30, s5, s24, $0xb8;
	[tilespmem:$0x1FD00] =	vst v63  }
0xb1: {  	s18 =	sadd.s32 @!p1 $0x2B00, s8;
	s5 =	sadd.s32 @!p1 $0x500, s8;
	_ =	swait.ge @!p1 [sflag:s7], $0x1800  }
0xb2: {  	s4 =	sadd.s32 @!p1 $0x580, s8;
	s8 =	smov.u32 s13;
	[sflag:s7] =	ssyncset.done @!p1 $0x0  }
0xb3: {  	s13 =	simm.s32 @!p1 $0xA;
	[sflag:s7] =	ssyncadd.s32 @!p1 $0xFFFFE800;
	s7 =	simm.s32 @!p1 $0xB000  }
0xb4: {  	[spmem:s2] =	stream.indirect.scatter.add.f32 @!p1 [tilespmem:s7], [sflag:$0xD], $0x30, s11, s24, $0xb8;
	[tilespmem:$0x1FD00] =	vst v63  }
0xb5: {  	_ =	swait.ge @!p1 [sflag:s13], $0x1800  }
0xb6: {  	[sflag:s13] =	ssyncset.done @!p1 $0x0  }
0xb7: {  	s7 =	simm.s32 @!p1 $0x6800;
	[sflag:s13] =	ssyncadd.s32 @!p1 $0xFFFFE800  }
0xb8: {  	[tilespmem:s7], [sflag:$0x2] =	stream.indirect.gather @!p1 [spmem:s3], $0x30, s6, s24, $0xb8;
	[tilespmem:$0x1FD00] =	vst v63  }
0xb9: {  	_ =	swait.ge [sflag:s31], $0x1800  }
0xba: {  	[sflag:s31] =	ssyncset.done $0x0  }
0xbb: {  	s20 =	sadd.s32 $0x2A80, s10;
	[sflag:s31] =	ssyncadd.s32 $0xFFFFE800  }
0xbc: {  	[spmem:s2] =	stream.indirect.scatter.add.f32 [tilespmem:s23], [sflag:$0xE], $0x30, s20, s15, $0xb8;
	[tilespmem:$0x1FD00] =	vst v63  }
0xbd: {  	_ =	swait.ge [sflag:s1], $0x1800  }
0xbe: {  	[sflag:s1] =	ssyncset.done $0x0  }
0xbf: {  	s6 =	simm.s32 @p1 $0x7;
	[sflag:s1] =	ssyncadd.s32 $0xFFFFE800  }
0xc0: {  	_ =	swait.ge @p1 [sflag:s6], $0x1800  }
0xc1: {  	[sflag:s6] =	ssyncset.done @p1 $0x0  }
0xc2: {  	s7 =	simm.s32 @p1 $0xC;
	[sflag:s6] =	ssyncadd.s32 @p1 $0xFFFFE800;
	s6 =	simm.s32 @p1 $0xE000  }
0xc3: {  	[spmem:s2] =	stream.indirect.scatter.add.f32 @p1 [tilespmem:s6], [sflag:$0xF], $0x30, s12, s14, $0xb8;
	[tilespmem:$0x1FD00] =	vst v63  }
0xc4: {  	_ =	swait.ge @p1 [sflag:s7], $0x1800  }
0xc5: {  	[sflag:s7] =	ssyncset.done @p1 $0x0  }
0xc6: {  	s6 =	simm.s32 @!p1 $0x8000;
	[sflag:s7] =	ssyncadd.s32 @p1 $0xFFFFE800;
	s7 =	simm.s32 @!p1 $0x7  }
0xc7: {  	[tilespmem:s6], [sflag:$0x3] =	stream.indirect.gather @!p1 [spmem:s3], $0x30, s5, s24, $0xb8;
	[tilespmem:$0x1FD00] =	vst v63  }
0xc8: {  	_ =	swait.ge @!p1 [sflag:s7], $0x1800  }
0xc9: {  	s9 =	sadd.s32 $0x1000, s9;
	[sflag:s7] =	ssyncset.done @!p1 $0x0  }
0xca: {  	s5 =	simm.s32 @!p1 $0xE000;
	s6 =	simm.s32 @!p1 $0xC;
	[sflag:s7] =	ssyncadd.s32 @!p1 $0xFFFFE800  }
0xcb: {  	[spmem:s2] =	stream.indirect.scatter.add.f32 @!p1 [tilespmem:s5], [sflag:$0xF], $0x30, s18, s24, $0xb8;
	[tilespmem:$0x1FD00] =	vst v63  }
0xcc: {  	p0 =	sne.s32 s9, $0xA000;
	_ =	swait.ge @!p1 [sflag:s6], $0x1800  }
.Ltmp0:
0xcd: {  	[sflag:s6] =	ssyncset.done @!p1 $0x0;
	(pc) =	sbr.rel @p0 .LBB2_2-.Ltmp0, $4  }
0xce: {  	s5 =	simm.s32 @!p1 $0x9800;
	[sflag:s6] =	ssyncadd.s32 @!p1 $0xFFFFE800  }
0xcf: {  	[tilespmem:s5], [sflag:$0x4] =	stream.indirect.gather @!p1 [spmem:s3], $0x30, s4, s24, $0xb8;
	[tilespmem:$0x1FD00] =	vst v63  }
0xd0: {  	_ =	swait.ge [sflag:s0], $0x1800  }
0xd1: {  	p1 =	seq.s32 s8, $0x0;
	s4 =	sadd.s32 $0x2B80, s10;
	[sflag:s0] =	ssyncset.done $0x0  }
0xd2: {  	s5 =	simm.s32 @!p1 $0xD;
	[sflag:s0] =	ssyncadd.s32 $0xFFFFE800  }
0xd3: {  	[spmem:s2] =	stream.indirect.scatter.add.f32 [tilespmem:s28], [sflag:$0x10], $0x30, s4, s15, $0xb8;
	[tilespmem:$0x1FD00] =	vst v63  }
0xd4: {  	_ =	swait.ge @!p1 [sflag:s5], $0x1800  }
0xd5: {  	s9 =	sshra.s32 s8, $0x2;
	[sflag:s5] =	ssyncset.done @!p1 $0x0  }
0xd6: {  	s6 =	sadd.s32 $0x200, s9;
	s24 =	rddreg [dreg:$0x5];
	[sflag:s5] =	ssyncadd.s32 @!p1 $0xFFFFE800  }
0xd7: {  	[tilespmem:s24], [sflag:$0x5] =	stream.indirect.gather [spmem:s3], $0x30, s6, s15, $0xb8;
	[tilespmem:$0x1FD00] =	vst v63  }
0xd8: {  	_ =	swait.ge [sflag:s22], $0x1800  }
0xd9: {  	[sflag:s22] =	ssyncset.done $0x0  }
0xda: {  	s7 =	sadd.s32 $0x2800, s9;
	s5 =	simm.s32 @!p1 $0xE;
	[sflag:s22] =	ssyncadd.s32 $0xFFFFE800  }
0xdb: {  	[spmem:s2] =	stream.indirect.scatter.add.f32 [tilespmem:s16], [sflag:$0x9], $0x30, s7, s15, $0xb8;
	[tilespmem:$0x1FD00] =	vst v63  }
0xdc: {  	_ =	swait.ge @!p1 [sflag:s5], $0x1800  }
0xdd: {  	[sflag:s5] =	ssyncset.done @!p1 $0x0  }
0xde: {  	s10 =	sadd.s32 $0x280, s9;
	[sflag:s5] =	ssyncadd.s32 @!p1 $0xFFFFE800  }
0xdf: {  	[tilespmem:s23], [sflag:$0x6] =	stream.indirect.gather [spmem:s3], $0x30, s10, s15, $0xb8;
	[tilespmem:$0x1FD00] =	vst v63  }
0xe0: {  	_ =	swait.ge [sflag:s25], $0x1800  }
0xe1: {  	[sflag:s25] =	ssyncset.done $0x0  }
0xe2: {  	s11 =	sadd.s32 $0x2880, s9;
	s5 =	simm.s32 @!p1 $0xF;
	[sflag:s25] =	ssyncadd.s32 $0xFFFFE800  }
0xe3: {  	[spmem:s2] =	stream.indirect.scatter.add.f32 [tilespmem:s17], [sflag:$0xA], $0x30, s11, s15, $0xb8;
	[tilespmem:$0x1FD00] =	vst v63  }
0xe4: {  	_ =	swait.ge @!p1 [sflag:s5], $0x1800  }
0xe5: {  	[sflag:s5] =	ssyncset.done @!p1 $0x0  }
0xe6: {  	s13 =	sadd.s32 $0x300, s9;
	s12 =	rddreg [dreg:$0x6];
	[sflag:s5] =	ssyncadd.s32 @!p1 $0xFFFFE800  }
0xe7: {  	[tilespmem:s12], [sflag:$0x7] =	stream.indirect.gather [spmem:s3], $0x30, s13, s15, $0xb8;
	[tilespmem:$0x1FD00] =	vst v63  }
0xe8: {  	_ =	swait.ge [sflag:s26], $0x1800  }
0xe9: {  	[sflag:s26] =	ssyncset.done $0x0  }
0xea: {  	s14 =	sadd.s32 $0x2900, s9;
	s5 =	simm.s32 @!p1 $0x10;
	[sflag:s26] =	ssyncadd.s32 $0xFFFFE800  }
0xeb: {  	[spmem:s2] =	stream.indirect.scatter.add.f32 [tilespmem:s19], [sflag:$0xB], $0x30, s14, s15, $0xb8;
	[tilespmem:$0x1FD00] =	vst v63  }
0xec: {  	_ =	swait.ge @!p1 [sflag:s5], $0x1800  }
0xed: {  	[sflag:s5] =	ssyncset.done @!p1 $0x0  }
0xee: {  	s18 =	sadd.s32 $0x380, s9;
	[sflag:s5] =	ssyncadd.s32 @!p1 $0xFFFFE800  }
0xef: {  	[tilespmem:s28], [sflag:$0x8] =	stream.indirect.gather [spmem:s3], $0x30, s18, s15, $0xb8;
	[tilespmem:$0x1FD00] =	vst v63  }
0xf0: {  	_ =	swait.ge [sflag:s29], $0x1800  }
0xf1: {  	[sflag:s29] =	ssyncset.done $0x0  }
0xf2: {  	s20 =	sadd.s32 $0x2980, s9;
	[sflag:s29] =	ssyncadd.s32 $0xFFFFE800  }
0xf3: {  	[spmem:s2] =	stream.indirect.scatter.add.f32 [tilespmem:s21], [sflag:$0xC], $0x30, s20, s15, $0xb8;
	[tilespmem:$0x1FD00] =	vst v63  }
0xf4: {  	_ =	swait.ge [sflag:s30], $0x1800  }
0xf5: {  	p0 =	seq.s32 s8, $0x9000;
	[sflag:s30] =	ssyncset.done $0x0  }
0xf6: {  	s4 =	simm.s32 @p0 $0x5;
	[sflag:s30] =	ssyncadd.s32 $0xFFFFE800  }
0xf7: {  	s7 =	simm.s32 @p0 $0xA;
	_ =	swait.ge @p0 [sflag:s4], $0x1800  }
0xf8: {  	s10 =	simm.s32 @p0 $0xB000;
	s5 =	sshra.s32 @p0 s8, $0x2;
	[sflag:s4] =	ssyncset.done @p0 $0x0  }
0xf9: {  	s6 =	sadd.s32 @p0 $0x2A00, s5;
	[sflag:s4] =	ssyncadd.s32 @p0 $0xFFFFE800;
	s4 =	simm.s32 @p0 $0x80  }
0xfa: {  	[spmem:s2] =	stream.indirect.scatter.add.f32 @p0 [tilespmem:s10], [sflag:$0xD], $0x30, s6, s4, $0xb8;
	[tilespmem:$0x1FD00] =	vst v63  }
0xfb: {  	_ =	swait.ge @p0 [sflag:s7], $0x1800  }
0xfc: {  	s6 =	sshra.s32 @!p0 s8, $0x2;
	s10 =	simm.s32 @!p0 $0x5000;
	[sflag:s7] =	ssyncset.done @p0 $0x0  }
0xfd: {  	s8 =	sadd.s32 @!p0 $0x400, s6;
	[sflag:s7] =	ssyncadd.s32 @p0 $0xFFFFE800;
	s7 =	simm.s32 @!p0 $0x80  }
0xfe: {  	[tilespmem:s10], [sflag:$0x1] =	stream.indirect.gather @!p0 [spmem:s3], $0x30, s8, s7, $0xb8;
	[tilespmem:$0x1FD00] =	vst v63  }
0xff: {  	s8 =	simm.s32 @!p0 $0x5  }
0x100: {  	_ =	swait.ge @!p0 [sflag:s8], $0x1800  }
0x101: {  	[sflag:s8] =	ssyncset.done @!p0 $0x0  }
0x102: {  	s10 =	sadd.s32 @!p0 $0x2A00, s6;
	[sflag:s8] =	ssyncadd.s32 @!p0 $0xFFFFE800;
	s8 =	simm.s32 @!p0 $0xB000  }
0x103: {  	[spmem:s2] =	stream.indirect.scatter.add.f32 @!p0 [tilespmem:s8], [sflag:$0xD], $0x30, s10, s7, $0xb8;
	[tilespmem:$0x1FD00] =	vst v63  }
0x104: {  	s8 =	simm.s32 @!p0 $0xA  }
0x105: {  	_ =	swait.ge @!p0 [sflag:s8], $0x1800  }
0x106: {  	[sflag:s8] =	ssyncset.done @!p0 $0x0  }
0x107: {  	s10 =	sadd.s32 @!p0 $0x480, s6;
	[sflag:s8] =	ssyncadd.s32 @!p0 $0xFFFFE800;
	s8 =	simm.s32 @!p0 $0x6800  }
0x108: {  	[tilespmem:s8], [sflag:$0x2] =	stream.indirect.gather @!p0 [spmem:s3], $0x30, s10, s7, $0xb8;
	[tilespmem:$0x1FD00] =	vst v63  }
0x109: {  	_ =	swait.ge [sflag:s31], $0x1800  }
0x10a: {  	[sflag:s31] =	ssyncset.done $0x0  }
0x10b: {  	s24 =	sadd.s32 $0x2A80, s9;
	[sflag:s31] =	ssyncadd.s32 $0xFFFFE800  }
0x10c: {  	[spmem:s2] =	stream.indirect.scatter.add.f32 [tilespmem:s23], [sflag:$0xE], $0x30, s24, s15, $0xb8;
	[tilespmem:$0x1FD00] =	vst v63  }
0x10d: {  	_ =	swait.ge [sflag:s1], $0x1800  }
0x10e: {  	[sflag:s1] =	ssyncset.done $0x0  }
0x10f: {  	s8 =	simm.s32 @p0 $0x7;
	[sflag:s1] =	ssyncadd.s32 $0xFFFFE800  }
0x110: {  	_ =	swait.ge @p0 [sflag:s8], $0x1800  }
0x111: {  	[sflag:s8] =	ssyncset.done @p0 $0x0  }
0x112: {  	s5 =	sadd.s32 @p0 $0x2B00, s5;
	[sflag:s8] =	ssyncadd.s32 @p0 $0xFFFFE800;
	s8 =	simm.s32 @p0 $0xE000  }
0x113: {  	[spmem:s2] =	stream.indirect.scatter.add.f32 @p0 [tilespmem:s8], [sflag:$0xF], $0x30, s5, s4, $0xb8;
	[tilespmem:$0x1FD00] =	vst v63  }
0x114: {  	s4 =	simm.s32 @p0 $0xC  }
0x115: {  	_ =	swait.ge @p0 [sflag:s4], $0x1800  }
0x116: {  	[sflag:s4] =	ssyncset.done @p0 $0x0  }
0x117: {  	s5 =	sadd.s32 @!p0 $0x500, s6;
	[sflag:s4] =	ssyncadd.s32 @p0 $0xFFFFE800;
	s4 =	simm.s32 @!p0 $0x8000  }
0x118: {  	[tilespmem:s4], [sflag:$0x3] =	stream.indirect.gather @!p0 [spmem:s3], $0x30, s5, s7, $0xb8;
	[tilespmem:$0x1FD00] =	vst v63  }
0x119: {  	s4 =	simm.s32 @!p0 $0x7  }
0x11a: {  	_ =	swait.ge @!p0 [sflag:s4], $0x1800  }
0x11b: {  	[sflag:s4] =	ssyncset.done @!p0 $0x0  }
0x11c: {  	s5 =	sadd.s32 @!p0 $0x2B00, s6;
	[sflag:s4] =	ssyncadd.s32 @!p0 $0xFFFFE800;
	s4 =	simm.s32 @!p0 $0xE000  }
0x11d: {  	[spmem:s2] =	stream.indirect.scatter.add.f32 @!p0 [tilespmem:s4], [sflag:$0xF], $0x30, s5, s7, $0xb8;
	[tilespmem:$0x1FD00] =	vst v63  }
0x11e: {  	s4 =	simm.s32 @!p0 $0xC  }
0x11f: {  	_ =	swait.ge @!p0 [sflag:s4], $0x1800  }
0x120: {  	[sflag:s4] =	ssyncset.done @!p0 $0x0  }
0x121: {  	s5 =	sadd.s32 @!p0 $0x580, s6;
	[sflag:s4] =	ssyncadd.s32 @!p0 $0xFFFFE800;
	s4 =	simm.s32 @!p0 $0x9800  }
0x122: {  	[tilespmem:s4], [sflag:$0x4] =	stream.indirect.gather @!p0 [spmem:s3], $0x30, s5, s7, $0xb8;
	[tilespmem:$0x1FD00] =	vst v63  }
0x123: {  	_ =	swait.ge [sflag:s0], $0x1800  }
0x124: {  	[sflag:s0] =	ssyncset.done $0x0  }
0x125: {  	s11 =	simm.s32 $0xD;
	s10 =	sadd.s32 $0x2B80, s9;
	[sflag:s0] =	ssyncadd.s32 $0xFFFFE800  }
0x126: {  	[spmem:s2] =	stream.indirect.scatter.add.f32 [tilespmem:s28], [sflag:$0x10], $0x30, s10, s15, $0xb8;
	[tilespmem:$0x1FD00] =	vst v63  }
0x127: {  	_ =	swait.ge [sflag:s11], $0x1800  }
0x128: {  	[sflag:s11] =	ssyncset.done $0x0  }
0x129: {  	s12 =	simm.s32 $0xE;
	[sflag:s11] =	ssyncadd.s32 $0xFFFFE800  }
0x12a: {  	_ =	swait.ge [sflag:s12], $0x1800  }
0x12b: {  	[sflag:s12] =	ssyncset.done $0x0  }
0x12c: {  	s13 =	simm.s32 $0xF;
	[sflag:s12] =	ssyncadd.s32 $0xFFFFE800  }
0x12d: {  	_ =	swait.ge [sflag:s13], $0x1800  }
0x12e: {  	[sflag:s13] =	ssyncset.done $0x0  }
0x12f: {  	s14 =	simm.s32 $0x10;
	[sflag:s13] =	ssyncadd.s32 $0xFFFFE800  }
0x130: {  	_ =	swait.ge [sflag:s14], $0x1800  }
0x131: {  	[sflag:s14] =	ssyncset.done $0x0  }
0x132: {  	[sflag:s14] =	ssyncadd.s32 $0xFFFFE800  }
0x133: {  	[bflag:$0x0] =	sbarrier.arrive $0xFFFF  }
0x134: {  	s6 =	rddreg [dreg:$0x8]  }
0x135: {  	s5 =	rddreg [dreg:$0xd]  }
0x136: {  	s9 =	simm.s32 $0x11;
	s18 =	rddreg [dreg:$0xf]  }
0x137: {  	[hbm:s18], [sflag:s6] =	dma.local [spmem:s5], $0xED0  }
0x138: {  	_ =	swait.ge [sflag:s9], $0xED0  }
0x139: {  	s20 =	rddreg [dreg:$0x10]  }
0x13a: {  	s24 =	rddreg [dreg:$0xc];
	s7 =	sadd.s32 $0x1, s20  }
0x13b: {  	p0 =	sne.s32 s7, s24  }
.Ltmp1:
0x13c: {  	_ = 	snop;
	(pc) =	sbr.rel @p0 .LBB2_1-.Ltmp1, $3  }
0x13d: {  	_ =	sdelay $0x1  }
0x13e: {  	[sflag:s9] =	ssyncset.done $0x0  }
0x13f: {  	[sflag:s9] =	ssyncadd.s32 $0xFFFFF130  }
0x140: {  	_ =	sfence.sel $0x180000  }
0x141: {  	[bflag:$0x0] =	sbarrier.arrive $0xFFFF  }
0x142: {  	_ =	strace $0x90000047  }
0x143: {  	s0 =	stileid.u32;
	[bflag:$0x2] =	sbarrier.arrive $0xFFFF  }
0x144: {  	p0 =	sne.s32 s0, $0x0;
	s0 =	rddreg [dreg:$0x4]  }
0x145: {  	s0 =	sadd.s32 @!p0 $0x100000, s0  }
0x146: {  	[sflag:s0] =	ssyncadd.tile.s32 @!p0 $0x1;
	_ =	shalt  }
.Lfunc_end2:
_tile_overlayer_lowered:
.L_overlay_start_2:
0x147: {  	(tag) =	ssettag $0x2  }
0x148: {  	s0 =	rddreg [dreg:$0x0];
	s2 =	stileid.u32  }
0x149: {  	s1 =	rddreg [dreg:$0x1];
	p0 =	sne.s32 s2, $0x0  }
0x14a: {  	s3 =	rddreg [dreg:$0x2];
	[bflag:$0x3] =	sbarrier.arrive $0xFFFF;
	s2 =	simm.s32 @!p0 $0x1C11  }
0x14b: {  	[timem:s3], [sflag:s2] =	dma.local @!p0 [hbm:s0], s1  }
0x14c: {  	s0 =	simm.s32 @!p0 $0x11  }
0x14d: {  	_ =	swait.ge @!p0 [sflag:s0], s1  }
0x14e: {  	s1 =	ssub.s32 @!p0 $0x0, s1;
	[sflag:s0] =	ssyncset.done @!p0 $0x0  }
0x14f: {  	[sflag:s0] =	ssyncadd.s32 @!p0 s1  }
0x150: {  	[bflag:$0x3] =	sbarrier.arrive $0xFFFF  }
0x151: {  	_ =	shalt  }

</sc_bundles>
